<compile_context>
chip_gen: v7x
topology: tpu7x:2x2x1
jax: 0.10.2.dev20260603
libtpu: 0.0.44.dev20260713+nightly
codegen_flags: <defaults>
</compile_context>

<pallas_src>
import functools

import jax
import jax.numpy as jnp
from jax import lax
from jax.experimental import pallas as pl
from jax.experimental.pallas import tpu as pltpu
from jax.experimental.pallas import tpu_sc as plsc

NC = 2
NS = 16
CH = 128



def _edge_embed_body(ea_ref, w_ref, b_ref, o_ref):
    DE = w_ref.shape[0]
    for k in range(8):
        lhs = ea_ref[:, k * DE:(k + 1) * DE]
        o_ref[:, k, :] = (
            jnp.dot(lhs, w_ref[...], preferred_element_type=jnp.float32)
            + b_ref[...]
        )


def _edge_embed(ea8, w, b, blk8=1000):
    E8 = ea8.shape[0]
    DE = w.shape[0]
    D = w.shape[1]
    return pl.pallas_call(
        _edge_embed_body,
        grid=(E8 // blk8,),
        in_specs=[
            pl.BlockSpec((blk8, 8 * DE), lambda i: (i, 0)),
            pl.BlockSpec((DE, D), lambda i: (0, 0)),
            pl.BlockSpec((1, D), lambda i: (0, 0)),
        ],
        out_specs=pl.BlockSpec((blk8, 8, D), lambda i: (i, 0, 0)),
        out_shape=jax.ShapeDtypeStruct((E8, 8, D), jnp.float32),
    )(ea8, w, b.reshape(1, D))



@functools.lru_cache(maxsize=None)
def _make_sc_edge_kernel(N, D, E, NCH):
    EPW = E // NS
    Dh = D // NC
    RPT = ((N + NS - 1) // NS + 7) // 8 * 8
    LASTR = N - RPT * (NS - 1)
    NLSL = Dh // 16
    ACC_N = N + 8

    mesh = plsc.VectorSubcoreMesh(core_axis_name="c", subcore_axis_name="s")

    @functools.partial(
        pl.kernel,
        out_type=jax.ShapeDtypeStruct((NC, N, Dh), jnp.float32),
        mesh=mesh,
        compiler_params=pltpu.CompilerParams(use_tc_tiling_on_sc=False),
        scratch_types=[
            pltpu.VMEM((NCH, CH), jnp.int32),
            pltpu.VMEM((NCH, CH), jnp.int32),
            pltpu.VMEM((CH, D // NC), jnp.float32),
            pltpu.VMEM((CH, D // NC), jnp.float32),
            pltpu.VMEM((CH // 8, 8, D // NC), jnp.float32),
            pltpu.VMEM((CH // 8, 8, D // NC), jnp.float32),
            pltpu.VMEM((CH, D // NC), jnp.float32),
            pltpu.VMEM_SHARED((ACC_N, D // NC), jnp.float32),
            pltpu.SemaphoreType.DMA,
            pltpu.SemaphoreType.DMA,
            pltpu.SemaphoreType.DMA,
            pltpu.SemaphoreType.DMA,
        ],
    )
    def k(x_hbm, e_hbm, srcm_hbm, dstm_hbm, z_hbm, out_hbm,
          sidx, didx, xb0, xb1, eb0, eb1, mbuf, acc, g0, g1, e0sem, e1sem):
        c = lax.axis_index("c")
        s = lax.axis_index("s")
        cbase = c * Dh

        @pl.when(s < NS - 1)
        def _():
            pltpu.sync_copy(z_hbm.at[pl.ds(s * RPT, RPT)],
                            acc.at[pl.ds(s * RPT, RPT)])

        @pl.when(s == NS - 1)
        def _():
            pltpu.sync_copy(z_hbm.at[pl.ds((NS - 1) * RPT, LASTR)],
                            acc.at[pl.ds((NS - 1) * RPT, LASTR)])

        pltpu.sync_copy(srcm_hbm.at[s], sidx)
        pltpu.sync_copy(dstm_hbm.at[s], didx)
        plsc.subcore_barrier()

        def start_loads(j, xb, eb, gsem, esem):
            eoff = s * EPW + jnp.minimum(j * CH, EPW - CH)
            pltpu.async_copy(x_hbm.at[c].at[sidx.at[j]], xb, gsem)
            pltpu.async_copy(
                e_hbm.at[pl.ds(lax.div(eoff, 8), CH // 8), :,
                         pl.ds(cbase, Dh)], eb, esem)

        def process(j, xb, eb, gsem, esem):
            pltpu.make_async_copy(x_hbm.at[c].at[pl.ds(0, CH)], xb, gsem).wait()
            pltpu.make_async_copy(
                e_hbm.at[pl.ds(0, CH // 8), :, pl.ds(0, Dh)], eb, esem).wait()

            @pl.loop(0, CH)
            def _row(r):
                r8 = lax.div(r, 8)
                k8 = lax.rem(r, 8)
                for t in range(NLSL):
                    sl = pl.ds(t * 16, 16)
                    mbuf[r, sl] = jnp.maximum(xb[r, sl] + eb[r8, k8, sl], 0.0)

            @pl.when(j + 2 < NCH)
            def _():
                start_loads(j + 2, xb, eb, gsem, esem)

            pltpu.sync_copy(mbuf, acc.at[didx.at[j]], add=True)

        start_loads(0, xb0, eb0, g0, e0sem)
        if NCH > 1:
            start_loads(1, xb1, eb1, g1, e1sem)

        @pl.loop(0, NCH - (NCH % 2), step=2)
        def _chunkpair(j):
            process(j, xb0, eb0, g0, e0sem)
            process(j + 1, xb1, eb1, g1, e1sem)

        if NCH % 2:
            process(NCH - 1, xb0, eb0, g0, e0sem)

        plsc.subcore_barrier()

        @pl.when(s < NS - 1)
        def _():
            pltpu.sync_copy(acc.at[pl.ds(s * RPT, RPT)],
                            out_hbm.at[c, pl.ds(s * RPT, RPT)])

        @pl.when(s == NS - 1)
        def _():
            pltpu.sync_copy(acc.at[pl.ds((NS - 1) * RPT, LASTR)],
                            out_hbm.at[c, pl.ds((NS - 1) * RPT, LASTR)])

    return k


def _sc_edge_stage(x2, e, src_m, dst_m, zeros_acc):
    _, N, Dh = x2.shape
    k = _make_sc_edge_kernel(N, Dh * NC, e.shape[0] * 8, src_m.shape[1])
    return k(x2, e, src_m, dst_m, zeros_acc)



def _bn(h, g, b):
    mu = jnp.mean(h, axis=0, keepdims=True)
    var = jnp.mean((h - mu) ** 2, axis=0, keepdims=True)
    return (h - mu) * lax.rsqrt(var + 1e-5) * g + b


def _leaky(h):
    return jnp.where(h >= 0.0, h, 0.01 * h)


def _node0_body(x_ref, p_ref, w1_ref, b1_ref, g1_ref, be1_ref, w2_ref, b2_ref,
                og_ref, ob_ref, eps_ref, o_ref):
    dh = o_ref.shape[2]
    aggr = jnp.concatenate([p_ref[0], p_ref[1]], axis=1)
    z = (1.0 + eps_ref[0, 0]) * x_ref[...] + aggr
    h = jnp.dot(z, w1_ref[...], preferred_element_type=jnp.float32) + b1_ref[...]
    h = _leaky(_bn(h, g1_ref[...], be1_ref[...]))
    h = jnp.dot(h, w2_ref[...], preferred_element_type=jnp.float32) + b2_ref[...]
    h = _leaky(_bn(h, og_ref[...], ob_ref[...]))
    o_ref[0] = h[:, :dh]
    o_ref[1] = h[:, dh:]


def _node0(x, parts, w1, b1, g1, be1, w2, b2, og, ob, eps):
    N, D = x.shape
    H = w1.shape[1]
    r = lambda v: v.reshape(1, -1)
    return pl.pallas_call(
        _node0_body,
        out_shape=jax.ShapeDtypeStruct((NC, N, H // NC), jnp.float32),
    )(x, parts, w1, r(b1), r(g1), r(be1), w2, r(b2), r(og), r(ob),
      eps.reshape(1, 1))


def _node1_body(x_ref, p_ref, w1_ref, b1_ref, g1_ref, be1_ref, w2_ref, b2_ref,
                wf_ref, bf_ref, eps_ref, o_ref):
    x = jnp.concatenate([x_ref[0], x_ref[1]], axis=1)
    aggr = jnp.concatenate([p_ref[0], p_ref[1]], axis=1)
    z = (1.0 + eps_ref[0, 0]) * x + aggr
    h = jnp.dot(z, w1_ref[...], preferred_element_type=jnp.float32) + b1_ref[...]
    h = _leaky(_bn(h, g1_ref[...], be1_ref[...]))
    h = jnp.dot(h, w2_ref[...], preferred_element_type=jnp.float32) + b2_ref[...]
    logits = (jnp.dot(h, wf_ref[...], preferred_element_type=jnp.float32)
              + bf_ref[...])
    m = jnp.max(logits, axis=1, keepdims=True)
    ex = jnp.exp(logits - m)
    o_ref[...] = ex / jnp.sum(ex, axis=1, keepdims=True)


def _node1(h2, parts, w1, b1, g1, be1, w2, b2, wf_pad, bf_pad, eps):
    N = h2.shape[1]
    r = lambda v: v.reshape(1, -1)
    return pl.pallas_call(
        _node1_body,
        out_shape=jax.ShapeDtypeStruct((N, wf_pad.shape[1]), jnp.float32),
    )(h2, parts, w1, r(b1), r(g1), r(be1), w2, r(b2), wf_pad, r(bf_pad),
      eps.reshape(1, 1))



def kernel(x, edge_index, edge_attr, le0_W, le0_b, eps0, W1_0, b1_0, g1_0,
           be1_0, W2_0, b2_0, og_0, ob_0, le1_W, le1_b, eps1, W1_1, b1_1,
           g1_1, be1_1, W2_1, b2_1, og_1, ob_1, Wf, bf):
    N, D = x.shape
    E = edge_index.shape[1]
    C = Wf.shape[1]
    Dh = D // NC

    src = edge_index[0]
    dst = edge_index[1]
    EPW = E // NS
    NCF = EPW // CH
    NCH = NCF + (1 if EPW % CH else 0)
    srcw = src.reshape(NS, EPW)
    dstw = dst.reshape(NS, EPW)
    parts_s = [srcw[:, :NCF * CH].reshape(NS, NCF, CH)]
    parts_d = [dstw[:, :NCF * CH].reshape(NS, NCF, CH)]
    if EPW % CH:
        dup = NCH * CH - EPW
        parts_s.append(srcw[:, EPW - CH:].reshape(NS, 1, CH))
        dst_last = jnp.where(jnp.arange(CH) < dup, N, dstw[:, EPW - CH:])
        parts_d.append(dst_last.reshape(NS, 1, CH))
    src_m = jnp.concatenate(parts_s, axis=1) if len(parts_s) > 1 else parts_s[0]
    dst_m = jnp.concatenate(parts_d, axis=1) if len(parts_d) > 1 else parts_d[0]

    zeros_acc = jnp.zeros((N, Dh), jnp.float32)
    x2 = jnp.stack([x[:, :Dh], x[:, Dh:]])

    wf_pad = jnp.zeros((Wf.shape[0], 128), jnp.float32).at[:, :C].set(Wf)
    bf_pad = jnp.full((128,), -1e30, jnp.float32).at[:C].set(bf)

    ea8 = edge_attr.reshape(E // 8, 8 * edge_attr.shape[1])
    e0 = _edge_embed(ea8, le0_W, le0_b)
    e1 = _edge_embed(ea8, le1_W, le1_b)

    parts0 = _sc_edge_stage(x2, e0, src_m, dst_m, zeros_acc)
    h2 = _node0(x, parts0, W1_0, b1_0, g1_0, be1_0, W2_0, b2_0, og_0, ob_0,
                eps0)
    parts1 = _sc_edge_stage(h2, e1, src_m, dst_m, zeros_acc)
    probs = _node1(h2, parts1, W1_1, b1_1, g1_1, be1_1, W2_1, b2_1, wf_pad,
                   bf_pad, eps1)
    return probs[:, :C]

# --- scband reference (transcript-rebuilt; emitter-appended) ---
"""Pipeline reference for scband-m1-19164144074967 (READ-ONLY COPY).

The authoritative reference and input builder live on the scoring server;
editing this copy changes nothing except your own understanding.
"""

import jax, jax.numpy as jnp
import numpy as np

N = 10000
E = 320000
D = 128
DE = 16
H = 128
C = 10

def setup_inputs(seed: int = 0):
    key = jax.random.key(seed)
    ks = jax.random.split(key, 40)
    inp = {}
    inp["x"] = jax.random.normal(ks[0], (N, D), dtype=jnp.float32)
    inp["edge_index"] = jax.random.randint(ks[1], (2, E), 0, N, dtype=jnp.int32)
    inp["edge_attr"] = jax.random.normal(ks[2], (E, DE), dtype=jnp.float32)
    k = 3
    for l, in_c in enumerate([D, H]):
        inp[f"le{l}_W"] = jax.random.normal(ks[k], (DE, in_c), dtype=jnp.float32) * 0.05; k += 1
        inp[f"le{l}_b"] = jnp.zeros((in_c,), dtype=jnp.float32)
        inp[f"eps{l}"] = jnp.zeros((), dtype=jnp.float32)
        inp[f"W1_{l}"] = jax.random.normal(ks[k], (in_c, H), dtype=jnp.float32) * 0.05; k += 1
        inp[f"b1_{l}"] = jnp.zeros((H,), dtype=jnp.float32)
        inp[f"g1_{l}"] = jnp.ones((H,), dtype=jnp.float32)
        inp[f"be1_{l}"] = jnp.zeros((H,), dtype=jnp.float32)
        inp[f"W2_{l}"] = jax.random.normal(ks[k], (H, H), dtype=jnp.float32) * 0.05; k += 1
        inp[f"b2_{l}"] = jnp.zeros((H,), dtype=jnp.float32)
        inp[f"og_{l}"] = jnp.ones((H,), dtype=jnp.float32)
        inp[f"ob_{l}"] = jnp.zeros((H,), dtype=jnp.float32)
    inp["Wf"] = jax.random.normal(ks[k], (H, C), dtype=jnp.float32) * 0.05
    inp["bf"] = jnp.zeros((C,), dtype=jnp.float32)
    return inp

def _bn(h, g, b):
    mu = jnp.mean(h, axis=0)
    var = jnp.var(h, axis=0)
    return (h - mu) / jnp.sqrt(var + 1e-5) * g + b

def _gine(x, src, dst, ea, leW, leb, eps, W1, b1, g1, be1, W2, b2):
    e = ea @ leW + leb
    msg = jax.nn.relu(x[src] + e)
    aggr = jax.ops.segment_sum(msg, dst, num_segments=x.shape[0])
    h = (1.0 + eps) * x + aggr
    h = h @ W1 + b1
    h = _bn(h, g1, be1)
    h = jax.nn.leaky_relu(h, 0.01)
    h = h @ W2 + b2
    return h

def reference(x, edge_index, edge_attr, le0_W, le0_b, eps0, W1_0, b1_0, g1_0, be1_0, W2_0, b2_0, og_0, ob_0, le1_W, le1_b, eps1, W1_1, b1_1, g1_1, be1_1, W2_1, b2_1, og_1, ob_1, Wf, bf):
    src = edge_index[0]
    dst = edge_index[1]
    h = _gine(x, src, dst, edge_attr, le0_W, le0_b, eps0, W1_0, b1_0, g1_0, be1_0, W2_0, b2_0)
    h = _bn(h, og_0, ob_0)
    h = jax.nn.leaky_relu(h, 0.01)
    h = _gine(h, src, dst, edge_attr, le1_W, le1_b, eps1, W1_1, b1_1, g1_1, be1_1, W2_1, b2_1)
    logits = h @ Wf + bf
    return jax.nn.softmax(logits, axis=1)

if __name__ == "__main__":
    import jax
    _d = setup_inputs()
    print(jax.jit(kernel)(*tuple(_d.values())))

</pallas_src>

<mosaic_0001>
#map = affine_map<(d0, d1) -> (0, 0, 0)>
#map1 = affine_map<(d0, d1) -> (0, 0)>
module attributes {stable_mosaic.version = 14 : i64} {
  func.func @k(%arg0: i32, %arg1: i32, %arg2: memref<2x10000x64xf32, #tpu.memory_space<hbm>>, %arg3: memref<40000x8x128xf32, #tpu.memory_space<hbm>>, %arg4: memref<16x157x128xi32, #tpu.memory_space<hbm>>, %arg5: memref<16x157x128xi32, #tpu.memory_space<hbm>>, %arg6: memref<10000x64xf32, #tpu.memory_space<hbm>>, %arg7: memref<2x10000x64xf32, #tpu.memory_space<hbm>>, %arg8: memref<157x128xi32, #tpu.memory_space<vmem>>, %arg9: memref<157x128xi32, #tpu.memory_space<vmem>>, %arg10: memref<128x64xf32, #tpu.memory_space<vmem>>, %arg11: memref<128x64xf32, #tpu.memory_space<vmem>>, %arg12: memref<16x8x64xf32, #tpu.memory_space<vmem>>, %arg13: memref<16x8x64xf32, #tpu.memory_space<vmem>>, %arg14: memref<128x64xf32, #tpu.memory_space<vmem>>, %arg15: memref<10008x64xf32, #tpu.memory_space<vmem_shared>>, %arg16: memref<!tpu.dma_semaphore, #tpu.memory_space<semaphore_mem>>, %arg17: memref<!tpu.dma_semaphore, #tpu.memory_space<semaphore_mem>>, %arg18: memref<!tpu.dma_semaphore, #tpu.memory_space<semaphore_mem>>, %arg19: memref<!tpu.dma_semaphore, #tpu.memory_space<semaphore_mem>>) attributes {dimension_semantics = [#tpu.dimension_semantics<core_parallel>, #tpu.dimension_semantics<subcore_parallel>], iteration_bounds = array<i64: 2, 16>, scalar_prefetch = 0 : i64, scratch_operands = 12 : i64, tpu.core_type = #tpu.core_type<sc_vector_subcore>, window_params = [{transform_indices = #map}, {transform_indices = #map}, {transform_indices = #map}, {transform_indices = #map}, {transform_indices = #map1}, {transform_indices = #map}]} {
    %mul3A = arith.constant 64 : i32
    %mul3A_0 = arith.muli %arg0, %mul3A : i32
    %lt3A = arith.constant 15 : i32
    %lt3A_1 = arith.cmpi slt, %arg1, %lt3A : i32
    %convert_element_type3A = arith.extui %lt3A_1 : i1 to i32
    %cond3A = arith.constant 0 : i32
    %cond3A_2 = arith.cmpi ne, %convert_element_type3A, %cond3A : i32
    scf.if %cond3A_2 {
      %mul3A_90 = arith.constant 632 : i32
      %mul3A_91 = arith.muli %arg1, %mul3A_90 : i32
      %mul3A_92 = arith.constant 632 : i32
      %mul3A_93 = arith.muli %arg1, %mul3A_92 : i32
      "tpu.region"() ({
        %run_scoped3A_94 = tpu.sem_alloc : memref<!tpu.dma_semaphore, #tpu.memory_space<semaphore_mem>>
        %dma_start3A_95 = arith.constant 0 : i32
        %dma_start3A_96 = tpu.memref_slice %arg15[%mul3A_93, %dma_start3A_95] : memref<10008x64xf32, #tpu.memory_space<vmem_shared>> -> memref<632x64xf32, #tpu.memory_space<vmem_shared>>
        %dma_start3A_97 = arith.constant 0 : i32
        %dma_start3A_98 = tpu.memref_slice %arg6[%mul3A_91, %dma_start3A_97] : memref<10000x64xf32, #tpu.memory_space<hbm>> -> memref<632x64xf32, #tpu.memory_space<hbm>>
        tpu.enqueue_dma source(%dma_start3A_98 : memref<632x64xf32, #tpu.memory_space<hbm>>) target(%dma_start3A_96 : memref<632x64xf32, #tpu.memory_space<vmem_shared>>) target_semaphore(%run_scoped3A_94 : memref<!tpu.dma_semaphore, #tpu.memory_space<semaphore_mem>>)
        %dma_wait3A_99 = arith.constant 0 : i32
        %dma_wait3A_100 = tpu.memref_slice %arg15[%mul3A_93, %dma_wait3A_99] : memref<10008x64xf32, #tpu.memory_space<vmem_shared>> -> memref<632x64xf32, #tpu.memory_space<vmem_shared>>
        %dma_wait3A_101 = arith.constant 0 : i32
        %dma_wait3A_102 = tpu.memref_slice %arg6[%mul3A_91, %dma_wait3A_101] : memref<10000x64xf32, #tpu.memory_space<hbm>> -> memref<632x64xf32, #tpu.memory_space<hbm>>
        tpu.wait_dma2 semaphore(%run_scoped3A_94 : memref<!tpu.dma_semaphore, #tpu.memory_space<semaphore_mem>>) src(%dma_wait3A_102 : memref<632x64xf32, #tpu.memory_space<hbm>>) dst(%dma_wait3A_100 : memref<632x64xf32, #tpu.memory_space<vmem_shared>>)
        tpu.yield
      }) : () -> ()
    } else {
    }
    %eq3A = arith.constant 15 : i32
    %eq3A_3 = arith.cmpi eq, %arg1, %eq3A : i32
    %convert_element_type3A_4 = arith.extui %eq3A_3 : i1 to i32
    %cond3A_5 = arith.constant 0 : i32
    %cond3A_6 = arith.cmpi ne, %convert_element_type3A_4, %cond3A_5 : i32
    scf.if %cond3A_6 {
      "tpu.region"() ({
        %run_scoped3A_90 = tpu.sem_alloc : memref<!tpu.dma_semaphore, #tpu.memory_space<semaphore_mem>>
        %dma_start3A_91 = arith.constant 9480 : i32
        %dma_start3A_92 = arith.constant 0 : i32
        %dma_start3A_93 = tpu.memref_slice %arg15[%dma_start3A_91, %dma_start3A_92] : memref<10008x64xf32, #tpu.memory_space<vmem_shared>> -> memref<520x64xf32, #tpu.memory_space<vmem_shared>>
        %dma_start3A_94 = arith.constant 9480 : i32
        %dma_start3A_95 = arith.constant 0 : i32
        %dma_start3A_96 = tpu.memref_slice %arg6[%dma_start3A_94, %dma_start3A_95] : memref<10000x64xf32, #tpu.memory_space<hbm>> -> memref<520x64xf32, #tpu.memory_space<hbm>>
        tpu.enqueue_dma source(%dma_start3A_96 : memref<520x64xf32, #tpu.memory_space<hbm>>) target(%dma_start3A_93 : memref<520x64xf32, #tpu.memory_space<vmem_shared>>) target_semaphore(%run_scoped3A_90 : memref<!tpu.dma_semaphore, #tpu.memory_space<semaphore_mem>>)
        %dma_wait3A_97 = arith.constant 9480 : i32
        %dma_wait3A_98 = arith.constant 0 : i32
        %dma_wait3A_99 = tpu.memref_slice %arg15[%dma_wait3A_97, %dma_wait3A_98] : memref<10008x64xf32, #tpu.memory_space<vmem_shared>> -> memref<520x64xf32, #tpu.memory_space<vmem_shared>>
        %dma_wait3A_100 = arith.constant 9480 : i32
        %dma_wait3A_101 = arith.constant 0 : i32
        %dma_wait3A_102 = tpu.memref_slice %arg6[%dma_wait3A_100, %dma_wait3A_101] : memref<10000x64xf32, #tpu.memory_space<hbm>> -> memref<520x64xf32, #tpu.memory_space<hbm>>
        tpu.wait_dma2 semaphore(%run_scoped3A_90 : memref<!tpu.dma_semaphore, #tpu.memory_space<semaphore_mem>>) src(%dma_wait3A_102 : memref<520x64xf32, #tpu.memory_space<hbm>>) dst(%dma_wait3A_99 : memref<520x64xf32, #tpu.memory_space<vmem_shared>>)
        tpu.yield
      }) : () -> ()
    } else {
    }
    "tpu.region"() ({
      %run_scoped3A_90 = tpu.sem_alloc : memref<!tpu.dma_semaphore, #tpu.memory_space<semaphore_mem>>
      %dma_start3A_91 = arith.constant 0 : i32
      %dma_start3A_92 = arith.constant 0 : i32
      %dma_start3A_93 = tpu.memref_slice %arg4[%arg1, %dma_start3A_91, %dma_start3A_92] : memref<16x157x128xi32, #tpu.memory_space<hbm>> -> memref<1x157x128xi32, #tpu.memory_space<hbm>>
      %dma_start3A_94 = tpu.memref_squeeze %dma_start3A_93 : memref<1x157x128xi32, #tpu.memory_space<hbm>> -> memref<157x128xi32, #tpu.memory_space<hbm>>
      %dma_start3A_95 = arith.constant 0 : i32
      %dma_start3A_96 = arith.constant 0 : i32
      %dma_start3A_97 = tpu.memref_slice %arg4[%arg1, %dma_start3A_95, %dma_start3A_96] : memref<16x157x128xi32, #tpu.memory_space<hbm>> -> memref<1x157x128xi32, #tpu.memory_space<hbm>>
      %dma_start3A_98 = tpu.memref_squeeze %dma_start3A_97 : memref<1x157x128xi32, #tpu.memory_space<hbm>> -> memref<157x128xi32, #tpu.memory_space<hbm>>
      tpu.enqueue_dma source(%dma_start3A_98 : memref<157x128xi32, #tpu.memory_space<hbm>>) target(%arg8 : memref<157x128xi32, #tpu.memory_space<vmem>>) target_semaphore(%run_scoped3A_90 : memref<!tpu.dma_semaphore, #tpu.memory_space<semaphore_mem>>)
      %dma_wait3A_99 = arith.constant 0 : i32
      %dma_wait3A_100 = arith.constant 0 : i32
      %dma_wait3A_101 = tpu.memref_slice %arg4[%arg1, %dma_wait3A_99, %dma_wait3A_100] : memref<16x157x128xi32, #tpu.memory_space<hbm>> -> memref<1x157x128xi32, #tpu.memory_space<hbm>>
      %dma_wait3A_102 = tpu.memref_squeeze %dma_wait3A_101 : memref<1x157x128xi32, #tpu.memory_space<hbm>> -> memref<157x128xi32, #tpu.memory_space<hbm>>
      %dma_wait3A_103 = arith.constant 0 : i32
      %dma_wait3A_104 = arith.constant 0 : i32
      %dma_wait3A_105 = tpu.memref_slice %arg4[%arg1, %dma_wait3A_103, %dma_wait3A_104] : memref<16x157x128xi32, #tpu.memory_space<hbm>> -> memref<1x157x128xi32, #tpu.memory_space<hbm>>
      %dma_wait3A_106 = tpu.memref_squeeze %dma_wait3A_105 : memref<1x157x128xi32, #tpu.memory_space<hbm>> -> memref<157x128xi32, #tpu.memory_space<hbm>>
      tpu.wait_dma2 semaphore(%run_scoped3A_90 : memref<!tpu.dma_semaphore, #tpu.memory_space<semaphore_mem>>) src(%dma_wait3A_106 : memref<157x128xi32, #tpu.memory_space<hbm>>) dst(%arg8 : memref<157x128xi32, #tpu.memory_space<vmem>>)
      tpu.yield
    }) : () -> ()
    "tpu.region"() ({
      %run_scoped3A_90 = tpu.sem_alloc : memref<!tpu.dma_semaphore, #tpu.memory_space<semaphore_mem>>
      %dma_start3A_91 = arith.constant 0 : i32
      %dma_start3A_92 = arith.constant 0 : i32
      %dma_start3A_93 = tpu.memref_slice %arg5[%arg1, %dma_start3A_91, %dma_start3A_92] : memref<16x157x128xi32, #tpu.memory_space<hbm>> -> memref<1x157x128xi32, #tpu.memory_space<hbm>>
      %dma_start3A_94 = tpu.memref_squeeze %dma_start3A_93 : memref<1x157x128xi32, #tpu.memory_space<hbm>> -> memref<157x128xi32, #tpu.memory_space<hbm>>
      %dma_start3A_95 = arith.constant 0 : i32
      %dma_start3A_96 = arith.constant 0 : i32
      %dma_start3A_97 = tpu.memref_slice %arg5[%arg1, %dma_start3A_95, %dma_start3A_96] : memref<16x157x128xi32, #tpu.memory_space<hbm>> -> memref<1x157x128xi32, #tpu.memory_space<hbm>>
      %dma_start3A_98 = tpu.memref_squeeze %dma_start3A_97 : memref<1x157x128xi32, #tpu.memory_space<hbm>> -> memref<157x128xi32, #tpu.memory_space<hbm>>
      tpu.enqueue_dma source(%dma_start3A_98 : memref<157x128xi32, #tpu.memory_space<hbm>>) target(%arg9 : memref<157x128xi32, #tpu.memory_space<vmem>>) target_semaphore(%run_scoped3A_90 : memref<!tpu.dma_semaphore, #tpu.memory_space<semaphore_mem>>)
      %dma_wait3A_99 = arith.constant 0 : i32
      %dma_wait3A_100 = arith.constant 0 : i32
      %dma_wait3A_101 = tpu.memref_slice %arg5[%arg1, %dma_wait3A_99, %dma_wait3A_100] : memref<16x157x128xi32, #tpu.memory_space<hbm>> -> memref<1x157x128xi32, #tpu.memory_space<hbm>>
      %dma_wait3A_102 = tpu.memref_squeeze %dma_wait3A_101 : memref<1x157x128xi32, #tpu.memory_space<hbm>> -> memref<157x128xi32, #tpu.memory_space<hbm>>
      %dma_wait3A_103 = arith.constant 0 : i32
      %dma_wait3A_104 = arith.constant 0 : i32
      %dma_wait3A_105 = tpu.memref_slice %arg5[%arg1, %dma_wait3A_103, %dma_wait3A_104] : memref<16x157x128xi32, #tpu.memory_space<hbm>> -> memref<1x157x128xi32, #tpu.memory_space<hbm>>
      %dma_wait3A_106 = tpu.memref_squeeze %dma_wait3A_105 : memref<1x157x128xi32, #tpu.memory_space<hbm>> -> memref<157x128xi32, #tpu.memory_space<hbm>>
      tpu.wait_dma2 semaphore(%run_scoped3A_90 : memref<!tpu.dma_semaphore, #tpu.memory_space<semaphore_mem>>) src(%dma_wait3A_106 : memref<157x128xi32, #tpu.memory_space<hbm>>) dst(%arg9 : memref<157x128xi32, #tpu.memory_space<vmem>>)
      tpu.yield
    }) : () -> ()
    %barrier3A = arith.constant 0 : index
    tpu.barrier barrier_id(%barrier3A)
    %mul3A_7 = arith.constant 20000 : i32
    %mul3A_8 = arith.muli %arg1, %mul3A_7 : i32
    %min3A = arith.constant 0 : i32
    %min3A_9 = arith.constant 19872 : i32
    %min3A_10 = arith.minsi %min3A, %min3A_9 : i32
    %add3A = arith.addi %mul3A_8, %min3A_10 : i32
    %dma_start3A = arith.constant 0 : i32
    %dma_start3A_11 = arith.constant 0 : i32
    %dma_start3A_12 = tpu.memref_slice %arg8[%dma_start3A, %dma_start3A_11] : memref<157x128xi32, #tpu.memory_space<vmem>> -> memref<1x128xi32, #tpu.memory_space<vmem>>
    %dma_start3A_13 = tpu.memref_squeeze %dma_start3A_12 : memref<1x128xi32, #tpu.memory_space<vmem>> -> memref<128xi32, #tpu.memory_space<vmem>>
    %dma_start3A_14 = arith.constant 0 : i32
    %dma_start3A_15 = arith.constant 0 : i32
    %dma_start3A_16 = tpu.memref_slice %arg2[%arg0, %dma_start3A_14, %dma_start3A_15] : memref<2x10000x64xf32, #tpu.memory_space<hbm>> -> memref<1x10000x64xf32, #tpu.memory_space<hbm>>
    %dma_start3A_17 = tpu.memref_squeeze %dma_start3A_16 : memref<1x10000x64xf32, #tpu.memory_space<hbm>> -> memref<10000x64xf32, #tpu.memory_space<hbm>>
    %dma_start3A_18 = arith.constant 0 : i32
    %dma_start3A_19 = arith.constant 0 : i32
    %dma_start3A_20 = tpu.memref_slice %dma_start3A_17[%dma_start3A_18, %dma_start3A_19] : memref<10000x64xf32, #tpu.memory_space<hbm>> -> memref<10000x64xf32, #tpu.memory_space<hbm>>
    tpu.enqueue_indirect_dma source(%dma_start3A_20 : memref<10000x64xf32, #tpu.memory_space<hbm>>) target(%arg10 : memref<128x64xf32, #tpu.memory_space<vmem>>) offsets(%dma_start3A_13 : memref<128xi32, #tpu.memory_space<vmem>>) semaphore(%arg16 : memref<!tpu.dma_semaphore, #tpu.memory_space<semaphore_mem>>)
    %div3A = arith.constant 8 : i32
    %div3A_21 = arith.divsi %add3A, %div3A : i32
    %dma_start3A_22 = arith.constant 0 : i32
    %dma_start3A_23 = tpu.memref_slice %arg3[%div3A_21, %dma_start3A_22, %mul3A_0] : memref<40000x8x128xf32, #tpu.memory_space<hbm>> -> memref<16x8x64xf32, #tpu.memory_space<hbm>>
    %dma_start3A_24 = arith.constant 0 : i32
    %dma_start3A_25 = tpu.memref_slice %arg3[%div3A_21, %dma_start3A_24, %mul3A_0] : memref<40000x8x128xf32, #tpu.memory_space<hbm>> -> memref<16x8x64xf32, #tpu.memory_space<hbm>>
    tpu.enqueue_dma source(%dma_start3A_25 : memref<16x8x64xf32, #tpu.memory_space<hbm>>) target(%arg12 : memref<16x8x64xf32, #tpu.memory_space<vmem>>) target_semaphore(%arg18 : memref<!tpu.dma_semaphore, #tpu.memory_space<semaphore_mem>>)
    %mul3A_26 = arith.constant 20000 : i32
    %mul3A_27 = arith.muli %arg1, %mul3A_26 : i32
    %min3A_28 = arith.constant 128 : i32
    %min3A_29 = arith.constant 19872 : i32
    %min3A_30 = arith.minsi %min3A_28, %min3A_29 : i32
    %add3A_31 = arith.addi %mul3A_27, %min3A_30 : i32
    %dma_start3A_32 = arith.constant 1 : i32
    %dma_start3A_33 = arith.constant 0 : i32
    %dma_start3A_34 = tpu.memref_slice %arg8[%dma_start3A_32, %dma_start3A_33] : memref<157x128xi32, #tpu.memory_space<vmem>> -> memref<1x128xi32, #tpu.memory_space<vmem>>
    %dma_start3A_35 = tpu.memref_squeeze %dma_start3A_34 : memref<1x128xi32, #tpu.memory_space<vmem>> -> memref<128xi32, #tpu.memory_space<vmem>>
    %dma_start3A_36 = arith.constant 0 : i32
    %dma_start3A_37 = arith.constant 0 : i32
    %dma_start3A_38 = tpu.memref_slice %arg2[%arg0, %dma_start3A_36, %dma_start3A_37] : memref<2x10000x64xf32, #tpu.memory_space<hbm>> -> memref<1x10000x64xf32, #tpu.memory_space<hbm>>
    %dma_start3A_39 = tpu.memref_squeeze %dma_start3A_38 : memref<1x10000x64xf32, #tpu.memory_space<hbm>> -> memref<10000x64xf32, #tpu.memory_space<hbm>>
    %dma_start3A_40 = arith.constant 0 : i32
    %dma_start3A_41 = arith.constant 0 : i32
    %dma_start3A_42 = tpu.memref_slice %dma_start3A_39[%dma_start3A_40, %dma_start3A_41] : memref<10000x64xf32, #tpu.memory_space<hbm>> -> memref<10000x64xf32, #tpu.memory_space<hbm>>
    tpu.enqueue_indirect_dma source(%dma_start3A_42 : memref<10000x64xf32, #tpu.memory_space<hbm>>) target(%arg11 : memref<128x64xf32, #tpu.memory_space<vmem>>) offsets(%dma_start3A_35 : memref<128xi32, #tpu.memory_space<vmem>>) semaphore(%arg17 : memref<!tpu.dma_semaphore, #tpu.memory_space<semaphore_mem>>)
    %div3A_43 = arith.constant 8 : i32
    %div3A_44 = arith.divsi %add3A_31, %div3A_43 : i32
    %dma_start3A_45 = arith.constant 0 : i32
    %dma_start3A_46 = tpu.memref_slice %arg3[%div3A_44, %dma_start3A_45, %mul3A_0] : memref<40000x8x128xf32, #tpu.memory_space<hbm>> -> memref<16x8x64xf32, #tpu.memory_space<hbm>>
    %dma_start3A_47 = arith.constant 0 : i32
    %dma_start3A_48 = tpu.memref_slice %arg3[%div3A_44, %dma_start3A_47, %mul3A_0] : memref<40000x8x128xf32, #tpu.memory_space<hbm>> -> memref<16x8x64xf32, #tpu.memory_space<hbm>>
    tpu.enqueue_dma source(%dma_start3A_48 : memref<16x8x64xf32, #tpu.memory_space<hbm>>) target(%arg13 : memref<16x8x64xf32, #tpu.memory_space<vmem>>) target_semaphore(%arg19 : memref<!tpu.dma_semaphore, #tpu.memory_space<semaphore_mem>>)
    %scan3A = arith.constant 0 : i32
    %scan3A_49 = arith.constant 78 : i32
    %scan3A_50 = arith.addi %scan3A, %scan3A_49 : i32
    %scan3A_51 = arith.constant 1 : i32
    scf.for %scan3A_90 = %scan3A to %scan3A_50 step %scan3A_51  : i32 {
      %mul3A_91 = arith.constant 2 : i32
      %mul3A_92 = arith.muli %scan3A_90, %mul3A_91 : i32
      %add3A_93 = arith.constant 0 : i32
      %add3A_94 = arith.addi %add3A_93, %mul3A_92 : i32
      %dma_wait3A_95 = arith.constant 0 : i32
      %dma_wait3A_96 = arith.constant 0 : i32
      %dma_wait3A_97 = tpu.memref_slice %arg2[%arg0, %dma_wait3A_95, %dma_wait3A_96] : memref<2x10000x64xf32, #tpu.memory_space<hbm>> -> memref<1x10000x64xf32, #tpu.memory_space<hbm>>
      %dma_wait3A_98 = tpu.memref_squeeze %dma_wait3A_97 : memref<1x10000x64xf32, #tpu.memory_space<hbm>> -> memref<10000x64xf32, #tpu.memory_space<hbm>>
      %dma_wait3A_99 = arith.constant 0 : i32
      %dma_wait3A_100 = arith.constant 0 : i32
      %dma_wait3A_101 = tpu.memref_slice %dma_wait3A_98[%dma_wait3A_99, %dma_wait3A_100] : memref<10000x64xf32, #tpu.memory_space<hbm>> -> memref<128x64xf32, #tpu.memory_space<hbm>>
      %dma_wait3A_102 = arith.constant 0 : i32
      %dma_wait3A_103 = arith.constant 0 : i32
      %dma_wait3A_104 = tpu.memref_slice %arg2[%arg0, %dma_wait3A_102, %dma_wait3A_103] : memref<2x10000x64xf32, #tpu.memory_space<hbm>> -> memref<1x10000x64xf32, #tpu.memory_space<hbm>>
      %dma_wait3A_105 = tpu.memref_squeeze %dma_wait3A_104 : memref<1x10000x64xf32, #tpu.memory_space<hbm>> -> memref<10000x64xf32, #tpu.memory_space<hbm>>
      %dma_wait3A_106 = arith.constant 0 : i32
      %dma_wait3A_107 = arith.constant 0 : i32
      %dma_wait3A_108 = tpu.memref_slice %dma_wait3A_105[%dma_wait3A_106, %dma_wait3A_107] : memref<10000x64xf32, #tpu.memory_space<hbm>> -> memref<128x64xf32, #tpu.memory_space<hbm>>
      tpu.wait_dma2 semaphore(%arg16 : memref<!tpu.dma_semaphore, #tpu.memory_space<semaphore_mem>>) src(%dma_wait3A_108 : memref<128x64xf32, #tpu.memory_space<hbm>>) dst(%arg10 : memref<128x64xf32, #tpu.memory_space<vmem>>)
      %dma_wait3A_109 = arith.constant 0 : i32
      %dma_wait3A_110 = arith.constant 0 : i32
      %dma_wait3A_111 = arith.constant 0 : i32
      %dma_wait3A_112 = tpu.memref_slice %arg3[%dma_wait3A_109, %dma_wait3A_110, %dma_wait3A_111] : memref<40000x8x128xf32, #tpu.memory_space<hbm>> -> memref<16x8x64xf32, #tpu.memory_space<hbm>>
      %dma_wait3A_113 = arith.constant 0 : i32
      %dma_wait3A_114 = arith.constant 0 : i32
      %dma_wait3A_115 = arith.constant 0 : i32
      %dma_wait3A_116 = tpu.memref_slice %arg3[%dma_wait3A_113, %dma_wait3A_114, %dma_wait3A_115] : memref<40000x8x128xf32, #tpu.memory_space<hbm>> -> memref<16x8x64xf32, #tpu.memory_space<hbm>>
      tpu.wait_dma2 semaphore(%arg18 : memref<!tpu.dma_semaphore, #tpu.memory_space<semaphore_mem>>) src(%dma_wait3A_116 : memref<16x8x64xf32, #tpu.memory_space<hbm>>) dst(%arg12 : memref<16x8x64xf32, #tpu.memory_space<vmem>>)
      %scan3A_117 = arith.constant 0 : i32
      %scan3A_118 = arith.constant 128 : i32
      %scan3A_119 = arith.addi %scan3A_117, %scan3A_118 : i32
      %scan3A_120 = arith.constant 1 : i32
      scf.for %scan3A_165 = %scan3A_117 to %scan3A_119 step %scan3A_120  : i32 {
        %mul3A_166 = arith.constant 1 : i32
        %mul3A_167 = arith.muli %scan3A_165, %mul3A_166 : i32
        %add3A_168 = arith.constant 0 : i32
        %add3A_169 = arith.addi %add3A_168, %mul3A_167 : i32
        %div3A_170 = arith.constant 8 : i32
        %div3A_171 = arith.divsi %add3A_169, %div3A_170 : i32
        %rem3A = arith.constant 8 : i32
        %rem3A_172 = arith.remsi %add3A_169, %rem3A : i32
        %get3A = arith.index_cast %add3A_169 : i32 to index
        %get3A_173 = arith.constant 0 : index
        %get3A_174 = tpu.vector_load %arg10[%get3A, %get3A_173] {strides = array<i32>} : memref<128x64xf32, #tpu.memory_space<vmem>>, vector<1x16xf32>,
        %get3A_175 = vector.shape_cast %get3A_174 : vector<1x16xf32> to vector<16xf32>
        %get3A_176 = arith.index_cast %div3A_171 : i32 to index
        %get3A_177 = arith.index_cast %rem3A_172 : i32 to index
        %get3A_178 = arith.constant 0 : index
        %get3A_179 = tpu.vector_load %arg12[%get3A_176, %get3A_177, %get3A_178] {strides = array<i32>} : memref<16x8x64xf32, #tpu.memory_space<vmem>>, vector<1x1x16xf32>,
        %get3A_180 = vector.shape_cast %get3A_179 : vector<1x1x16xf32> to vector<16xf32>
        %add3A_181 = arith.addf %get3A_175, %get3A_180 : vector<16xf32>
        %max3A = arith.constant 0.000000e+00 : f32
        %max3A_182 = vector.broadcast %max3A : f32 to vector<16xf32>
        %max3A_183 = arith.maximumf %add3A_181, %max3A_182 : vector<16xf32>
        %swap3A = arith.index_cast %add3A_169 : i32 to index
        %swap3A_184 = arith.constant 0 : index
        %swap3A_185 = tpu.vector_load %arg14[%swap3A, %swap3A_184] {strides = array<i32>} : memref<128x64xf32, #tpu.memory_space<vmem>>, vector<1x16xf32>,
        %swap3A_186 = vector.shape_cast %swap3A_185 : vector<1x16xf32> to vector<16xf32>
        %swap3A_187 = vector.shape_cast %max3A_183 : vector<16xf32> to vector<1x16xf32>
        tpu.vector_store %arg14[%swap3A, %swap3A_184], %swap3A_187 {strides = array<i32>} : memref<128x64xf32, #tpu.memory_space<vmem>>, vector<1x16xf32>,
        %get3A_188 = arith.index_cast %add3A_169 : i32 to index
        %get3A_189 = arith.constant 16 : index
        %get3A_190 = tpu.vector_load %arg10[%get3A_188, %get3A_189] {strides = array<i32>} : memref<128x64xf32, #tpu.memory_space<vmem>>, vector<1x16xf32>,
        %get3A_191 = vector.shape_cast %get3A_190 : vector<1x16xf32> to vector<16xf32>
        %get3A_192 = arith.index_cast %div3A_171 : i32 to index
        %get3A_193 = arith.index_cast %rem3A_172 : i32 to index
        %get3A_194 = arith.constant 16 : index
        %get3A_195 = tpu.vector_load %arg12[%get3A_192, %get3A_193, %get3A_194] {strides = array<i32>} : memref<16x8x64xf32, #tpu.memory_space<vmem>>, vector<1x1x16xf32>,
        %get3A_196 = vector.shape_cast %get3A_195 : vector<1x1x16xf32> to vector<16xf32>
        %add3A_197 = arith.addf %get3A_191, %get3A_196 : vector<16xf32>
        %max3A_198 = arith.constant 0.000000e+00 : f32
        %max3A_199 = vector.broadcast %max3A_198 : f32 to vector<16xf32>
        %max3A_200 = arith.maximumf %add3A_197, %max3A_199 : vector<16xf32>
        %swap3A_201 = arith.index_cast %add3A_169 : i32 to index
        %swap3A_202 = arith.constant 16 : index
        %swap3A_203 = tpu.vector_load %arg14[%swap3A_201, %swap3A_202] {strides = array<i32>} : memref<128x64xf32, #tpu.memory_space<vmem>>, vector<1x16xf32>,
        %swap3A_204 = vector.shape_cast %swap3A_203 : vector<1x16xf32> to vector<16xf32>
        %swap3A_205 = vector.shape_cast %max3A_200 : vector<16xf32> to vector<1x16xf32>
        tpu.vector_store %arg14[%swap3A_201, %swap3A_202], %swap3A_205 {strides = array<i32>} : memref<128x64xf32, #tpu.memory_space<vmem>>, vector<1x16xf32>,
        %get3A_206 = arith.index_cast %add3A_169 : i32 to index
        %get3A_207 = arith.constant 32 : index
        %get3A_208 = tpu.vector_load %arg10[%get3A_206, %get3A_207] {strides = array<i32>} : memref<128x64xf32, #tpu.memory_space<vmem>>, vector<1x16xf32>,
        %get3A_209 = vector.shape_cast %get3A_208 : vector<1x16xf32> to vector<16xf32>
        %get3A_210 = arith.index_cast %div3A_171 : i32 to index
        %get3A_211 = arith.index_cast %rem3A_172 : i32 to index
        %get3A_212 = arith.constant 32 : index
        %get3A_213 = tpu.vector_load %arg12[%get3A_210, %get3A_211, %get3A_212] {strides = array<i32>} : memref<16x8x64xf32, #tpu.memory_space<vmem>>, vector<1x1x16xf32>,
        %get3A_214 = vector.shape_cast %get3A_213 : vector<1x1x16xf32> to vector<16xf32>
        %add3A_215 = arith.addf %get3A_209, %get3A_214 : vector<16xf32>
        %max3A_216 = arith.constant 0.000000e+00 : f32
        %max3A_217 = vector.broadcast %max3A_216 : f32 to vector<16xf32>
        %max3A_218 = arith.maximumf %add3A_215, %max3A_217 : vector<16xf32>
        %swap3A_219 = arith.index_cast %add3A_169 : i32 to index
        %swap3A_220 = arith.constant 32 : index
        %swap3A_221 = tpu.vector_load %arg14[%swap3A_219, %swap3A_220] {strides = array<i32>} : memref<128x64xf32, #tpu.memory_space<vmem>>, vector<1x16xf32>,
        %swap3A_222 = vector.shape_cast %swap3A_221 : vector<1x16xf32> to vector<16xf32>
        %swap3A_223 = vector.shape_cast %max3A_218 : vector<16xf32> to vector<1x16xf32>
        tpu.vector_store %arg14[%swap3A_219, %swap3A_220], %swap3A_223 {strides = array<i32>} : memref<128x64xf32, #tpu.memory_space<vmem>>, vector<1x16xf32>,
        %get3A_224 = arith.index_cast %add3A_169 : i32 to index
        %get3A_225 = arith.constant 48 : index
        %get3A_226 = tpu.vector_load %arg10[%get3A_224, %get3A_225] {strides = array<i32>} : memref<128x64xf32, #tpu.memory_space<vmem>>, vector<1x16xf32>,
        %get3A_227 = vector.shape_cast %get3A_226 : vector<1x16xf32> to vector<16xf32>
        %get3A_228 = arith.index_cast %div3A_171 : i32 to index
        %get3A_229 = arith.index_cast %rem3A_172 : i32 to index
        %get3A_230 = arith.constant 48 : index
        %get3A_231 = tpu.vector_load %arg12[%get3A_228, %get3A_229, %get3A_230] {strides = array<i32>} : memref<16x8x64xf32, #tpu.memory_space<vmem>>, vector<1x1x16xf32>,
        %get3A_232 = vector.shape_cast %get3A_231 : vector<1x1x16xf32> to vector<16xf32>
        %add3A_233 = arith.addf %get3A_227, %get3A_232 : vector<16xf32>
        %max3A_234 = arith.constant 0.000000e+00 : f32
        %max3A_235 = vector.broadcast %max3A_234 : f32 to vector<16xf32>
        %max3A_236 = arith.maximumf %add3A_233, %max3A_235 : vector<16xf32>
        %swap3A_237 = arith.index_cast %add3A_169 : i32 to index
        %swap3A_238 = arith.constant 48 : index
        %swap3A_239 = tpu.vector_load %arg14[%swap3A_237, %swap3A_238] {strides = array<i32>} : memref<128x64xf32, #tpu.memory_space<vmem>>, vector<1x16xf32>,
        %swap3A_240 = vector.shape_cast %swap3A_239 : vector<1x16xf32> to vector<16xf32>
        %swap3A_241 = vector.shape_cast %max3A_236 : vector<16xf32> to vector<1x16xf32>
        tpu.vector_store %arg14[%swap3A_237, %swap3A_238], %swap3A_241 {strides = array<i32>} : memref<128x64xf32, #tpu.memory_space<vmem>>, vector<1x16xf32>,
      }
      %scan3A_121 = arith.constant 128 : i32
      %add3A_122 = arith.constant 2 : i32
      %add3A_123 = arith.addi %add3A_94, %add3A_122 : i32
      %lt3A_124 = arith.constant 157 : i32
      %lt3A_125 = arith.cmpi slt, %add3A_123, %lt3A_124 : i32
      %convert_element_type3A_126 = arith.extui %lt3A_125 : i1 to i32
      %cond3A_127 = arith.constant 0 : i32
      %cond3A_128 = arith.cmpi ne, %convert_element_type3A_126, %cond3A_127 : i32
      scf.if %cond3A_128 {
        %add3A_165 = arith.constant 2 : i32
        %add3A_166 = arith.addi %add3A_94, %add3A_165 : i32
        %mul3A_167 = arith.constant 20000 : i32
        %mul3A_168 = arith.muli %arg1, %mul3A_167 : i32
        %mul3A_169 = arith.constant 128 : i32
        %mul3A_170 = arith.muli %add3A_166, %mul3A_169 : i32
        %min3A_171 = arith.constant 19872 : i32
        %min3A_172 = arith.minsi %mul3A_170, %min3A_171 : i32
        %add3A_173 = arith.addi %mul3A_168, %min3A_172 : i32
        %dma_start3A_174 = arith.constant 0 : i32
        %dma_start3A_175 = tpu.memref_slice %arg8[%add3A_166, %dma_start3A_174] : memref<157x128xi32, #tpu.memory_space<vmem>> -> memref<1x128xi32, #tpu.memory_space<vmem>>
        %dma_start3A_176 = tpu.memref_squeeze %dma_start3A_175 : memref<1x128xi32, #tpu.memory_space<vmem>> -> memref<128xi32, #tpu.memory_space<vmem>>
        %dma_start3A_177 = arith.constant 0 : i32
        %dma_start3A_178 = arith.constant 0 : i32
        %dma_start3A_179 = tpu.memref_slice %arg2[%arg0, %dma_start3A_177, %dma_start3A_178] : memref<2x10000x64xf32, #tpu.memory_space<hbm>> -> memref<1x10000x64xf32, #tpu.memory_space<hbm>>
        %dma_start3A_180 = tpu.memref_squeeze %dma_start3A_179 : memref<1x10000x64xf32, #tpu.memory_space<hbm>> -> memref<10000x64xf32, #tpu.memory_space<hbm>>
        %dma_start3A_181 = arith.constant 0 : i32
        %dma_start3A_182 = arith.constant 0 : i32
        %dma_start3A_183 = tpu.memref_slice %dma_start3A_180[%dma_start3A_181, %dma_start3A_182] : memref<10000x64xf32, #tpu.memory_space<hbm>> -> memref<10000x64xf32, #tpu.memory_space<hbm>>
        tpu.enqueue_indirect_dma source(%dma_start3A_183 : memref<10000x64xf32, #tpu.memory_space<hbm>>) target(%arg10 : memref<128x64xf32, #tpu.memory_space<vmem>>) offsets(%dma_start3A_176 : memref<128xi32, #tpu.memory_space<vmem>>) semaphore(%arg16 : memref<!tpu.dma_semaphore, #tpu.memory_space<semaphore_mem>>)
        %div3A_184 = arith.constant 8 : i32
        %div3A_185 = arith.divsi %add3A_173, %div3A_184 : i32
        %dma_start3A_186 = arith.constant 0 : i32
        %dma_start3A_187 = tpu.memref_slice %arg3[%div3A_185, %dma_start3A_186, %mul3A_0] : memref<40000x8x128xf32, #tpu.memory_space<hbm>> -> memref<16x8x64xf32, #tpu.memory_space<hbm>>
        %dma_start3A_188 = arith.constant 0 : i32
        %dma_start3A_189 = tpu.memref_slice %arg3[%div3A_185, %dma_start3A_188, %mul3A_0] : memref<40000x8x128xf32, #tpu.memory_space<hbm>> -> memref<16x8x64xf32, #tpu.memory_space<hbm>>
        tpu.enqueue_dma source(%dma_start3A_189 : memref<16x8x64xf32, #tpu.memory_space<hbm>>) target(%arg12 : memref<16x8x64xf32, #tpu.memory_space<vmem>>) target_semaphore(%arg18 : memref<!tpu.dma_semaphore, #tpu.memory_space<semaphore_mem>>)
      } else {
      }
      "tpu.region"() ({
        %run_scoped3A_165 = tpu.sem_alloc : memref<!tpu.dma_semaphore, #tpu.memory_space<semaphore_mem>>
        %dma_start3A_166 = arith.constant 0 : i32
        %dma_start3A_167 = tpu.memref_slice %arg9[%add3A_94, %dma_start3A_166] : memref<157x128xi32, #tpu.memory_space<vmem>> -> memref<1x128xi32, #tpu.memory_space<vmem>>
        %dma_start3A_168 = tpu.memref_squeeze %dma_start3A_167 : memref<1x128xi32, #tpu.memory_space<vmem>> -> memref<128xi32, #tpu.memory_space<vmem>>
        %dma_start3A_169 = arith.constant 0 : i32
        %dma_start3A_170 = arith.constant 0 : i32
        %dma_start3A_171 = tpu.memref_slice %arg15[%dma_start3A_169, %dma_start3A_170] : memref<10008x64xf32, #tpu.memory_space<vmem_shared>> -> memref<10008x64xf32, #tpu.memory_space<vmem_shared>>
        tpu.enqueue_indirect_dma source(%arg14 : memref<128x64xf32, #tpu.memory_space<vmem>>) target(%dma_start3A_171 : memref<10008x64xf32, #tpu.memory_space<vmem_shared>>) offsets(%dma_start3A_168 : memref<128xi32, #tpu.memory_space<vmem>>) semaphore(%run_scoped3A_165 : memref<!tpu.dma_semaphore, #tpu.memory_space<semaphore_mem>>) {add = true}
        %dma_wait3A_172 = arith.constant 0 : i32
        %dma_wait3A_173 = tpu.memref_slice %arg9[%add3A_94, %dma_wait3A_172] : memref<157x128xi32, #tpu.memory_space<vmem>> -> memref<1x128xi32, #tpu.memory_space<vmem>>
        %dma_wait3A_174 = tpu.memref_squeeze %dma_wait3A_173 : memref<1x128xi32, #tpu.memory_space<vmem>> -> memref<128xi32, #tpu.memory_space<vmem>>
        %dma_wait3A_175 = arith.constant 0 : i32
        %dma_wait3A_176 = arith.constant 0 : i32
        %dma_wait3A_177 = tpu.memref_slice %arg15[%dma_wait3A_175, %dma_wait3A_176] : memref<10008x64xf32, #tpu.memory_space<vmem_shared>> -> memref<10008x64xf32, #tpu.memory_space<vmem_shared>>
        tpu.wait_indirect_dma semaphore(%run_scoped3A_165 : memref<!tpu.dma_semaphore, #tpu.memory_space<semaphore_mem>>) src(%arg14 : memref<128x64xf32, #tpu.memory_space<vmem>>) dst(%dma_wait3A_177 : memref<10008x64xf32, #tpu.memory_space<vmem_shared>>)
        tpu.yield
      }) : () -> ()
      %add3A_129 = arith.constant 1 : i32
      %add3A_130 = arith.addi %add3A_94, %add3A_129 : i32
      %dma_wait3A_131 = arith.constant 0 : i32
      %dma_wait3A_132 = arith.constant 0 : i32
      %dma_wait3A_133 = tpu.memref_slice %arg2[%arg0, %dma_wait3A_131, %dma_wait3A_132] : memref<2x10000x64xf32, #tpu.memory_space<hbm>> -> memref<1x10000x64xf32, #tpu.memory_space<hbm>>
      %dma_wait3A_134 = tpu.memref_squeeze %dma_wait3A_133 : memref<1x10000x64xf32, #tpu.memory_space<hbm>> -> memref<10000x64xf32, #tpu.memory_space<hbm>>
      %dma_wait3A_135 = arith.constant 0 : i32
      %dma_wait3A_136 = arith.constant 0 : i32
      %dma_wait3A_137 = tpu.memref_slice %dma_wait3A_134[%dma_wait3A_135, %dma_wait3A_136] : memref<10000x64xf32, #tpu.memory_space<hbm>> -> memref<128x64xf32, #tpu.memory_space<hbm>>
      %dma_wait3A_138 = arith.constant 0 : i32
      %dma_wait3A_139 = arith.constant 0 : i32
      %dma_wait3A_140 = tpu.memref_slice %arg2[%arg0, %dma_wait3A_138, %dma_wait3A_139] : memref<2x10000x64xf32, #tpu.memory_space<hbm>> -> memref<1x10000x64xf32, #tpu.memory_space<hbm>>
      %dma_wait3A_141 = tpu.memref_squeeze %dma_wait3A_140 : memref<1x10000x64xf32, #tpu.memory_space<hbm>> -> memref<10000x64xf32, #tpu.memory_space<hbm>>
      %dma_wait3A_142 = arith.constant 0 : i32
      %dma_wait3A_143 = arith.constant 0 : i32
      %dma_wait3A_144 = tpu.memref_slice %dma_wait3A_141[%dma_wait3A_142, %dma_wait3A_143] : memref<10000x64xf32, #tpu.memory_space<hbm>> -> memref<128x64xf32, #tpu.memory_space<hbm>>
      tpu.wait_dma2 semaphore(%arg17 : memref<!tpu.dma_semaphore, #tpu.memory_space<semaphore_mem>>) src(%dma_wait3A_144 : memref<128x64xf32, #tpu.memory_space<hbm>>) dst(%arg11 : memref<128x64xf32, #tpu.memory_space<vmem>>)
      %dma_wait3A_145 = arith.constant 0 : i32
      %dma_wait3A_146 = arith.constant 0 : i32
      %dma_wait3A_147 = arith.constant 0 : i32
      %dma_wait3A_148 = tpu.memref_slice %arg3[%dma_wait3A_145, %dma_wait3A_146, %dma_wait3A_147] : memref<40000x8x128xf32, #tpu.memory_space<hbm>> -> memref<16x8x64xf32, #tpu.memory_space<hbm>>
      %dma_wait3A_149 = arith.constant 0 : i32
      %dma_wait3A_150 = arith.constant 0 : i32
      %dma_wait3A_151 = arith.constant 0 : i32
      %dma_wait3A_152 = tpu.memref_slice %arg3[%dma_wait3A_149, %dma_wait3A_150, %dma_wait3A_151] : memref<40000x8x128xf32, #tpu.memory_space<hbm>> -> memref<16x8x64xf32, #tpu.memory_space<hbm>>
      tpu.wait_dma2 semaphore(%arg19 : memref<!tpu.dma_semaphore, #tpu.memory_space<semaphore_mem>>) src(%dma_wait3A_152 : memref<16x8x64xf32, #tpu.memory_space<hbm>>) dst(%arg13 : memref<16x8x64xf32, #tpu.memory_space<vmem>>)
      %scan3A_153 = arith.constant 0 : i32
      %scan3A_154 = arith.constant 128 : i32
      %scan3A_155 = arith.addi %scan3A_153, %scan3A_154 : i32
      %scan3A_156 = arith.constant 1 : i32
      scf.for %scan3A_165 = %scan3A_153 to %scan3A_155 step %scan3A_156  : i32 {
        %mul3A_166 = arith.constant 1 : i32
        %mul3A_167 = arith.muli %scan3A_165, %mul3A_166 : i32
        %add3A_168 = arith.constant 0 : i32
        %add3A_169 = arith.addi %add3A_168, %mul3A_167 : i32
        %div3A_170 = arith.constant 8 : i32
        %div3A_171 = arith.divsi %add3A_169, %div3A_170 : i32
        %rem3A = arith.constant 8 : i32
        %rem3A_172 = arith.remsi %add3A_169, %rem3A : i32
        %get3A = arith.index_cast %add3A_169 : i32 to index
        %get3A_173 = arith.constant 0 : index
        %get3A_174 = tpu.vector_load %arg11[%get3A, %get3A_173] {strides = array<i32>} : memref<128x64xf32, #tpu.memory_space<vmem>>, vector<1x16xf32>,
        %get3A_175 = vector.shape_cast %get3A_174 : vector<1x16xf32> to vector<16xf32>
        %get3A_176 = arith.index_cast %div3A_171 : i32 to index
        %get3A_177 = arith.index_cast %rem3A_172 : i32 to index
        %get3A_178 = arith.constant 0 : index
        %get3A_179 = tpu.vector_load %arg13[%get3A_176, %get3A_177, %get3A_178] {strides = array<i32>} : memref<16x8x64xf32, #tpu.memory_space<vmem>>, vector<1x1x16xf32>,
        %get3A_180 = vector.shape_cast %get3A_179 : vector<1x1x16xf32> to vector<16xf32>
        %add3A_181 = arith.addf %get3A_175, %get3A_180 : vector<16xf32>
        %max3A = arith.constant 0.000000e+00 : f32
        %max3A_182 = vector.broadcast %max3A : f32 to vector<16xf32>
        %max3A_183 = arith.maximumf %add3A_181, %max3A_182 : vector<16xf32>
        %swap3A = arith.index_cast %add3A_169 : i32 to index
        %swap3A_184 = arith.constant 0 : index
        %swap3A_185 = tpu.vector_load %arg14[%swap3A, %swap3A_184] {strides = array<i32>} : memref<128x64xf32, #tpu.memory_space<vmem>>, vector<1x16xf32>,
        %swap3A_186 = vector.shape_cast %swap3A_185 : vector<1x16xf32> to vector<16xf32>
        %swap3A_187 = vector.shape_cast %max3A_183 : vector<16xf32> to vector<1x16xf32>
        tpu.vector_store %arg14[%swap3A, %swap3A_184], %swap3A_187 {strides = array<i32>} : memref<128x64xf32, #tpu.memory_space<vmem>>, vector<1x16xf32>,
        %get3A_188 = arith.index_cast %add3A_169 : i32 to index
        %get3A_189 = arith.constant 16 : index
        %get3A_190 = tpu.vector_load %arg11[%get3A_188, %get3A_189] {strides = array<i32>} : memref<128x64xf32, #tpu.memory_space<vmem>>, vector<1x16xf32>,
        %get3A_191 = vector.shape_cast %get3A_190 : vector<1x16xf32> to vector<16xf32>
        %get3A_192 = arith.index_cast %div3A_171 : i32 to index
        %get3A_193 = arith.index_cast %rem3A_172 : i32 to index
        %get3A_194 = arith.constant 16 : index
        %get3A_195 = tpu.vector_load %arg13[%get3A_192, %get3A_193, %get3A_194] {strides = array<i32>} : memref<16x8x64xf32, #tpu.memory_space<vmem>>, vector<1x1x16xf32>,
        %get3A_196 = vector.shape_cast %get3A_195 : vector<1x1x16xf32> to vector<16xf32>
        %add3A_197 = arith.addf %get3A_191, %get3A_196 : vector<16xf32>
        %max3A_198 = arith.constant 0.000000e+00 : f32
        %max3A_199 = vector.broadcast %max3A_198 : f32 to vector<16xf32>
        %max3A_200 = arith.maximumf %add3A_197, %max3A_199 : vector<16xf32>
        %swap3A_201 = arith.index_cast %add3A_169 : i32 to index
        %swap3A_202 = arith.constant 16 : index
        %swap3A_203 = tpu.vector_load %arg14[%swap3A_201, %swap3A_202] {strides = array<i32>} : memref<128x64xf32, #tpu.memory_space<vmem>>, vector<1x16xf32>,
        %swap3A_204 = vector.shape_cast %swap3A_203 : vector<1x16xf32> to vector<16xf32>
        %swap3A_205 = vector.shape_cast %max3A_200 : vector<16xf32> to vector<1x16xf32>
        tpu.vector_store %arg14[%swap3A_201, %swap3A_202], %swap3A_205 {strides = array<i32>} : memref<128x64xf32, #tpu.memory_space<vmem>>, vector<1x16xf32>,
        %get3A_206 = arith.index_cast %add3A_169 : i32 to index
        %get3A_207 = arith.constant 32 : index
        %get3A_208 = tpu.vector_load %arg11[%get3A_206, %get3A_207] {strides = array<i32>} : memref<128x64xf32, #tpu.memory_space<vmem>>, vector<1x16xf32>,
        %get3A_209 = vector.shape_cast %get3A_208 : vector<1x16xf32> to vector<16xf32>
        %get3A_210 = arith.index_cast %div3A_171 : i32 to index
        %get3A_211 = arith.index_cast %rem3A_172 : i32 to index
        %get3A_212 = arith.constant 32 : index
        %get3A_213 = tpu.vector_load %arg13[%get3A_210, %get3A_211, %get3A_212] {strides = array<i32>} : memref<16x8x64xf32, #tpu.memory_space<vmem>>, vector<1x1x16xf32>,
        %get3A_214 = vector.shape_cast %get3A_213 : vector<1x1x16xf32> to vector<16xf32>
        %add3A_215 = arith.addf %get3A_209, %get3A_214 : vector<16xf32>
        %max3A_216 = arith.constant 0.000000e+00 : f32
        %max3A_217 = vector.broadcast %max3A_216 : f32 to vector<16xf32>
        %max3A_218 = arith.maximumf %add3A_215, %max3A_217 : vector<16xf32>
        %swap3A_219 = arith.index_cast %add3A_169 : i32 to index
        %swap3A_220 = arith.constant 32 : index
        %swap3A_221 = tpu.vector_load %arg14[%swap3A_219, %swap3A_220] {strides = array<i32>} : memref<128x64xf32, #tpu.memory_space<vmem>>, vector<1x16xf32>,
        %swap3A_222 = vector.shape_cast %swap3A_221 : vector<1x16xf32> to vector<16xf32>
        %swap3A_223 = vector.shape_cast %max3A_218 : vector<16xf32> to vector<1x16xf32>
        tpu.vector_store %arg14[%swap3A_219, %swap3A_220], %swap3A_223 {strides = array<i32>} : memref<128x64xf32, #tpu.memory_space<vmem>>, vector<1x16xf32>,
        %get3A_224 = arith.index_cast %add3A_169 : i32 to index
        %get3A_225 = arith.constant 48 : index
        %get3A_226 = tpu.vector_load %arg11[%get3A_224, %get3A_225] {strides = array<i32>} : memref<128x64xf32, #tpu.memory_space<vmem>>, vector<1x16xf32>,
        %get3A_227 = vector.shape_cast %get3A_226 : vector<1x16xf32> to vector<16xf32>
        %get3A_228 = arith.index_cast %div3A_171 : i32 to index
        %get3A_229 = arith.index_cast %rem3A_172 : i32 to index
        %get3A_230 = arith.constant 48 : index
        %get3A_231 = tpu.vector_load %arg13[%get3A_228, %get3A_229, %get3A_230] {strides = array<i32>} : memref<16x8x64xf32, #tpu.memory_space<vmem>>, vector<1x1x16xf32>,
        %get3A_232 = vector.shape_cast %get3A_231 : vector<1x1x16xf32> to vector<16xf32>
        %add3A_233 = arith.addf %get3A_227, %get3A_232 : vector<16xf32>
        %max3A_234 = arith.constant 0.000000e+00 : f32
        %max3A_235 = vector.broadcast %max3A_234 : f32 to vector<16xf32>
        %max3A_236 = arith.maximumf %add3A_233, %max3A_235 : vector<16xf32>
        %swap3A_237 = arith.index_cast %add3A_169 : i32 to index
        %swap3A_238 = arith.constant 48 : index
        %swap3A_239 = tpu.vector_load %arg14[%swap3A_237, %swap3A_238] {strides = array<i32>} : memref<128x64xf32, #tpu.memory_space<vmem>>, vector<1x16xf32>,
        %swap3A_240 = vector.shape_cast %swap3A_239 : vector<1x16xf32> to vector<16xf32>
        %swap3A_241 = vector.shape_cast %max3A_236 : vector<16xf32> to vector<1x16xf32>
        tpu.vector_store %arg14[%swap3A_237, %swap3A_238], %swap3A_241 {strides = array<i32>} : memref<128x64xf32, #tpu.memory_space<vmem>>, vector<1x16xf32>,
      }
      %scan3A_157 = arith.constant 128 : i32
      %add3A_158 = arith.constant 2 : i32
      %add3A_159 = arith.addi %add3A_130, %add3A_158 : i32
      %lt3A_160 = arith.constant 157 : i32
      %lt3A_161 = arith.cmpi slt, %add3A_159, %lt3A_160 : i32
      %convert_element_type3A_162 = arith.extui %lt3A_161 : i1 to i32
      %cond3A_163 = arith.constant 0 : i32
      %cond3A_164 = arith.cmpi ne, %convert_element_type3A_162, %cond3A_163 : i32
      scf.if %cond3A_164 {
        %add3A_165 = arith.constant 2 : i32
        %add3A_166 = arith.addi %add3A_130, %add3A_165 : i32
        %mul3A_167 = arith.constant 20000 : i32
        %mul3A_168 = arith.muli %arg1, %mul3A_167 : i32
        %mul3A_169 = arith.constant 128 : i32
        %mul3A_170 = arith.muli %add3A_166, %mul3A_169 : i32
        %min3A_171 = arith.constant 19872 : i32
        %min3A_172 = arith.minsi %mul3A_170, %min3A_171 : i32
        %add3A_173 = arith.addi %mul3A_168, %min3A_172 : i32
        %dma_start3A_174 = arith.constant 0 : i32
        %dma_start3A_175 = tpu.memref_slice %arg8[%add3A_166, %dma_start3A_174] : memref<157x128xi32, #tpu.memory_space<vmem>> -> memref<1x128xi32, #tpu.memory_space<vmem>>
        %dma_start3A_176 = tpu.memref_squeeze %dma_start3A_175 : memref<1x128xi32, #tpu.memory_space<vmem>> -> memref<128xi32, #tpu.memory_space<vmem>>
        %dma_start3A_177 = arith.constant 0 : i32
        %dma_start3A_178 = arith.constant 0 : i32
        %dma_start3A_179 = tpu.memref_slice %arg2[%arg0, %dma_start3A_177, %dma_start3A_178] : memref<2x10000x64xf32, #tpu.memory_space<hbm>> -> memref<1x10000x64xf32, #tpu.memory_space<hbm>>
        %dma_start3A_180 = tpu.memref_squeeze %dma_start3A_179 : memref<1x10000x64xf32, #tpu.memory_space<hbm>> -> memref<10000x64xf32, #tpu.memory_space<hbm>>
        %dma_start3A_181 = arith.constant 0 : i32
        %dma_start3A_182 = arith.constant 0 : i32
        %dma_start3A_183 = tpu.memref_slice %dma_start3A_180[%dma_start3A_181, %dma_start3A_182] : memref<10000x64xf32, #tpu.memory_space<hbm>> -> memref<10000x64xf32, #tpu.memory_space<hbm>>
        tpu.enqueue_indirect_dma source(%dma_start3A_183 : memref<10000x64xf32, #tpu.memory_space<hbm>>) target(%arg11 : memref<128x64xf32, #tpu.memory_space<vmem>>) offsets(%dma_start3A_176 : memref<128xi32, #tpu.memory_space<vmem>>) semaphore(%arg17 : memref<!tpu.dma_semaphore, #tpu.memory_space<semaphore_mem>>)
        %div3A_184 = arith.constant 8 : i32
        %div3A_185 = arith.divsi %add3A_173, %div3A_184 : i32
        %dma_start3A_186 = arith.constant 0 : i32
        %dma_start3A_187 = tpu.memref_slice %arg3[%div3A_185, %dma_start3A_186, %mul3A_0] : memref<40000x8x128xf32, #tpu.memory_space<hbm>> -> memref<16x8x64xf32, #tpu.memory_space<hbm>>
        %dma_start3A_188 = arith.constant 0 : i32
        %dma_start3A_189 = tpu.memref_slice %arg3[%div3A_185, %dma_start3A_188, %mul3A_0] : memref<40000x8x128xf32, #tpu.memory_space<hbm>> -> memref<16x8x64xf32, #tpu.memory_space<hbm>>
        tpu.enqueue_dma source(%dma_start3A_189 : memref<16x8x64xf32, #tpu.memory_space<hbm>>) target(%arg13 : memref<16x8x64xf32, #tpu.memory_space<vmem>>) target_semaphore(%arg19 : memref<!tpu.dma_semaphore, #tpu.memory_space<semaphore_mem>>)
      } else {
      }
      "tpu.region"() ({
        %run_scoped3A_165 = tpu.sem_alloc : memref<!tpu.dma_semaphore, #tpu.memory_space<semaphore_mem>>
        %dma_start3A_166 = arith.constant 0 : i32
        %dma_start3A_167 = tpu.memref_slice %arg9[%add3A_130, %dma_start3A_166] : memref<157x128xi32, #tpu.memory_space<vmem>> -> memref<1x128xi32, #tpu.memory_space<vmem>>
        %dma_start3A_168 = tpu.memref_squeeze %dma_start3A_167 : memref<1x128xi32, #tpu.memory_space<vmem>> -> memref<128xi32, #tpu.memory_space<vmem>>
        %dma_start3A_169 = arith.constant 0 : i32
        %dma_start3A_170 = arith.constant 0 : i32
        %dma_start3A_171 = tpu.memref_slice %arg15[%dma_start3A_169, %dma_start3A_170] : memref<10008x64xf32, #tpu.memory_space<vmem_shared>> -> memref<10008x64xf32, #tpu.memory_space<vmem_shared>>
        tpu.enqueue_indirect_dma source(%arg14 : memref<128x64xf32, #tpu.memory_space<vmem>>) target(%dma_start3A_171 : memref<10008x64xf32, #tpu.memory_space<vmem_shared>>) offsets(%dma_start3A_168 : memref<128xi32, #tpu.memory_space<vmem>>) semaphore(%run_scoped3A_165 : memref<!tpu.dma_semaphore, #tpu.memory_space<semaphore_mem>>) {add = true}
        %dma_wait3A_172 = arith.constant 0 : i32
        %dma_wait3A_173 = tpu.memref_slice %arg9[%add3A_130, %dma_wait3A_172] : memref<157x128xi32, #tpu.memory_space<vmem>> -> memref<1x128xi32, #tpu.memory_space<vmem>>
        %dma_wait3A_174 = tpu.memref_squeeze %dma_wait3A_173 : memref<1x128xi32, #tpu.memory_space<vmem>> -> memref<128xi32, #tpu.memory_space<vmem>>
        %dma_wait3A_175 = arith.constant 0 : i32
        %dma_wait3A_176 = arith.constant 0 : i32
        %dma_wait3A_177 = tpu.memref_slice %arg15[%dma_wait3A_175, %dma_wait3A_176] : memref<10008x64xf32, #tpu.memory_space<vmem_shared>> -> memref<10008x64xf32, #tpu.memory_space<vmem_shared>>
        tpu.wait_indirect_dma semaphore(%run_scoped3A_165 : memref<!tpu.dma_semaphore, #tpu.memory_space<semaphore_mem>>) src(%arg14 : memref<128x64xf32, #tpu.memory_space<vmem>>) dst(%dma_wait3A_177 : memref<10008x64xf32, #tpu.memory_space<vmem_shared>>)
        tpu.yield
      }) : () -> ()
    }
    %scan3A_52 = arith.constant 78 : i32
    %dma_wait3A = arith.constant 0 : i32
    %dma_wait3A_53 = arith.constant 0 : i32
    %dma_wait3A_54 = tpu.memref_slice %arg2[%arg0, %dma_wait3A, %dma_wait3A_53] : memref<2x10000x64xf32, #tpu.memory_space<hbm>> -> memref<1x10000x64xf32, #tpu.memory_space<hbm>>
    %dma_wait3A_55 = tpu.memref_squeeze %dma_wait3A_54 : memref<1x10000x64xf32, #tpu.memory_space<hbm>> -> memref<10000x64xf32, #tpu.memory_space<hbm>>
    %dma_wait3A_56 = arith.constant 0 : i32
    %dma_wait3A_57 = arith.constant 0 : i32
    %dma_wait3A_58 = tpu.memref_slice %dma_wait3A_55[%dma_wait3A_56, %dma_wait3A_57] : memref<10000x64xf32, #tpu.memory_space<hbm>> -> memref<128x64xf32, #tpu.memory_space<hbm>>
    %dma_wait3A_59 = arith.constant 0 : i32
    %dma_wait3A_60 = arith.constant 0 : i32
    %dma_wait3A_61 = tpu.memref_slice %arg2[%arg0, %dma_wait3A_59, %dma_wait3A_60] : memref<2x10000x64xf32, #tpu.memory_space<hbm>> -> memref<1x10000x64xf32, #tpu.memory_space<hbm>>
    %dma_wait3A_62 = tpu.memref_squeeze %dma_wait3A_61 : memref<1x10000x64xf32, #tpu.memory_space<hbm>> -> memref<10000x64xf32, #tpu.memory_space<hbm>>
    %dma_wait3A_63 = arith.constant 0 : i32
    %dma_wait3A_64 = arith.constant 0 : i32
    %dma_wait3A_65 = tpu.memref_slice %dma_wait3A_62[%dma_wait3A_63, %dma_wait3A_64] : memref<10000x64xf32, #tpu.memory_space<hbm>> -> memref<128x64xf32, #tpu.memory_space<hbm>>
    tpu.wait_dma2 semaphore(%arg16 : memref<!tpu.dma_semaphore, #tpu.memory_space<semaphore_mem>>) src(%dma_wait3A_65 : memref<128x64xf32, #tpu.memory_space<hbm>>) dst(%arg10 : memref<128x64xf32, #tpu.memory_space<vmem>>)
    %dma_wait3A_66 = arith.constant 0 : i32
    %dma_wait3A_67 = arith.constant 0 : i32
    %dma_wait3A_68 = arith.constant 0 : i32
    %dma_wait3A_69 = tpu.memref_slice %arg3[%dma_wait3A_66, %dma_wait3A_67, %dma_wait3A_68] : memref<40000x8x128xf32, #tpu.memory_space<hbm>> -> memref<16x8x64xf32, #tpu.memory_space<hbm>>
    %dma_wait3A_70 = arith.constant 0 : i32
    %dma_wait3A_71 = arith.constant 0 : i32
    %dma_wait3A_72 = arith.constant 0 : i32
    %dma_wait3A_73 = tpu.memref_slice %arg3[%dma_wait3A_70, %dma_wait3A_71, %dma_wait3A_72] : memref<40000x8x128xf32, #tpu.memory_space<hbm>> -> memref<16x8x64xf32, #tpu.memory_space<hbm>>
    tpu.wait_dma2 semaphore(%arg18 : memref<!tpu.dma_semaphore, #tpu.memory_space<semaphore_mem>>) src(%dma_wait3A_73 : memref<16x8x64xf32, #tpu.memory_space<hbm>>) dst(%arg12 : memref<16x8x64xf32, #tpu.memory_space<vmem>>)
    %scan3A_74 = arith.constant 0 : i32
    %scan3A_75 = arith.constant 128 : i32
    %scan3A_76 = arith.addi %scan3A_74, %scan3A_75 : i32
    %scan3A_77 = arith.constant 1 : i32
    scf.for %scan3A_90 = %scan3A_74 to %scan3A_76 step %scan3A_77  : i32 {
      %mul3A_91 = arith.constant 1 : i32
      %mul3A_92 = arith.muli %scan3A_90, %mul3A_91 : i32
      %add3A_93 = arith.constant 0 : i32
      %add3A_94 = arith.addi %add3A_93, %mul3A_92 : i32
      %div3A_95 = arith.constant 8 : i32
      %div3A_96 = arith.divsi %add3A_94, %div3A_95 : i32
      %rem3A = arith.constant 8 : i32
      %rem3A_97 = arith.remsi %add3A_94, %rem3A : i32
      %get3A = arith.index_cast %add3A_94 : i32 to index
      %get3A_98 = arith.constant 0 : index
      %get3A_99 = tpu.vector_load %arg10[%get3A, %get3A_98] {strides = array<i32>} : memref<128x64xf32, #tpu.memory_space<vmem>>, vector<1x16xf32>,
      %get3A_100 = vector.shape_cast %get3A_99 : vector<1x16xf32> to vector<16xf32>
      %get3A_101 = arith.index_cast %div3A_96 : i32 to index
      %get3A_102 = arith.index_cast %rem3A_97 : i32 to index
      %get3A_103 = arith.constant 0 : index
      %get3A_104 = tpu.vector_load %arg12[%get3A_101, %get3A_102, %get3A_103] {strides = array<i32>} : memref<16x8x64xf32, #tpu.memory_space<vmem>>, vector<1x1x16xf32>,
      %get3A_105 = vector.shape_cast %get3A_104 : vector<1x1x16xf32> to vector<16xf32>
      %add3A_106 = arith.addf %get3A_100, %get3A_105 : vector<16xf32>
      %max3A = arith.constant 0.000000e+00 : f32
      %max3A_107 = vector.broadcast %max3A : f32 to vector<16xf32>
      %max3A_108 = arith.maximumf %add3A_106, %max3A_107 : vector<16xf32>
      %swap3A = arith.index_cast %add3A_94 : i32 to index
      %swap3A_109 = arith.constant 0 : index
      %swap3A_110 = tpu.vector_load %arg14[%swap3A, %swap3A_109] {strides = array<i32>} : memref<128x64xf32, #tpu.memory_space<vmem>>, vector<1x16xf32>,
      %swap3A_111 = vector.shape_cast %swap3A_110 : vector<1x16xf32> to vector<16xf32>
      %swap3A_112 = vector.shape_cast %max3A_108 : vector<16xf32> to vector<1x16xf32>
      tpu.vector_store %arg14[%swap3A, %swap3A_109], %swap3A_112 {strides = array<i32>} : memref<128x64xf32, #tpu.memory_space<vmem>>, vector<1x16xf32>,
      %get3A_113 = arith.index_cast %add3A_94 : i32 to index
      %get3A_114 = arith.constant 16 : index
      %get3A_115 = tpu.vector_load %arg10[%get3A_113, %get3A_114] {strides = array<i32>} : memref<128x64xf32, #tpu.memory_space<vmem>>, vector<1x16xf32>,
      %get3A_116 = vector.shape_cast %get3A_115 : vector<1x16xf32> to vector<16xf32>
      %get3A_117 = arith.index_cast %div3A_96 : i32 to index
      %get3A_118 = arith.index_cast %rem3A_97 : i32 to index
      %get3A_119 = arith.constant 16 : index
      %get3A_120 = tpu.vector_load %arg12[%get3A_117, %get3A_118, %get3A_119] {strides = array<i32>} : memref<16x8x64xf32, #tpu.memory_space<vmem>>, vector<1x1x16xf32>,
      %get3A_121 = vector.shape_cast %get3A_120 : vector<1x1x16xf32> to vector<16xf32>
      %add3A_122 = arith.addf %get3A_116, %get3A_121 : vector<16xf32>
      %max3A_123 = arith.constant 0.000000e+00 : f32
      %max3A_124 = vector.broadcast %max3A_123 : f32 to vector<16xf32>
      %max3A_125 = arith.maximumf %add3A_122, %max3A_124 : vector<16xf32>
      %swap3A_126 = arith.index_cast %add3A_94 : i32 to index
      %swap3A_127 = arith.constant 16 : index
      %swap3A_128 = tpu.vector_load %arg14[%swap3A_126, %swap3A_127] {strides = array<i32>} : memref<128x64xf32, #tpu.memory_space<vmem>>, vector<1x16xf32>,
      %swap3A_129 = vector.shape_cast %swap3A_128 : vector<1x16xf32> to vector<16xf32>
      %swap3A_130 = vector.shape_cast %max3A_125 : vector<16xf32> to vector<1x16xf32>
      tpu.vector_store %arg14[%swap3A_126, %swap3A_127], %swap3A_130 {strides = array<i32>} : memref<128x64xf32, #tpu.memory_space<vmem>>, vector<1x16xf32>,
      %get3A_131 = arith.index_cast %add3A_94 : i32 to index
      %get3A_132 = arith.constant 32 : index
      %get3A_133 = tpu.vector_load %arg10[%get3A_131, %get3A_132] {strides = array<i32>} : memref<128x64xf32, #tpu.memory_space<vmem>>, vector<1x16xf32>,
      %get3A_134 = vector.shape_cast %get3A_133 : vector<1x16xf32> to vector<16xf32>
      %get3A_135 = arith.index_cast %div3A_96 : i32 to index
      %get3A_136 = arith.index_cast %rem3A_97 : i32 to index
      %get3A_137 = arith.constant 32 : index
      %get3A_138 = tpu.vector_load %arg12[%get3A_135, %get3A_136, %get3A_137] {strides = array<i32>} : memref<16x8x64xf32, #tpu.memory_space<vmem>>, vector<1x1x16xf32>,
      %get3A_139 = vector.shape_cast %get3A_138 : vector<1x1x16xf32> to vector<16xf32>
      %add3A_140 = arith.addf %get3A_134, %get3A_139 : vector<16xf32>
      %max3A_141 = arith.constant 0.000000e+00 : f32
      %max3A_142 = vector.broadcast %max3A_141 : f32 to vector<16xf32>
      %max3A_143 = arith.maximumf %add3A_140, %max3A_142 : vector<16xf32>
      %swap3A_144 = arith.index_cast %add3A_94 : i32 to index
      %swap3A_145 = arith.constant 32 : index
      %swap3A_146 = tpu.vector_load %arg14[%swap3A_144, %swap3A_145] {strides = array<i32>} : memref<128x64xf32, #tpu.memory_space<vmem>>, vector<1x16xf32>,
      %swap3A_147 = vector.shape_cast %swap3A_146 : vector<1x16xf32> to vector<16xf32>
      %swap3A_148 = vector.shape_cast %max3A_143 : vector<16xf32> to vector<1x16xf32>
      tpu.vector_store %arg14[%swap3A_144, %swap3A_145], %swap3A_148 {strides = array<i32>} : memref<128x64xf32, #tpu.memory_space<vmem>>, vector<1x16xf32>,
      %get3A_149 = arith.index_cast %add3A_94 : i32 to index
      %get3A_150 = arith.constant 48 : index
      %get3A_151 = tpu.vector_load %arg10[%get3A_149, %get3A_150] {strides = array<i32>} : memref<128x64xf32, #tpu.memory_space<vmem>>, vector<1x16xf32>,
      %get3A_152 = vector.shape_cast %get3A_151 : vector<1x16xf32> to vector<16xf32>
      %get3A_153 = arith.index_cast %div3A_96 : i32 to index
      %get3A_154 = arith.index_cast %rem3A_97 : i32 to index
      %get3A_155 = arith.constant 48 : index
      %get3A_156 = tpu.vector_load %arg12[%get3A_153, %get3A_154, %get3A_155] {strides = array<i32>} : memref<16x8x64xf32, #tpu.memory_space<vmem>>, vector<1x1x16xf32>,
      %get3A_157 = vector.shape_cast %get3A_156 : vector<1x1x16xf32> to vector<16xf32>
      %add3A_158 = arith.addf %get3A_152, %get3A_157 : vector<16xf32>
      %max3A_159 = arith.constant 0.000000e+00 : f32
      %max3A_160 = vector.broadcast %max3A_159 : f32 to vector<16xf32>
      %max3A_161 = arith.maximumf %add3A_158, %max3A_160 : vector<16xf32>
      %swap3A_162 = arith.index_cast %add3A_94 : i32 to index
      %swap3A_163 = arith.constant 48 : index
      %swap3A_164 = tpu.vector_load %arg14[%swap3A_162, %swap3A_163] {strides = array<i32>} : memref<128x64xf32, #tpu.memory_space<vmem>>, vector<1x16xf32>,
      %swap3A_165 = vector.shape_cast %swap3A_164 : vector<1x16xf32> to vector<16xf32>
      %swap3A_166 = vector.shape_cast %max3A_161 : vector<16xf32> to vector<1x16xf32>
      tpu.vector_store %arg14[%swap3A_162, %swap3A_163], %swap3A_166 {strides = array<i32>} : memref<128x64xf32, #tpu.memory_space<vmem>>, vector<1x16xf32>,
    }
    %scan3A_78 = arith.constant 128 : i32
    %run_scoped3A = arith.constant 156 : i32
    "tpu.region"() ({
      %run_scoped3A_90 = tpu.sem_alloc : memref<!tpu.dma_semaphore, #tpu.memory_space<semaphore_mem>>
      %dma_start3A_91 = arith.constant 0 : i32
      %dma_start3A_92 = tpu.memref_slice %arg9[%run_scoped3A, %dma_start3A_91] : memref<157x128xi32, #tpu.memory_space<vmem>> -> memref<1x128xi32, #tpu.memory_space<vmem>>
      %dma_start3A_93 = tpu.memref_squeeze %dma_start3A_92 : memref<1x128xi32, #tpu.memory_space<vmem>> -> memref<128xi32, #tpu.memory_space<vmem>>
      %dma_start3A_94 = arith.constant 0 : i32
      %dma_start3A_95 = arith.constant 0 : i32
      %dma_start3A_96 = tpu.memref_slice %arg15[%dma_start3A_94, %dma_start3A_95] : memref<10008x64xf32, #tpu.memory_space<vmem_shared>> -> memref<10008x64xf32, #tpu.memory_space<vmem_shared>>
      tpu.enqueue_indirect_dma source(%arg14 : memref<128x64xf32, #tpu.memory_space<vmem>>) target(%dma_start3A_96 : memref<10008x64xf32, #tpu.memory_space<vmem_shared>>) offsets(%dma_start3A_93 : memref<128xi32, #tpu.memory_space<vmem>>) semaphore(%run_scoped3A_90 : memref<!tpu.dma_semaphore, #tpu.memory_space<semaphore_mem>>) {add = true}
      %dma_wait3A_97 = arith.constant 0 : i32
      %dma_wait3A_98 = tpu.memref_slice %arg9[%run_scoped3A, %dma_wait3A_97] : memref<157x128xi32, #tpu.memory_space<vmem>> -> memref<1x128xi32, #tpu.memory_space<vmem>>
      %dma_wait3A_99 = tpu.memref_squeeze %dma_wait3A_98 : memref<1x128xi32, #tpu.memory_space<vmem>> -> memref<128xi32, #tpu.memory_space<vmem>>
      %dma_wait3A_100 = arith.constant 0 : i32
      %dma_wait3A_101 = arith.constant 0 : i32
      %dma_wait3A_102 = tpu.memref_slice %arg15[%dma_wait3A_100, %dma_wait3A_101] : memref<10008x64xf32, #tpu.memory_space<vmem_shared>> -> memref<10008x64xf32, #tpu.memory_space<vmem_shared>>
      tpu.wait_indirect_dma semaphore(%run_scoped3A_90 : memref<!tpu.dma_semaphore, #tpu.memory_space<semaphore_mem>>) src(%arg14 : memref<128x64xf32, #tpu.memory_space<vmem>>) dst(%dma_wait3A_102 : memref<10008x64xf32, #tpu.memory_space<vmem_shared>>)
      tpu.yield
    }) : () -> ()
    %barrier3A_79 = arith.constant 0 : index
    tpu.barrier barrier_id(%barrier3A_79)
    %lt3A_80 = arith.constant 15 : i32
    %lt3A_81 = arith.cmpi slt, %arg1, %lt3A_80 : i32
    %convert_element_type3A_82 = arith.extui %lt3A_81 : i1 to i32
    %cond3A_83 = arith.constant 0 : i32
    %cond3A_84 = arith.cmpi ne, %convert_element_type3A_82, %cond3A_83 : i32
    scf.if %cond3A_84 {
      %mul3A_90 = arith.constant 632 : i32
      %mul3A_91 = arith.muli %arg1, %mul3A_90 : i32
      %mul3A_92 = arith.constant 632 : i32
      %mul3A_93 = arith.muli %arg1, %mul3A_92 : i32
      "tpu.region"() ({
        %run_scoped3A_94 = tpu.sem_alloc : memref<!tpu.dma_semaphore, #tpu.memory_space<semaphore_mem>>
        %dma_start3A_95 = arith.constant 0 : i32
        %dma_start3A_96 = tpu.memref_slice %arg7[%arg0, %mul3A_93, %dma_start3A_95] : memref<2x10000x64xf32, #tpu.memory_space<hbm>> -> memref<1x632x64xf32, #tpu.memory_space<hbm>>
        %dma_start3A_97 = tpu.memref_squeeze %dma_start3A_96 : memref<1x632x64xf32, #tpu.memory_space<hbm>> -> memref<632x64xf32, #tpu.memory_space<hbm>>
        %dma_start3A_98 = arith.constant 0 : i32
        %dma_start3A_99 = tpu.memref_slice %arg15[%mul3A_91, %dma_start3A_98] : memref<10008x64xf32, #tpu.memory_space<vmem_shared>> -> memref<632x64xf32, #tpu.memory_space<vmem_shared>>
        tpu.enqueue_dma source(%dma_start3A_99 : memref<632x64xf32, #tpu.memory_space<vmem_shared>>) target(%dma_start3A_97 : memref<632x64xf32, #tpu.memory_space<hbm>>) target_semaphore(%run_scoped3A_94 : memref<!tpu.dma_semaphore, #tpu.memory_space<semaphore_mem>>)
        %dma_wait3A_100 = arith.constant 0 : i32
        %dma_wait3A_101 = tpu.memref_slice %arg7[%arg0, %mul3A_93, %dma_wait3A_100] : memref<2x10000x64xf32, #tpu.memory_space<hbm>> -> memref<1x632x64xf32, #tpu.memory_space<hbm>>
        %dma_wait3A_102 = tpu.memref_squeeze %dma_wait3A_101 : memref<1x632x64xf32, #tpu.memory_space<hbm>> -> memref<632x64xf32, #tpu.memory_space<hbm>>
        %dma_wait3A_103 = arith.constant 0 : i32
        %dma_wait3A_104 = tpu.memref_slice %arg15[%mul3A_91, %dma_wait3A_103] : memref<10008x64xf32, #tpu.memory_space<vmem_shared>> -> memref<632x64xf32, #tpu.memory_space<vmem_shared>>
        tpu.wait_dma2 semaphore(%run_scoped3A_94 : memref<!tpu.dma_semaphore, #tpu.memory_space<semaphore_mem>>) src(%dma_wait3A_104 : memref<632x64xf32, #tpu.memory_space<vmem_shared>>) dst(%dma_wait3A_102 : memref<632x64xf32, #tpu.memory_space<hbm>>)
        tpu.yield
      }) : () -> ()
    } else {
    }
    %eq3A_85 = arith.constant 15 : i32
    %eq3A_86 = arith.cmpi eq, %arg1, %eq3A_85 : i32
    %convert_element_type3A_87 = arith.extui %eq3A_86 : i1 to i32
    %cond3A_88 = arith.constant 0 : i32
    %cond3A_89 = arith.cmpi ne, %convert_element_type3A_87, %cond3A_88 : i32
    scf.if %cond3A_89 {
      "tpu.region"() ({
        %run_scoped3A_90 = tpu.sem_alloc : memref<!tpu.dma_semaphore, #tpu.memory_space<semaphore_mem>>
        %dma_start3A_91 = arith.constant 9480 : i32
        %dma_start3A_92 = arith.constant 0 : i32
        %dma_start3A_93 = tpu.memref_slice %arg7[%arg0, %dma_start3A_91, %dma_start3A_92] : memref<2x10000x64xf32, #tpu.memory_space<hbm>> -> memref<1x520x64xf32, #tpu.memory_space<hbm>>
        %dma_start3A_94 = tpu.memref_squeeze %dma_start3A_93 : memref<1x520x64xf32, #tpu.memory_space<hbm>> -> memref<520x64xf32, #tpu.memory_space<hbm>>
        %dma_start3A_95 = arith.constant 9480 : i32
        %dma_start3A_96 = arith.constant 0 : i32
        %dma_start3A_97 = tpu.memref_slice %arg15[%dma_start3A_95, %dma_start3A_96] : memref<10008x64xf32, #tpu.memory_space<vmem_shared>> -> memref<520x64xf32, #tpu.memory_space<vmem_shared>>
        tpu.enqueue_dma source(%dma_start3A_97 : memref<520x64xf32, #tpu.memory_space<vmem_shared>>) target(%dma_start3A_94 : memref<520x64xf32, #tpu.memory_space<hbm>>) target_semaphore(%run_scoped3A_90 : memref<!tpu.dma_semaphore, #tpu.memory_space<semaphore_mem>>)
        %dma_wait3A_98 = arith.constant 9480 : i32
        %dma_wait3A_99 = arith.constant 0 : i32
        %dma_wait3A_100 = tpu.memref_slice %arg7[%arg0, %dma_wait3A_98, %dma_wait3A_99] : memref<2x10000x64xf32, #tpu.memory_space<hbm>> -> memref<1x520x64xf32, #tpu.memory_space<hbm>>
        %dma_wait3A_101 = tpu.memref_squeeze %dma_wait3A_100 : memref<1x520x64xf32, #tpu.memory_space<hbm>> -> memref<520x64xf32, #tpu.memory_space<hbm>>
        %dma_wait3A_102 = arith.constant 9480 : i32
        %dma_wait3A_103 = arith.constant 0 : i32
        %dma_wait3A_104 = tpu.memref_slice %arg15[%dma_wait3A_102, %dma_wait3A_103] : memref<10008x64xf32, #tpu.memory_space<vmem_shared>> -> memref<520x64xf32, #tpu.memory_space<vmem_shared>>
        tpu.wait_dma2 semaphore(%run_scoped3A_90 : memref<!tpu.dma_semaphore, #tpu.memory_space<semaphore_mem>>) src(%dma_wait3A_104 : memref<520x64xf32, #tpu.memory_space<vmem_shared>>) dst(%dma_wait3A_101 : memref<520x64xf32, #tpu.memory_space<hbm>>)
        tpu.yield
      }) : () -> ()
    } else {
    }
    return
  }
}

#map = affine_map<(d0, d1) -> (0, 0, 0)>
#map1 = affine_map<(d0, d1) -> (0, 0)>
module attributes {stable_mosaic.version = 14 : i64} {
  func.func @k(%arg0: i32, %arg1: i32, %arg2: memref<2x10000x64xf32, #tpu.memory_space<hbm>>, %arg3: memref<40000x8x128xf32, #tpu.memory_space<hbm>>, %arg4: memref<16x157x128xi32, #tpu.memory_space<hbm>>, %arg5: memref<16x157x128xi32, #tpu.memory_space<hbm>>, %arg6: memref<10000x64xf32, #tpu.memory_space<hbm>>, %arg7: memref<2x10000x64xf32, #tpu.memory_space<hbm>>, %arg8: memref<157x128xi32, #tpu.memory_space<vmem>>, %arg9: memref<157x128xi32, #tpu.memory_space<vmem>>, %arg10: memref<128x64xf32, #tpu.memory_space<vmem>>, %arg11: memref<128x64xf32, #tpu.memory_space<vmem>>, %arg12: memref<16x8x64xf32, #tpu.memory_space<vmem>>, %arg13: memref<16x8x64xf32, #tpu.memory_space<vmem>>, %arg14: memref<128x64xf32, #tpu.memory_space<vmem>>, %arg15: memref<10008x64xf32, #tpu.memory_space<vmem_shared>>, %arg16: memref<!tpu.dma_semaphore, #tpu.memory_space<semaphore_mem>>, %arg17: memref<!tpu.dma_semaphore, #tpu.memory_space<semaphore_mem>>, %arg18: memref<!tpu.dma_semaphore, #tpu.memory_space<semaphore_mem>>, %arg19: memref<!tpu.dma_semaphore, #tpu.memory_space<semaphore_mem>>) attributes {dimension_semantics = [#tpu.dimension_semantics<core_parallel>, #tpu.dimension_semantics<subcore_parallel>], iteration_bounds = array<i64: 2, 16>, scalar_prefetch = 0 : i64, scratch_operands = 12 : i64, tpu.core_type = #tpu.core_type<sc_vector_subcore>, window_params = [{transform_indices = #map}, {transform_indices = #map}, {transform_indices = #map}, {transform_indices = #map}, {transform_indices = #map1}, {transform_indices = #map}]} {
    %mul3A = arith.constant 64 : i32
    %mul3A_0 = arith.muli %arg0, %mul3A : i32
    %lt3A = arith.constant 15 : i32
    %lt3A_1 = arith.cmpi slt, %arg1, %lt3A : i32
    %convert_element_type3A = arith.extui %lt3A_1 : i1 to i32
    %cond3A = arith.constant 0 : i32
    %cond3A_2 = arith.cmpi ne, %convert_element_type3A, %cond3A : i32
    scf.if %cond3A_2 {
      %mul3A_90 = arith.constant 632 : i32
      %mul3A_91 = arith.muli %arg1, %mul3A_90 : i32
      %mul3A_92 = arith.constant 632 : i32
      %mul3A_93 = arith.muli %arg1, %mul3A_92 : i32
      "tpu.region"() ({
        %run_scoped3A_94 = tpu.sem_alloc : memref<!tpu.dma_semaphore, #tpu.memory_space<semaphore_mem>>
        %dma_start3A_95 = arith.constant 0 : i32
        %dma_start3A_96 = tpu.memref_slice %arg15[%mul3A_93, %dma_start3A_95] : memref<10008x64xf32, #tpu.memory_space<vmem_shared>> -> memref<632x64xf32, #tpu.memory_space<vmem_shared>>
        %dma_start3A_97 = arith.constant 0 : i32
        %dma_start3A_98 = tpu.memref_slice %arg6[%mul3A_91, %dma_start3A_97] : memref<10000x64xf32, #tpu.memory_space<hbm>> -> memref<632x64xf32, #tpu.memory_space<hbm>>
        tpu.enqueue_dma source(%dma_start3A_98 : memref<632x64xf32, #tpu.memory_space<hbm>>) target(%dma_start3A_96 : memref<632x64xf32, #tpu.memory_space<vmem_shared>>) target_semaphore(%run_scoped3A_94 : memref<!tpu.dma_semaphore, #tpu.memory_space<semaphore_mem>>)
        %dma_wait3A_99 = arith.constant 0 : i32
        %dma_wait3A_100 = tpu.memref_slice %arg15[%mul3A_93, %dma_wait3A_99] : memref<10008x64xf32, #tpu.memory_space<vmem_shared>> -> memref<632x64xf32, #tpu.memory_space<vmem_shared>>
        %dma_wait3A_101 = arith.constant 0 : i32
        %dma_wait3A_102 = tpu.memref_slice %arg6[%mul3A_91, %dma_wait3A_101] : memref<10000x64xf32, #tpu.memory_space<hbm>> -> memref<632x64xf32, #tpu.memory_space<hbm>>
        tpu.wait_dma2 semaphore(%run_scoped3A_94 : memref<!tpu.dma_semaphore, #tpu.memory_space<semaphore_mem>>) src(%dma_wait3A_102 : memref<632x64xf32, #tpu.memory_space<hbm>>) dst(%dma_wait3A_100 : memref<632x64xf32, #tpu.memory_space<vmem_shared>>)
        tpu.yield
      }) : () -> ()
    } else {
    }
    %eq3A = arith.constant 15 : i32
    %eq3A_3 = arith.cmpi eq, %arg1, %eq3A : i32
    %convert_element_type3A_4 = arith.extui %eq3A_3 : i1 to i32
    %cond3A_5 = arith.constant 0 : i32
    %cond3A_6 = arith.cmpi ne, %convert_element_type3A_4, %cond3A_5 : i32
    scf.if %cond3A_6 {
      "tpu.region"() ({
        %run_scoped3A_90 = tpu.sem_alloc : memref<!tpu.dma_semaphore, #tpu.memory_space<semaphore_mem>>
        %dma_start3A_91 = arith.constant 9480 : i32
        %dma_start3A_92 = arith.constant 0 : i32
        %dma_start3A_93 = tpu.memref_slice %arg15[%dma_start3A_91, %dma_start3A_92] : memref<10008x64xf32, #tpu.memory_space<vmem_shared>> -> memref<520x64xf32, #tpu.memory_space<vmem_shared>>
        %dma_start3A_94 = arith.constant 9480 : i32
        %dma_start3A_95 = arith.constant 0 : i32
        %dma_start3A_96 = tpu.memref_slice %arg6[%dma_start3A_94, %dma_start3A_95] : memref<10000x64xf32, #tpu.memory_space<hbm>> -> memref<520x64xf32, #tpu.memory_space<hbm>>
        tpu.enqueue_dma source(%dma_start3A_96 : memref<520x64xf32, #tpu.memory_space<hbm>>) target(%dma_start3A_93 : memref<520x64xf32, #tpu.memory_space<vmem_shared>>) target_semaphore(%run_scoped3A_90 : memref<!tpu.dma_semaphore, #tpu.memory_space<semaphore_mem>>)
        %dma_wait3A_97 = arith.constant 9480 : i32
        %dma_wait3A_98 = arith.constant 0 : i32
        %dma_wait3A_99 = tpu.memref_slice %arg15[%dma_wait3A_97, %dma_wait3A_98] : memref<10008x64xf32, #tpu.memory_space<vmem_shared>> -> memref<520x64xf32, #tpu.memory_space<vmem_shared>>
        %dma_wait3A_100 = arith.constant 9480 : i32
        %dma_wait3A_101 = arith.constant 0 : i32
        %dma_wait3A_102 = tpu.memref_slice %arg6[%dma_wait3A_100, %dma_wait3A_101] : memref<10000x64xf32, #tpu.memory_space<hbm>> -> memref<520x64xf32, #tpu.memory_space<hbm>>
        tpu.wait_dma2 semaphore(%run_scoped3A_90 : memref<!tpu.dma_semaphore, #tpu.memory_space<semaphore_mem>>) src(%dma_wait3A_102 : memref<520x64xf32, #tpu.memory_space<hbm>>) dst(%dma_wait3A_99 : memref<520x64xf32, #tpu.memory_space<vmem_shared>>)
        tpu.yield
      }) : () -> ()
    } else {
    }
    "tpu.region"() ({
      %run_scoped3A_90 = tpu.sem_alloc : memref<!tpu.dma_semaphore, #tpu.memory_space<semaphore_mem>>
      %dma_start3A_91 = arith.constant 0 : i32
      %dma_start3A_92 = arith.constant 0 : i32
      %dma_start3A_93 = tpu.memref_slice %arg4[%arg1, %dma_start3A_91, %dma_start3A_92] : memref<16x157x128xi32, #tpu.memory_space<hbm>> -> memref<1x157x128xi32, #tpu.memory_space<hbm>>
      %dma_start3A_94 = tpu.memref_squeeze %dma_start3A_93 : memref<1x157x128xi32, #tpu.memory_space<hbm>> -> memref<157x128xi32, #tpu.memory_space<hbm>>
      %dma_start3A_95 = arith.constant 0 : i32
      %dma_start3A_96 = arith.constant 0 : i32
      %dma_start3A_97 = tpu.memref_slice %arg4[%arg1, %dma_start3A_95, %dma_start3A_96] : memref<16x157x128xi32, #tpu.memory_space<hbm>> -> memref<1x157x128xi32, #tpu.memory_space<hbm>>
      %dma_start3A_98 = tpu.memref_squeeze %dma_start3A_97 : memref<1x157x128xi32, #tpu.memory_space<hbm>> -> memref<157x128xi32, #tpu.memory_space<hbm>>
      tpu.enqueue_dma source(%dma_start3A_98 : memref<157x128xi32, #tpu.memory_space<hbm>>) target(%arg8 : memref<157x128xi32, #tpu.memory_space<vmem>>) target_semaphore(%run_scoped3A_90 : memref<!tpu.dma_semaphore, #tpu.memory_space<semaphore_mem>>)
      %dma_wait3A_99 = arith.constant 0 : i32
      %dma_wait3A_100 = arith.constant 0 : i32
      %dma_wait3A_101 = tpu.memref_slice %arg4[%arg1, %dma_wait3A_99, %dma_wait3A_100] : memref<16x157x128xi32, #tpu.memory_space<hbm>> -> memref<1x157x128xi32, #tpu.memory_space<hbm>>
      %dma_wait3A_102 = tpu.memref_squeeze %dma_wait3A_101 : memref<1x157x128xi32, #tpu.memory_space<hbm>> -> memref<157x128xi32, #tpu.memory_space<hbm>>
      %dma_wait3A_103 = arith.constant 0 : i32
      %dma_wait3A_104 = arith.constant 0 : i32
      %dma_wait3A_105 = tpu.memref_slice %arg4[%arg1, %dma_wait3A_103, %dma_wait3A_104] : memref<16x157x128xi32, #tpu.memory_space<hbm>> -> memref<1x157x128xi32, #tpu.memory_space<hbm>>
      %dma_wait3A_106 = tpu.memref_squeeze %dma_wait3A_105 : memref<1x157x128xi32, #tpu.memory_space<hbm>> -> memref<157x128xi32, #tpu.memory_space<hbm>>
      tpu.wait_dma2 semaphore(%run_scoped3A_90 : memref<!tpu.dma_semaphore, #tpu.memory_space<semaphore_mem>>) src(%dma_wait3A_106 : memref<157x128xi32, #tpu.memory_space<hbm>>) dst(%arg8 : memref<157x128xi32, #tpu.memory_space<vmem>>)
      tpu.yield
    }) : () -> ()
    "tpu.region"() ({
      %run_scoped3A_90 = tpu.sem_alloc : memref<!tpu.dma_semaphore, #tpu.memory_space<semaphore_mem>>
      %dma_start3A_91 = arith.constant 0 : i32
      %dma_start3A_92 = arith.constant 0 : i32
      %dma_start3A_93 = tpu.memref_slice %arg5[%arg1, %dma_start3A_91, %dma_start3A_92] : memref<16x157x128xi32, #tpu.memory_space<hbm>> -> memref<1x157x128xi32, #tpu.memory_space<hbm>>
      %dma_start3A_94 = tpu.memref_squeeze %dma_start3A_93 : memref<1x157x128xi32, #tpu.memory_space<hbm>> -> memref<157x128xi32, #tpu.memory_space<hbm>>
      %dma_start3A_95 = arith.constant 0 : i32
      %dma_start3A_96 = arith.constant 0 : i32
      %dma_start3A_97 = tpu.memref_slice %arg5[%arg1, %dma_start3A_95, %dma_start3A_96] : memref<16x157x128xi32, #tpu.memory_space<hbm>> -> memref<1x157x128xi32, #tpu.memory_space<hbm>>
      %dma_start3A_98 = tpu.memref_squeeze %dma_start3A_97 : memref<1x157x128xi32, #tpu.memory_space<hbm>> -> memref<157x128xi32, #tpu.memory_space<hbm>>
      tpu.enqueue_dma source(%dma_start3A_98 : memref<157x128xi32, #tpu.memory_space<hbm>>) target(%arg9 : memref<157x128xi32, #tpu.memory_space<vmem>>) target_semaphore(%run_scoped3A_90 : memref<!tpu.dma_semaphore, #tpu.memory_space<semaphore_mem>>)
      %dma_wait3A_99 = arith.constant 0 : i32
      %dma_wait3A_100 = arith.constant 0 : i32
      %dma_wait3A_101 = tpu.memref_slice %arg5[%arg1, %dma_wait3A_99, %dma_wait3A_100] : memref<16x157x128xi32, #tpu.memory_space<hbm>> -> memref<1x157x128xi32, #tpu.memory_space<hbm>>
      %dma_wait3A_102 = tpu.memref_squeeze %dma_wait3A_101 : memref<1x157x128xi32, #tpu.memory_space<hbm>> -> memref<157x128xi32, #tpu.memory_space<hbm>>
      %dma_wait3A_103 = arith.constant 0 : i32
      %dma_wait3A_104 = arith.constant 0 : i32
      %dma_wait3A_105 = tpu.memref_slice %arg5[%arg1, %dma_wait3A_103, %dma_wait3A_104] : memref<16x157x128xi32, #tpu.memory_space<hbm>> -> memref<1x157x128xi32, #tpu.memory_space<hbm>>
      %dma_wait3A_106 = tpu.memref_squeeze %dma_wait3A_105 : memref<1x157x128xi32, #tpu.memory_space<hbm>> -> memref<157x128xi32, #tpu.memory_space<hbm>>
      tpu.wait_dma2 semaphore(%run_scoped3A_90 : memref<!tpu.dma_semaphore, #tpu.memory_space<semaphore_mem>>) src(%dma_wait3A_106 : memref<157x128xi32, #tpu.memory_space<hbm>>) dst(%arg9 : memref<157x128xi32, #tpu.memory_space<vmem>>)
      tpu.yield
    }) : () -> ()
    %barrier3A = arith.constant 0 : index
    tpu.barrier barrier_id(%barrier3A)
    %mul3A_7 = arith.constant 20000 : i32
    %mul3A_8 = arith.muli %arg1, %mul3A_7 : i32
    %min3A = arith.constant 0 : i32
    %min3A_9 = arith.constant 19872 : i32
    %min3A_10 = arith.minsi %min3A, %min3A_9 : i32
    %add3A = arith.addi %mul3A_8, %min3A_10 : i32
    %dma_start3A = arith.constant 0 : i32
    %dma_start3A_11 = arith.constant 0 : i32
    %dma_start3A_12 = tpu.memref_slice %arg8[%dma_start3A, %dma_start3A_11] : memref<157x128xi32, #tpu.memory_space<vmem>> -> memref<1x128xi32, #tpu.memory_space<vmem>>
    %dma_start3A_13 = tpu.memref_squeeze %dma_start3A_12 : memref<1x128xi32, #tpu.memory_space<vmem>> -> memref<128xi32, #tpu.memory_space<vmem>>
    %dma_start3A_14 = arith.constant 0 : i32
    %dma_start3A_15 = arith.constant 0 : i32
    %dma_start3A_16 = tpu.memref_slice %arg2[%arg0, %dma_start3A_14, %dma_start3A_15] : memref<2x10000x64xf32, #tpu.memory_space<hbm>> -> memref<1x10000x64xf32, #tpu.memory_space<hbm>>
    %dma_start3A_17 = tpu.memref_squeeze %dma_start3A_16 : memref<1x10000x64xf32, #tpu.memory_space<hbm>> -> memref<10000x64xf32, #tpu.memory_space<hbm>>
    %dma_start3A_18 = arith.constant 0 : i32
    %dma_start3A_19 = arith.constant 0 : i32
    %dma_start3A_20 = tpu.memref_slice %dma_start3A_17[%dma_start3A_18, %dma_start3A_19] : memref<10000x64xf32, #tpu.memory_space<hbm>> -> memref<10000x64xf32, #tpu.memory_space<hbm>>
    tpu.enqueue_indirect_dma source(%dma_start3A_20 : memref<10000x64xf32, #tpu.memory_space<hbm>>) target(%arg10 : memref<128x64xf32, #tpu.memory_space<vmem>>) offsets(%dma_start3A_13 : memref<128xi32, #tpu.memory_space<vmem>>) semaphore(%arg16 : memref<!tpu.dma_semaphore, #tpu.memory_space<semaphore_mem>>)
    %div3A = arith.constant 8 : i32
    %div3A_21 = arith.divsi %add3A, %div3A : i32
    %dma_start3A_22 = arith.constant 0 : i32
    %dma_start3A_23 = tpu.memref_slice %arg3[%div3A_21, %dma_start3A_22, %mul3A_0] : memref<40000x8x128xf32, #tpu.memory_space<hbm>> -> memref<16x8x64xf32, #tpu.memory_space<hbm>>
    %dma_start3A_24 = arith.constant 0 : i32
    %dma_start3A_25 = tpu.memref_slice %arg3[%div3A_21, %dma_start3A_24, %mul3A_0] : memref<40000x8x128xf32, #tpu.memory_space<hbm>> -> memref<16x8x64xf32, #tpu.memory_space<hbm>>
    tpu.enqueue_dma source(%dma_start3A_25 : memref<16x8x64xf32, #tpu.memory_space<hbm>>) target(%arg12 : memref<16x8x64xf32, #tpu.memory_space<vmem>>) target_semaphore(%arg18 : memref<!tpu.dma_semaphore, #tpu.memory_space<semaphore_mem>>)
    %mul3A_26 = arith.constant 20000 : i32
    %mul3A_27 = arith.muli %arg1, %mul3A_26 : i32
    %min3A_28 = arith.constant 128 : i32
    %min3A_29 = arith.constant 19872 : i32
    %min3A_30 = arith.minsi %min3A_28, %min3A_29 : i32
    %add3A_31 = arith.addi %mul3A_27, %min3A_30 : i32
    %dma_start3A_32 = arith.constant 1 : i32
    %dma_start3A_33 = arith.constant 0 : i32
    %dma_start3A_34 = tpu.memref_slice %arg8[%dma_start3A_32, %dma_start3A_33] : memref<157x128xi32, #tpu.memory_space<vmem>> -> memref<1x128xi32, #tpu.memory_space<vmem>>
    %dma_start3A_35 = tpu.memref_squeeze %dma_start3A_34 : memref<1x128xi32, #tpu.memory_space<vmem>> -> memref<128xi32, #tpu.memory_space<vmem>>
    %dma_start3A_36 = arith.constant 0 : i32
    %dma_start3A_37 = arith.constant 0 : i32
    %dma_start3A_38 = tpu.memref_slice %arg2[%arg0, %dma_start3A_36, %dma_start3A_37] : memref<2x10000x64xf32, #tpu.memory_space<hbm>> -> memref<1x10000x64xf32, #tpu.memory_space<hbm>>
    %dma_start3A_39 = tpu.memref_squeeze %dma_start3A_38 : memref<1x10000x64xf32, #tpu.memory_space<hbm>> -> memref<10000x64xf32, #tpu.memory_space<hbm>>
    %dma_start3A_40 = arith.constant 0 : i32
    %dma_start3A_41 = arith.constant 0 : i32
    %dma_start3A_42 = tpu.memref_slice %dma_start3A_39[%dma_start3A_40, %dma_start3A_41] : memref<10000x64xf32, #tpu.memory_space<hbm>> -> memref<10000x64xf32, #tpu.memory_space<hbm>>
    tpu.enqueue_indirect_dma source(%dma_start3A_42 : memref<10000x64xf32, #tpu.memory_space<hbm>>) target(%arg11 : memref<128x64xf32, #tpu.memory_space<vmem>>) offsets(%dma_start3A_35 : memref<128xi32, #tpu.memory_space<vmem>>) semaphore(%arg17 : memref<!tpu.dma_semaphore, #tpu.memory_space<semaphore_mem>>)
    %div3A_43 = arith.constant 8 : i32
    %div3A_44 = arith.divsi %add3A_31, %div3A_43 : i32
    %dma_start3A_45 = arith.constant 0 : i32
    %dma_start3A_46 = tpu.memref_slice %arg3[%div3A_44, %dma_start3A_45, %mul3A_0] : memref<40000x8x128xf32, #tpu.memory_space<hbm>> -> memref<16x8x64xf32, #tpu.memory_space<hbm>>
    %dma_start3A_47 = arith.constant 0 : i32
    %dma_start3A_48 = tpu.memref_slice %arg3[%div3A_44, %dma_start3A_47, %mul3A_0] : memref<40000x8x128xf32, #tpu.memory_space<hbm>> -> memref<16x8x64xf32, #tpu.memory_space<hbm>>
    tpu.enqueue_dma source(%dma_start3A_48 : memref<16x8x64xf32, #tpu.memory_space<hbm>>) target(%arg13 : memref<16x8x64xf32, #tpu.memory_space<vmem>>) target_semaphore(%arg19 : memref<!tpu.dma_semaphore, #tpu.memory_space<semaphore_mem>>)
    %scan3A = arith.constant 0 : i32
    %scan3A_49 = arith.constant 78 : i32
    %scan3A_50 = arith.addi %scan3A, %scan3A_49 : i32
    %scan3A_51 = arith.constant 1 : i32
    scf.for %scan3A_90 = %scan3A to %scan3A_50 step %scan3A_51  : i32 {
      %mul3A_91 = arith.constant 2 : i32
      %mul3A_92 = arith.muli %scan3A_90, %mul3A_91 : i32
      %add3A_93 = arith.constant 0 : i32
      %add3A_94 = arith.addi %add3A_93, %mul3A_92 : i32
      %dma_wait3A_95 = arith.constant 0 : i32
      %dma_wait3A_96 = arith.constant 0 : i32
      %dma_wait3A_97 = tpu.memref_slice %arg2[%arg0, %dma_wait3A_95, %dma_wait3A_96] : memref<2x10000x64xf32, #tpu.memory_space<hbm>> -> memref<1x10000x64xf32, #tpu.memory_space<hbm>>
      %dma_wait3A_98 = tpu.memref_squeeze %dma_wait3A_97 : memref<1x10000x64xf32, #tpu.memory_space<hbm>> -> memref<10000x64xf32, #tpu.memory_space<hbm>>
      %dma_wait3A_99 = arith.constant 0 : i32
      %dma_wait3A_100 = arith.constant 0 : i32
      %dma_wait3A_101 = tpu.memref_slice %dma_wait3A_98[%dma_wait3A_99, %dma_wait3A_100] : memref<10000x64xf32, #tpu.memory_space<hbm>> -> memref<128x64xf32, #tpu.memory_space<hbm>>
      %dma_wait3A_102 = arith.constant 0 : i32
      %dma_wait3A_103 = arith.constant 0 : i32
      %dma_wait3A_104 = tpu.memref_slice %arg2[%arg0, %dma_wait3A_102, %dma_wait3A_103] : memref<2x10000x64xf32, #tpu.memory_space<hbm>> -> memref<1x10000x64xf32, #tpu.memory_space<hbm>>
      %dma_wait3A_105 = tpu.memref_squeeze %dma_wait3A_104 : memref<1x10000x64xf32, #tpu.memory_space<hbm>> -> memref<10000x64xf32, #tpu.memory_space<hbm>>
      %dma_wait3A_106 = arith.constant 0 : i32
      %dma_wait3A_107 = arith.constant 0 : i32
      %dma_wait3A_108 = tpu.memref_slice %dma_wait3A_105[%dma_wait3A_106, %dma_wait3A_107] : memref<10000x64xf32, #tpu.memory_space<hbm>> -> memref<128x64xf32, #tpu.memory_space<hbm>>
      tpu.wait_dma2 semaphore(%arg16 : memref<!tpu.dma_semaphore, #tpu.memory_space<semaphore_mem>>) src(%dma_wait3A_108 : memref<128x64xf32, #tpu.memory_space<hbm>>) dst(%arg10 : memref<128x64xf32, #tpu.memory_space<vmem>>)
      %dma_wait3A_109 = arith.constant 0 : i32
      %dma_wait3A_110 = arith.constant 0 : i32
      %dma_wait3A_111 = arith.constant 0 : i32
      %dma_wait3A_112 = tpu.memref_slice %arg3[%dma_wait3A_109, %dma_wait3A_110, %dma_wait3A_111] : memref<40000x8x128xf32, #tpu.memory_space<hbm>> -> memref<16x8x64xf32, #tpu.memory_space<hbm>>
      %dma_wait3A_113 = arith.constant 0 : i32
      %dma_wait3A_114 = arith.constant 0 : i32
      %dma_wait3A_115 = arith.constant 0 : i32
      %dma_wait3A_116 = tpu.memref_slice %arg3[%dma_wait3A_113, %dma_wait3A_114, %dma_wait3A_115] : memref<40000x8x128xf32, #tpu.memory_space<hbm>> -> memref<16x8x64xf32, #tpu.memory_space<hbm>>
      tpu.wait_dma2 semaphore(%arg18 : memref<!tpu.dma_semaphore, #tpu.memory_space<semaphore_mem>>) src(%dma_wait3A_116 : memref<16x8x64xf32, #tpu.memory_space<hbm>>) dst(%arg12 : memref<16x8x64xf32, #tpu.memory_space<vmem>>)
      %scan3A_117 = arith.constant 0 : i32
      %scan3A_118 = arith.constant 128 : i32
      %scan3A_119 = arith.addi %scan3A_117, %scan3A_118 : i32
      %scan3A_120 = arith.constant 1 : i32
      scf.for %scan3A_165 = %scan3A_117 to %scan3A_119 step %scan3A_120  : i32 {
        %mul3A_166 = arith.constant 1 : i32
        %mul3A_167 = arith.muli %scan3A_165, %mul3A_166 : i32
        %add3A_168 = arith.constant 0 : i32
        %add3A_169 = arith.addi %add3A_168, %mul3A_167 : i32
        %div3A_170 = arith.constant 8 : i32
        %div3A_171 = arith.divsi %add3A_169, %div3A_170 : i32
        %rem3A = arith.constant 8 : i32
        %rem3A_172 = arith.remsi %add3A_169, %rem3A : i32
        %get3A = arith.index_cast %add3A_169 : i32 to index
        %get3A_173 = arith.constant 0 : index
        %get3A_174 = tpu.vector_load %arg10[%get3A, %get3A_173] {strides = array<i32>} : memref<128x64xf32, #tpu.memory_space<vmem>>, vector<1x16xf32>,
        %get3A_175 = vector.shape_cast %get3A_174 : vector<1x16xf32> to vector<16xf32>
        %get3A_176 = arith.index_cast %div3A_171 : i32 to index
        %get3A_177 = arith.index_cast %rem3A_172 : i32 to index
        %get3A_178 = arith.constant 0 : index
        %get3A_179 = tpu.vector_load %arg12[%get3A_176, %get3A_177, %get3A_178] {strides = array<i32>} : memref<16x8x64xf32, #tpu.memory_space<vmem>>, vector<1x1x16xf32>,
        %get3A_180 = vector.shape_cast %get3A_179 : vector<1x1x16xf32> to vector<16xf32>
        %add3A_181 = arith.addf %get3A_175, %get3A_180 : vector<16xf32>
        %max3A = arith.constant 0.000000e+00 : f32
        %max3A_182 = vector.broadcast %max3A : f32 to vector<16xf32>
        %max3A_183 = arith.maximumf %add3A_181, %max3A_182 : vector<16xf32>
        %swap3A = arith.index_cast %add3A_169 : i32 to index
        %swap3A_184 = arith.constant 0 : index
        %swap3A_185 = tpu.vector_load %arg14[%swap3A, %swap3A_184] {strides = array<i32>} : memref<128x64xf32, #tpu.memory_space<vmem>>, vector<1x16xf32>,
        %swap3A_186 = vector.shape_cast %swap3A_185 : vector<1x16xf32> to vector<16xf32>
        %swap3A_187 = vector.shape_cast %max3A_183 : vector<16xf32> to vector<1x16xf32>
        tpu.vector_store %arg14[%swap3A, %swap3A_184], %swap3A_187 {strides = array<i32>} : memref<128x64xf32, #tpu.memory_space<vmem>>, vector<1x16xf32>,
        %get3A_188 = arith.index_cast %add3A_169 : i32 to index
        %get3A_189 = arith.constant 16 : index
        %get3A_190 = tpu.vector_load %arg10[%get3A_188, %get3A_189] {strides = array<i32>} : memref<128x64xf32, #tpu.memory_space<vmem>>, vector<1x16xf32>,
        %get3A_191 = vector.shape_cast %get3A_190 : vector<1x16xf32> to vector<16xf32>
        %get3A_192 = arith.index_cast %div3A_171 : i32 to index
        %get3A_193 = arith.index_cast %rem3A_172 : i32 to index
        %get3A_194 = arith.constant 16 : index
        %get3A_195 = tpu.vector_load %arg12[%get3A_192, %get3A_193, %get3A_194] {strides = array<i32>} : memref<16x8x64xf32, #tpu.memory_space<vmem>>, vector<1x1x16xf32>,
        %get3A_196 = vector.shape_cast %get3A_195 : vector<1x1x16xf32> to vector<16xf32>
        %add3A_197 = arith.addf %get3A_191, %get3A_196 : vector<16xf32>
        %max3A_198 = arith.constant 0.000000e+00 : f32
        %max3A_199 = vector.broadcast %max3A_198 : f32 to vector<16xf32>
        %max3A_200 = arith.maximumf %add3A_197, %max3A_199 : vector<16xf32>
        %swap3A_201 = arith.index_cast %add3A_169 : i32 to index
        %swap3A_202 = arith.constant 16 : index
        %swap3A_203 = tpu.vector_load %arg14[%swap3A_201, %swap3A_202] {strides = array<i32>} : memref<128x64xf32, #tpu.memory_space<vmem>>, vector<1x16xf32>,
        %swap3A_204 = vector.shape_cast %swap3A_203 : vector<1x16xf32> to vector<16xf32>
        %swap3A_205 = vector.shape_cast %max3A_200 : vector<16xf32> to vector<1x16xf32>
        tpu.vector_store %arg14[%swap3A_201, %swap3A_202], %swap3A_205 {strides = array<i32>} : memref<128x64xf32, #tpu.memory_space<vmem>>, vector<1x16xf32>,
        %get3A_206 = arith.index_cast %add3A_169 : i32 to index
        %get3A_207 = arith.constant 32 : index
        %get3A_208 = tpu.vector_load %arg10[%get3A_206, %get3A_207] {strides = array<i32>} : memref<128x64xf32, #tpu.memory_space<vmem>>, vector<1x16xf32>,
        %get3A_209 = vector.shape_cast %get3A_208 : vector<1x16xf32> to vector<16xf32>
        %get3A_210 = arith.index_cast %div3A_171 : i32 to index
        %get3A_211 = arith.index_cast %rem3A_172 : i32 to index
        %get3A_212 = arith.constant 32 : index
        %get3A_213 = tpu.vector_load %arg12[%get3A_210, %get3A_211, %get3A_212] {strides = array<i32>} : memref<16x8x64xf32, #tpu.memory_space<vmem>>, vector<1x1x16xf32>,
        %get3A_214 = vector.shape_cast %get3A_213 : vector<1x1x16xf32> to vector<16xf32>
        %add3A_215 = arith.addf %get3A_209, %get3A_214 : vector<16xf32>
        %max3A_216 = arith.constant 0.000000e+00 : f32
        %max3A_217 = vector.broadcast %max3A_216 : f32 to vector<16xf32>
        %max3A_218 = arith.maximumf %add3A_215, %max3A_217 : vector<16xf32>
        %swap3A_219 = arith.index_cast %add3A_169 : i32 to index
        %swap3A_220 = arith.constant 32 : index
        %swap3A_221 = tpu.vector_load %arg14[%swap3A_219, %swap3A_220] {strides = array<i32>} : memref<128x64xf32, #tpu.memory_space<vmem>>, vector<1x16xf32>,
        %swap3A_222 = vector.shape_cast %swap3A_221 : vector<1x16xf32> to vector<16xf32>
        %swap3A_223 = vector.shape_cast %max3A_218 : vector<16xf32> to vector<1x16xf32>
        tpu.vector_store %arg14[%swap3A_219, %swap3A_220], %swap3A_223 {strides = array<i32>} : memref<128x64xf32, #tpu.memory_space<vmem>>, vector<1x16xf32>,
        %get3A_224 = arith.index_cast %add3A_169 : i32 to index
        %get3A_225 = arith.constant 48 : index
        %get3A_226 = tpu.vector_load %arg10[%get3A_224, %get3A_225] {strides = array<i32>} : memref<128x64xf32, #tpu.memory_space<vmem>>, vector<1x16xf32>,
        %get3A_227 = vector.shape_cast %get3A_226 : vector<1x16xf32> to vector<16xf32>
        %get3A_228 = arith.index_cast %div3A_171 : i32 to index
        %get3A_229 = arith.index_cast %rem3A_172 : i32 to index
        %get3A_230 = arith.constant 48 : index
        %get3A_231 = tpu.vector_load %arg12[%get3A_228, %get3A_229, %get3A_230] {strides = array<i32>} : memref<16x8x64xf32, #tpu.memory_space<vmem>>, vector<1x1x16xf32>,
        %get3A_232 = vector.shape_cast %get3A_231 : vector<1x1x16xf32> to vector<16xf32>
        %add3A_233 = arith.addf %get3A_227, %get3A_232 : vector<16xf32>
        %max3A_234 = arith.constant 0.000000e+00 : f32
        %max3A_235 = vector.broadcast %max3A_234 : f32 to vector<16xf32>
        %max3A_236 = arith.maximumf %add3A_233, %max3A_235 : vector<16xf32>
        %swap3A_237 = arith.index_cast %add3A_169 : i32 to index
        %swap3A_238 = arith.constant 48 : index
        %swap3A_239 = tpu.vector_load %arg14[%swap3A_237, %swap3A_238] {strides = array<i32>} : memref<128x64xf32, #tpu.memory_space<vmem>>, vector<1x16xf32>,
        %swap3A_240 = vector.shape_cast %swap3A_239 : vector<1x16xf32> to vector<16xf32>
        %swap3A_241 = vector.shape_cast %max3A_236 : vector<16xf32> to vector<1x16xf32>
        tpu.vector_store %arg14[%swap3A_237, %swap3A_238], %swap3A_241 {strides = array<i32>} : memref<128x64xf32, #tpu.memory_space<vmem>>, vector<1x16xf32>,
      }
      %scan3A_121 = arith.constant 128 : i32
      %add3A_122 = arith.constant 2 : i32
      %add3A_123 = arith.addi %add3A_94, %add3A_122 : i32
      %lt3A_124 = arith.constant 157 : i32
      %lt3A_125 = arith.cmpi slt, %add3A_123, %lt3A_124 : i32
      %convert_element_type3A_126 = arith.extui %lt3A_125 : i1 to i32
      %cond3A_127 = arith.constant 0 : i32
      %cond3A_128 = arith.cmpi ne, %convert_element_type3A_126, %cond3A_127 : i32
      scf.if %cond3A_128 {
        %add3A_165 = arith.constant 2 : i32
        %add3A_166 = arith.addi %add3A_94, %add3A_165 : i32
        %mul3A_167 = arith.constant 20000 : i32
        %mul3A_168 = arith.muli %arg1, %mul3A_167 : i32
        %mul3A_169 = arith.constant 128 : i32
        %mul3A_170 = arith.muli %add3A_166, %mul3A_169 : i32
        %min3A_171 = arith.constant 19872 : i32
        %min3A_172 = arith.minsi %mul3A_170, %min3A_171 : i32
        %add3A_173 = arith.addi %mul3A_168, %min3A_172 : i32
        %dma_start3A_174 = arith.constant 0 : i32
        %dma_start3A_175 = tpu.memref_slice %arg8[%add3A_166, %dma_start3A_174] : memref<157x128xi32, #tpu.memory_space<vmem>> -> memref<1x128xi32, #tpu.memory_space<vmem>>
        %dma_start3A_176 = tpu.memref_squeeze %dma_start3A_175 : memref<1x128xi32, #tpu.memory_space<vmem>> -> memref<128xi32, #tpu.memory_space<vmem>>
        %dma_start3A_177 = arith.constant 0 : i32
        %dma_start3A_178 = arith.constant 0 : i32
        %dma_start3A_179 = tpu.memref_slice %arg2[%arg0, %dma_start3A_177, %dma_start3A_178] : memref<2x10000x64xf32, #tpu.memory_space<hbm>> -> memref<1x10000x64xf32, #tpu.memory_space<hbm>>
        %dma_start3A_180 = tpu.memref_squeeze %dma_start3A_179 : memref<1x10000x64xf32, #tpu.memory_space<hbm>> -> memref<10000x64xf32, #tpu.memory_space<hbm>>
        %dma_start3A_181 = arith.constant 0 : i32
        %dma_start3A_182 = arith.constant 0 : i32
        %dma_start3A_183 = tpu.memref_slice %dma_start3A_180[%dma_start3A_181, %dma_start3A_182] : memref<10000x64xf32, #tpu.memory_space<hbm>> -> memref<10000x64xf32, #tpu.memory_space<hbm>>
        tpu.enqueue_indirect_dma source(%dma_start3A_183 : memref<10000x64xf32, #tpu.memory_space<hbm>>) target(%arg10 : memref<128x64xf32, #tpu.memory_space<vmem>>) offsets(%dma_start3A_176 : memref<128xi32, #tpu.memory_space<vmem>>) semaphore(%arg16 : memref<!tpu.dma_semaphore, #tpu.memory_space<semaphore_mem>>)
        %div3A_184 = arith.constant 8 : i32
        %div3A_185 = arith.divsi %add3A_173, %div3A_184 : i32
        %dma_start3A_186 = arith.constant 0 : i32
        %dma_start3A_187 = tpu.memref_slice %arg3[%div3A_185, %dma_start3A_186, %mul3A_0] : memref<40000x8x128xf32, #tpu.memory_space<hbm>> -> memref<16x8x64xf32, #tpu.memory_space<hbm>>
        %dma_start3A_188 = arith.constant 0 : i32
        %dma_start3A_189 = tpu.memref_slice %arg3[%div3A_185, %dma_start3A_188, %mul3A_0] : memref<40000x8x128xf32, #tpu.memory_space<hbm>> -> memref<16x8x64xf32, #tpu.memory_space<hbm>>
        tpu.enqueue_dma source(%dma_start3A_189 : memref<16x8x64xf32, #tpu.memory_space<hbm>>) target(%arg12 : memref<16x8x64xf32, #tpu.memory_space<vmem>>) target_semaphore(%arg18 : memref<!tpu.dma_semaphore, #tpu.memory_space<semaphore_mem>>)
      } else {
      }
      "tpu.region"() ({
        %run_scoped3A_165 = tpu.sem_alloc : memref<!tpu.dma_semaphore, #tpu.memory_space<semaphore_mem>>
        %dma_start3A_166 = arith.constant 0 : i32
        %dma_start3A_167 = tpu.memref_slice %arg9[%add3A_94, %dma_start3A_166] : memref<157x128xi32, #tpu.memory_space<vmem>> -> memref<1x128xi32, #tpu.memory_space<vmem>>
        %dma_start3A_168 = tpu.memref_squeeze %dma_start3A_167 : memref<1x128xi32, #tpu.memory_space<vmem>> -> memref<128xi32, #tpu.memory_space<vmem>>
        %dma_start3A_169 = arith.constant 0 : i32
        %dma_start3A_170 = arith.constant 0 : i32
        %dma_start3A_171 = tpu.memref_slice %arg15[%dma_start3A_169, %dma_start3A_170] : memref<10008x64xf32, #tpu.memory_space<vmem_shared>> -> memref<10008x64xf32, #tpu.memory_space<vmem_shared>>
        tpu.enqueue_indirect_dma source(%arg14 : memref<128x64xf32, #tpu.memory_space<vmem>>) target(%dma_start3A_171 : memref<10008x64xf32, #tpu.memory_space<vmem_shared>>) offsets(%dma_start3A_168 : memref<128xi32, #tpu.memory_space<vmem>>) semaphore(%run_scoped3A_165 : memref<!tpu.dma_semaphore, #tpu.memory_space<semaphore_mem>>) {add = true}
        %dma_wait3A_172 = arith.constant 0 : i32
        %dma_wait3A_173 = tpu.memref_slice %arg9[%add3A_94, %dma_wait3A_172] : memref<157x128xi32, #tpu.memory_space<vmem>> -> memref<1x128xi32, #tpu.memory_space<vmem>>
        %dma_wait3A_174 = tpu.memref_squeeze %dma_wait3A_173 : memref<1x128xi32, #tpu.memory_space<vmem>> -> memref<128xi32, #tpu.memory_space<vmem>>
        %dma_wait3A_175 = arith.constant 0 : i32
        %dma_wait3A_176 = arith.constant 0 : i32
        %dma_wait3A_177 = tpu.memref_slice %arg15[%dma_wait3A_175, %dma_wait3A_176] : memref<10008x64xf32, #tpu.memory_space<vmem_shared>> -> memref<10008x64xf32, #tpu.memory_space<vmem_shared>>
        tpu.wait_indirect_dma semaphore(%run_scoped3A_165 : memref<!tpu.dma_semaphore, #tpu.memory_space<semaphore_mem>>) src(%arg14 : memref<128x64xf32, #tpu.memory_space<vmem>>) dst(%dma_wait3A_177 : memref<10008x64xf32, #tpu.memory_space<vmem_shared>>)
        tpu.yield
      }) : () -> ()
      %add3A_129 = arith.constant 1 : i32
      %add3A_130 = arith.addi %add3A_94, %add3A_129 : i32
      %dma_wait3A_131 = arith.constant 0 : i32
      %dma_wait3A_132 = arith.constant 0 : i32
      %dma_wait3A_133 = tpu.memref_slice %arg2[%arg0, %dma_wait3A_131, %dma_wait3A_132] : memref<2x10000x64xf32, #tpu.memory_space<hbm>> -> memref<1x10000x64xf32, #tpu.memory_space<hbm>>
      %dma_wait3A_134 = tpu.memref_squeeze %dma_wait3A_133 : memref<1x10000x64xf32, #tpu.memory_space<hbm>> -> memref<10000x64xf32, #tpu.memory_space<hbm>>
      %dma_wait3A_135 = arith.constant 0 : i32
      %dma_wait3A_136 = arith.constant 0 : i32
      %dma_wait3A_137 = tpu.memref_slice %dma_wait3A_134[%dma_wait3A_135, %dma_wait3A_136] : memref<10000x64xf32, #tpu.memory_space<hbm>> -> memref<128x64xf32, #tpu.memory_space<hbm>>
      %dma_wait3A_138 = arith.constant 0 : i32
      %dma_wait3A_139 = arith.constant 0 : i32
      %dma_wait3A_140 = tpu.memref_slice %arg2[%arg0, %dma_wait3A_138, %dma_wait3A_139] : memref<2x10000x64xf32, #tpu.memory_space<hbm>> -> memref<1x10000x64xf32, #tpu.memory_space<hbm>>
      %dma_wait3A_141 = tpu.memref_squeeze %dma_wait3A_140 : memref<1x10000x64xf32, #tpu.memory_space<hbm>> -> memref<10000x64xf32, #tpu.memory_space<hbm>>
      %dma_wait3A_142 = arith.constant 0 : i32
      %dma_wait3A_143 = arith.constant 0 : i32
      %dma_wait3A_144 = tpu.memref_slice %dma_wait3A_141[%dma_wait3A_142, %dma_wait3A_143] : memref<10000x64xf32, #tpu.memory_space<hbm>> -> memref<128x64xf32, #tpu.memory_space<hbm>>
      tpu.wait_dma2 semaphore(%arg17 : memref<!tpu.dma_semaphore, #tpu.memory_space<semaphore_mem>>) src(%dma_wait3A_144 : memref<128x64xf32, #tpu.memory_space<hbm>>) dst(%arg11 : memref<128x64xf32, #tpu.memory_space<vmem>>)
      %dma_wait3A_145 = arith.constant 0 : i32
      %dma_wait3A_146 = arith.constant 0 : i32
      %dma_wait3A_147 = arith.constant 0 : i32
      %dma_wait3A_148 = tpu.memref_slice %arg3[%dma_wait3A_145, %dma_wait3A_146, %dma_wait3A_147] : memref<40000x8x128xf32, #tpu.memory_space<hbm>> -> memref<16x8x64xf32, #tpu.memory_space<hbm>>
      %dma_wait3A_149 = arith.constant 0 : i32
      %dma_wait3A_150 = arith.constant 0 : i32
      %dma_wait3A_151 = arith.constant 0 : i32
      %dma_wait3A_152 = tpu.memref_slice %arg3[%dma_wait3A_149, %dma_wait3A_150, %dma_wait3A_151] : memref<40000x8x128xf32, #tpu.memory_space<hbm>> -> memref<16x8x64xf32, #tpu.memory_space<hbm>>
      tpu.wait_dma2 semaphore(%arg19 : memref<!tpu.dma_semaphore, #tpu.memory_space<semaphore_mem>>) src(%dma_wait3A_152 : memref<16x8x64xf32, #tpu.memory_space<hbm>>) dst(%arg13 : memref<16x8x64xf32, #tpu.memory_space<vmem>>)
      %scan3A_153 = arith.constant 0 : i32
      %scan3A_154 = arith.constant 128 : i32
      %scan3A_155 = arith.addi %scan3A_153, %scan3A_154 : i32
      %scan3A_156 = arith.constant 1 : i32
      scf.for %scan3A_165 = %scan3A_153 to %scan3A_155 step %scan3A_156  : i32 {
        %mul3A_166 = arith.constant 1 : i32
        %mul3A_167 = arith.muli %scan3A_165, %mul3A_166 : i32
        %add3A_168 = arith.constant 0 : i32
        %add3A_169 = arith.addi %add3A_168, %mul3A_167 : i32
        %div3A_170 = arith.constant 8 : i32
        %div3A_171 = arith.divsi %add3A_169, %div3A_170 : i32
        %rem3A = arith.constant 8 : i32
        %rem3A_172 = arith.remsi %add3A_169, %rem3A : i32
        %get3A = arith.index_cast %add3A_169 : i32 to index
        %get3A_173 = arith.constant 0 : index
        %get3A_174 = tpu.vector_load %arg11[%get3A, %get3A_173] {strides = array<i32>} : memref<128x64xf32, #tpu.memory_space<vmem>>, vector<1x16xf32>,
        %get3A_175 = vector.shape_cast %get3A_174 : vector<1x16xf32> to vector<16xf32>
        %get3A_176 = arith.index_cast %div3A_171 : i32 to index
        %get3A_177 = arith.index_cast %rem3A_172 : i32 to index
        %get3A_178 = arith.constant 0 : index
        %get3A_179 = tpu.vector_load %arg13[%get3A_176, %get3A_177, %get3A_178] {strides = array<i32>} : memref<16x8x64xf32, #tpu.memory_space<vmem>>, vector<1x1x16xf32>,
        %get3A_180 = vector.shape_cast %get3A_179 : vector<1x1x16xf32> to vector<16xf32>
        %add3A_181 = arith.addf %get3A_175, %get3A_180 : vector<16xf32>
        %max3A = arith.constant 0.000000e+00 : f32
        %max3A_182 = vector.broadcast %max3A : f32 to vector<16xf32>
        %max3A_183 = arith.maximumf %add3A_181, %max3A_182 : vector<16xf32>
        %swap3A = arith.index_cast %add3A_169 : i32 to index
        %swap3A_184 = arith.constant 0 : index
        %swap3A_185 = tpu.vector_load %arg14[%swap3A, %swap3A_184] {strides = array<i32>} : memref<128x64xf32, #tpu.memory_space<vmem>>, vector<1x16xf32>,
        %swap3A_186 = vector.shape_cast %swap3A_185 : vector<1x16xf32> to vector<16xf32>
        %swap3A_187 = vector.shape_cast %max3A_183 : vector<16xf32> to vector<1x16xf32>
        tpu.vector_store %arg14[%swap3A, %swap3A_184], %swap3A_187 {strides = array<i32>} : memref<128x64xf32, #tpu.memory_space<vmem>>, vector<1x16xf32>,
        %get3A_188 = arith.index_cast %add3A_169 : i32 to index
        %get3A_189 = arith.constant 16 : index
        %get3A_190 = tpu.vector_load %arg11[%get3A_188, %get3A_189] {strides = array<i32>} : memref<128x64xf32, #tpu.memory_space<vmem>>, vector<1x16xf32>,
        %get3A_191 = vector.shape_cast %get3A_190 : vector<1x16xf32> to vector<16xf32>
        %get3A_192 = arith.index_cast %div3A_171 : i32 to index
        %get3A_193 = arith.index_cast %rem3A_172 : i32 to index
        %get3A_194 = arith.constant 16 : index
        %get3A_195 = tpu.vector_load %arg13[%get3A_192, %get3A_193, %get3A_194] {strides = array<i32>} : memref<16x8x64xf32, #tpu.memory_space<vmem>>, vector<1x1x16xf32>,
        %get3A_196 = vector.shape_cast %get3A_195 : vector<1x1x16xf32> to vector<16xf32>
        %add3A_197 = arith.addf %get3A_191, %get3A_196 : vector<16xf32>
        %max3A_198 = arith.constant 0.000000e+00 : f32
        %max3A_199 = vector.broadcast %max3A_198 : f32 to vector<16xf32>
        %max3A_200 = arith.maximumf %add3A_197, %max3A_199 : vector<16xf32>
        %swap3A_201 = arith.index_cast %add3A_169 : i32 to index
        %swap3A_202 = arith.constant 16 : index
        %swap3A_203 = tpu.vector_load %arg14[%swap3A_201, %swap3A_202] {strides = array<i32>} : memref<128x64xf32, #tpu.memory_space<vmem>>, vector<1x16xf32>,
        %swap3A_204 = vector.shape_cast %swap3A_203 : vector<1x16xf32> to vector<16xf32>
        %swap3A_205 = vector.shape_cast %max3A_200 : vector<16xf32> to vector<1x16xf32>
        tpu.vector_store %arg14[%swap3A_201, %swap3A_202], %swap3A_205 {strides = array<i32>} : memref<128x64xf32, #tpu.memory_space<vmem>>, vector<1x16xf32>,
        %get3A_206 = arith.index_cast %add3A_169 : i32 to index
        %get3A_207 = arith.constant 32 : index
        %get3A_208 = tpu.vector_load %arg11[%get3A_206, %get3A_207] {strides = array<i32>} : memref<128x64xf32, #tpu.memory_space<vmem>>, vector<1x16xf32>,
        %get3A_209 = vector.shape_cast %get3A_208 : vector<1x16xf32> to vector<16xf32>
        %get3A_210 = arith.index_cast %div3A_171 : i32 to index
        %get3A_211 = arith.index_cast %rem3A_172 : i32 to index
        %get3A_212 = arith.constant 32 : index
        %get3A_213 = tpu.vector_load %arg13[%get3A_210, %get3A_211, %get3A_212] {strides = array<i32>} : memref<16x8x64xf32, #tpu.memory_space<vmem>>, vector<1x1x16xf32>,
        %get3A_214 = vector.shape_cast %get3A_213 : vector<1x1x16xf32> to vector<16xf32>
        %add3A_215 = arith.addf %get3A_209, %get3A_214 : vector<16xf32>
        %max3A_216 = arith.constant 0.000000e+00 : f32
        %max3A_217 = vector.broadcast %max3A_216 : f32 to vector<16xf32>
        %max3A_218 = arith.maximumf %add3A_215, %max3A_217 : vector<16xf32>
        %swap3A_219 = arith.index_cast %add3A_169 : i32 to index
        %swap3A_220 = arith.constant 32 : index
        %swap3A_221 = tpu.vector_load %arg14[%swap3A_219, %swap3A_220] {strides = array<i32>} : memref<128x64xf32, #tpu.memory_space<vmem>>, vector<1x16xf32>,
        %swap3A_222 = vector.shape_cast %swap3A_221 : vector<1x16xf32> to vector<16xf32>
        %swap3A_223 = vector.shape_cast %max3A_218 : vector<16xf32> to vector<1x16xf32>
        tpu.vector_store %arg14[%swap3A_219, %swap3A_220], %swap3A_223 {strides = array<i32>} : memref<128x64xf32, #tpu.memory_space<vmem>>, vector<1x16xf32>,
        %get3A_224 = arith.index_cast %add3A_169 : i32 to index
        %get3A_225 = arith.constant 48 : index
        %get3A_226 = tpu.vector_load %arg11[%get3A_224, %get3A_225] {strides = array<i32>} : memref<128x64xf32, #tpu.memory_space<vmem>>, vector<1x16xf32>,
        %get3A_227 = vector.shape_cast %get3A_226 : vector<1x16xf32> to vector<16xf32>
        %get3A_228 = arith.index_cast %div3A_171 : i32 to index
        %get3A_229 = arith.index_cast %rem3A_172 : i32 to index
        %get3A_230 = arith.constant 48 : index
        %get3A_231 = tpu.vector_load %arg13[%get3A_228, %get3A_229, %get3A_230] {strides = array<i32>} : memref<16x8x64xf32, #tpu.memory_space<vmem>>, vector<1x1x16xf32>,
        %get3A_232 = vector.shape_cast %get3A_231 : vector<1x1x16xf32> to vector<16xf32>
        %add3A_233 = arith.addf %get3A_227, %get3A_232 : vector<16xf32>
        %max3A_234 = arith.constant 0.000000e+00 : f32
        %max3A_235 = vector.broadcast %max3A_234 : f32 to vector<16xf32>
        %max3A_236 = arith.maximumf %add3A_233, %max3A_235 : vector<16xf32>
        %swap3A_237 = arith.index_cast %add3A_169 : i32 to index
        %swap3A_238 = arith.constant 48 : index
        %swap3A_239 = tpu.vector_load %arg14[%swap3A_237, %swap3A_238] {strides = array<i32>} : memref<128x64xf32, #tpu.memory_space<vmem>>, vector<1x16xf32>,
        %swap3A_240 = vector.shape_cast %swap3A_239 : vector<1x16xf32> to vector<16xf32>
        %swap3A_241 = vector.shape_cast %max3A_236 : vector<16xf32> to vector<1x16xf32>
        tpu.vector_store %arg14[%swap3A_237, %swap3A_238], %swap3A_241 {strides = array<i32>} : memref<128x64xf32, #tpu.memory_space<vmem>>, vector<1x16xf32>,
      }
      %scan3A_157 = arith.constant 128 : i32
      %add3A_158 = arith.constant 2 : i32
      %add3A_159 = arith.addi %add3A_130, %add3A_158 : i32
      %lt3A_160 = arith.constant 157 : i32
      %lt3A_161 = arith.cmpi slt, %add3A_159, %lt3A_160 : i32
      %convert_element_type3A_162 = arith.extui %lt3A_161 : i1 to i32
      %cond3A_163 = arith.constant 0 : i32
      %cond3A_164 = arith.cmpi ne, %convert_element_type3A_162, %cond3A_163 : i32
      scf.if %cond3A_164 {
        %add3A_165 = arith.constant 2 : i32
        %add3A_166 = arith.addi %add3A_130, %add3A_165 : i32
        %mul3A_167 = arith.constant 20000 : i32
        %mul3A_168 = arith.muli %arg1, %mul3A_167 : i32
        %mul3A_169 = arith.constant 128 : i32
        %mul3A_170 = arith.muli %add3A_166, %mul3A_169 : i32
        %min3A_171 = arith.constant 19872 : i32
        %min3A_172 = arith.minsi %mul3A_170, %min3A_171 : i32
        %add3A_173 = arith.addi %mul3A_168, %min3A_172 : i32
        %dma_start3A_174 = arith.constant 0 : i32
        %dma_start3A_175 = tpu.memref_slice %arg8[%add3A_166, %dma_start3A_174] : memref<157x128xi32, #tpu.memory_space<vmem>> -> memref<1x128xi32, #tpu.memory_space<vmem>>
        %dma_start3A_176 = tpu.memref_squeeze %dma_start3A_175 : memref<1x128xi32, #tpu.memory_space<vmem>> -> memref<128xi32, #tpu.memory_space<vmem>>
        %dma_start3A_177 = arith.constant 0 : i32
        %dma_start3A_178 = arith.constant 0 : i32
        %dma_start3A_179 = tpu.memref_slice %arg2[%arg0, %dma_start3A_177, %dma_start3A_178] : memref<2x10000x64xf32, #tpu.memory_space<hbm>> -> memref<1x10000x64xf32, #tpu.memory_space<hbm>>
        %dma_start3A_180 = tpu.memref_squeeze %dma_start3A_179 : memref<1x10000x64xf32, #tpu.memory_space<hbm>> -> memref<10000x64xf32, #tpu.memory_space<hbm>>
        %dma_start3A_181 = arith.constant 0 : i32
        %dma_start3A_182 = arith.constant 0 : i32
        %dma_start3A_183 = tpu.memref_slice %dma_start3A_180[%dma_start3A_181, %dma_start3A_182] : memref<10000x64xf32, #tpu.memory_space<hbm>> -> memref<10000x64xf32, #tpu.memory_space<hbm>>
        tpu.enqueue_indirect_dma source(%dma_start3A_183 : memref<10000x64xf32, #tpu.memory_space<hbm>>) target(%arg11 : memref<128x64xf32, #tpu.memory_space<vmem>>) offsets(%dma_start3A_176 : memref<128xi32, #tpu.memory_space<vmem>>) semaphore(%arg17 : memref<!tpu.dma_semaphore, #tpu.memory_space<semaphore_mem>>)
        %div3A_184 = arith.constant 8 : i32
        %div3A_185 = arith.divsi %add3A_173, %div3A_184 : i32
        %dma_start3A_186 = arith.constant 0 : i32
        %dma_start3A_187 = tpu.memref_slice %arg3[%div3A_185, %dma_start3A_186, %mul3A_0] : memref<40000x8x128xf32, #tpu.memory_space<hbm>> -> memref<16x8x64xf32, #tpu.memory_space<hbm>>
        %dma_start3A_188 = arith.constant 0 : i32
        %dma_start3A_189 = tpu.memref_slice %arg3[%div3A_185, %dma_start3A_188, %mul3A_0] : memref<40000x8x128xf32, #tpu.memory_space<hbm>> -> memref<16x8x64xf32, #tpu.memory_space<hbm>>
        tpu.enqueue_dma source(%dma_start3A_189 : memref<16x8x64xf32, #tpu.memory_space<hbm>>) target(%arg13 : memref<16x8x64xf32, #tpu.memory_space<vmem>>) target_semaphore(%arg19 : memref<!tpu.dma_semaphore, #tpu.memory_space<semaphore_mem>>)
      } else {
      }
      "tpu.region"() ({
        %run_scoped3A_165 = tpu.sem_alloc : memref<!tpu.dma_semaphore, #tpu.memory_space<semaphore_mem>>
        %dma_start3A_166 = arith.constant 0 : i32
        %dma_start3A_167 = tpu.memref_slice %arg9[%add3A_130, %dma_start3A_166] : memref<157x128xi32, #tpu.memory_space<vmem>> -> memref<1x128xi32, #tpu.memory_space<vmem>>
        %dma_start3A_168 = tpu.memref_squeeze %dma_start3A_167 : memref<1x128xi32, #tpu.memory_space<vmem>> -> memref<128xi32, #tpu.memory_space<vmem>>
        %dma_start3A_169 = arith.constant 0 : i32
        %dma_start3A_170 = arith.constant 0 : i32
        %dma_start3A_171 = tpu.memref_slice %arg15[%dma_start3A_169, %dma_start3A_170] : memref<10008x64xf32, #tpu.memory_space<vmem_shared>> -> memref<10008x64xf32, #tpu.memory_space<vmem_shared>>
        tpu.enqueue_indirect_dma source(%arg14 : memref<128x64xf32, #tpu.memory_space<vmem>>) target(%dma_start3A_171 : memref<10008x64xf32, #tpu.memory_space<vmem_shared>>) offsets(%dma_start3A_168 : memref<128xi32, #tpu.memory_space<vmem>>) semaphore(%run_scoped3A_165 : memref<!tpu.dma_semaphore, #tpu.memory_space<semaphore_mem>>) {add = true}
        %dma_wait3A_172 = arith.constant 0 : i32
        %dma_wait3A_173 = tpu.memref_slice %arg9[%add3A_130, %dma_wait3A_172] : memref<157x128xi32, #tpu.memory_space<vmem>> -> memref<1x128xi32, #tpu.memory_space<vmem>>
        %dma_wait3A_174 = tpu.memref_squeeze %dma_wait3A_173 : memref<1x128xi32, #tpu.memory_space<vmem>> -> memref<128xi32, #tpu.memory_space<vmem>>
        %dma_wait3A_175 = arith.constant 0 : i32
        %dma_wait3A_176 = arith.constant 0 : i32
        %dma_wait3A_177 = tpu.memref_slice %arg15[%dma_wait3A_175, %dma_wait3A_176] : memref<10008x64xf32, #tpu.memory_space<vmem_shared>> -> memref<10008x64xf32, #tpu.memory_space<vmem_shared>>
        tpu.wait_indirect_dma semaphore(%run_scoped3A_165 : memref<!tpu.dma_semaphore, #tpu.memory_space<semaphore_mem>>) src(%arg14 : memref<128x64xf32, #tpu.memory_space<vmem>>) dst(%dma_wait3A_177 : memref<10008x64xf32, #tpu.memory_space<vmem_shared>>)
        tpu.yield
      }) : () -> ()
    }
    %scan3A_52 = arith.constant 78 : i32
    %dma_wait3A = arith.constant 0 : i32
    %dma_wait3A_53 = arith.constant 0 : i32
    %dma_wait3A_54 = tpu.memref_slice %arg2[%arg0, %dma_wait3A, %dma_wait3A_53] : memref<2x10000x64xf32, #tpu.memory_space<hbm>> -> memref<1x10000x64xf32, #tpu.memory_space<hbm>>
    %dma_wait3A_55 = tpu.memref_squeeze %dma_wait3A_54 : memref<1x10000x64xf32, #tpu.memory_space<hbm>> -> memref<10000x64xf32, #tpu.memory_space<hbm>>
    %dma_wait3A_56 = arith.constant 0 : i32
    %dma_wait3A_57 = arith.constant 0 : i32
    %dma_wait3A_58 = tpu.memref_slice %dma_wait3A_55[%dma_wait3A_56, %dma_wait3A_57] : memref<10000x64xf32, #tpu.memory_space<hbm>> -> memref<128x64xf32, #tpu.memory_space<hbm>>
    %dma_wait3A_59 = arith.constant 0 : i32
    %dma_wait3A_60 = arith.constant 0 : i32
    %dma_wait3A_61 = tpu.memref_slice %arg2[%arg0, %dma_wait3A_59, %dma_wait3A_60] : memref<2x10000x64xf32, #tpu.memory_space<hbm>> -> memref<1x10000x64xf32, #tpu.memory_space<hbm>>
    %dma_wait3A_62 = tpu.memref_squeeze %dma_wait3A_61 : memref<1x10000x64xf32, #tpu.memory_space<hbm>> -> memref<10000x64xf32, #tpu.memory_space<hbm>>
    %dma_wait3A_63 = arith.constant 0 : i32
    %dma_wait3A_64 = arith.constant 0 : i32
    %dma_wait3A_65 = tpu.memref_slice %dma_wait3A_62[%dma_wait3A_63, %dma_wait3A_64] : memref<10000x64xf32, #tpu.memory_space<hbm>> -> memref<128x64xf32, #tpu.memory_space<hbm>>
    tpu.wait_dma2 semaphore(%arg16 : memref<!tpu.dma_semaphore, #tpu.memory_space<semaphore_mem>>) src(%dma_wait3A_65 : memref<128x64xf32, #tpu.memory_space<hbm>>) dst(%arg10 : memref<128x64xf32, #tpu.memory_space<vmem>>)
    %dma_wait3A_66 = arith.constant 0 : i32
    %dma_wait3A_67 = arith.constant 0 : i32
    %dma_wait3A_68 = arith.constant 0 : i32
    %dma_wait3A_69 = tpu.memref_slice %arg3[%dma_wait3A_66, %dma_wait3A_67, %dma_wait3A_68] : memref<40000x8x128xf32, #tpu.memory_space<hbm>> -> memref<16x8x64xf32, #tpu.memory_space<hbm>>
    %dma_wait3A_70 = arith.constant 0 : i32
    %dma_wait3A_71 = arith.constant 0 : i32
    %dma_wait3A_72 = arith.constant 0 : i32
    %dma_wait3A_73 = tpu.memref_slice %arg3[%dma_wait3A_70, %dma_wait3A_71, %dma_wait3A_72] : memref<40000x8x128xf32, #tpu.memory_space<hbm>> -> memref<16x8x64xf32, #tpu.memory_space<hbm>>
    tpu.wait_dma2 semaphore(%arg18 : memref<!tpu.dma_semaphore, #tpu.memory_space<semaphore_mem>>) src(%dma_wait3A_73 : memref<16x8x64xf32, #tpu.memory_space<hbm>>) dst(%arg12 : memref<16x8x64xf32, #tpu.memory_space<vmem>>)
    %scan3A_74 = arith.constant 0 : i32
    %scan3A_75 = arith.constant 128 : i32
    %scan3A_76 = arith.addi %scan3A_74, %scan3A_75 : i32
    %scan3A_77 = arith.constant 1 : i32
    scf.for %scan3A_90 = %scan3A_74 to %scan3A_76 step %scan3A_77  : i32 {
      %mul3A_91 = arith.constant 1 : i32
      %mul3A_92 = arith.muli %scan3A_90, %mul3A_91 : i32
      %add3A_93 = arith.constant 0 : i32
      %add3A_94 = arith.addi %add3A_93, %mul3A_92 : i32
      %div3A_95 = arith.constant 8 : i32
      %div3A_96 = arith.divsi %add3A_94, %div3A_95 : i32
      %rem3A = arith.constant 8 : i32
      %rem3A_97 = arith.remsi %add3A_94, %rem3A : i32
      %get3A = arith.index_cast %add3A_94 : i32 to index
      %get3A_98 = arith.constant 0 : index
      %get3A_99 = tpu.vector_load %arg10[%get3A, %get3A_98] {strides = array<i32>} : memref<128x64xf32, #tpu.memory_space<vmem>>, vector<1x16xf32>,
      %get3A_100 = vector.shape_cast %get3A_99 : vector<1x16xf32> to vector<16xf32>
      %get3A_101 = arith.index_cast %div3A_96 : i32 to index
      %get3A_102 = arith.index_cast %rem3A_97 : i32 to index
      %get3A_103 = arith.constant 0 : index
      %get3A_104 = tpu.vector_load %arg12[%get3A_101, %get3A_102, %get3A_103] {strides = array<i32>} : memref<16x8x64xf32, #tpu.memory_space<vmem>>, vector<1x1x16xf32>,
      %get3A_105 = vector.shape_cast %get3A_104 : vector<1x1x16xf32> to vector<16xf32>
      %add3A_106 = arith.addf %get3A_100, %get3A_105 : vector<16xf32>
      %max3A = arith.constant 0.000000e+00 : f32
      %max3A_107 = vector.broadcast %max3A : f32 to vector<16xf32>
      %max3A_108 = arith.maximumf %add3A_106, %max3A_107 : vector<16xf32>
      %swap3A = arith.index_cast %add3A_94 : i32 to index
      %swap3A_109 = arith.constant 0 : index
      %swap3A_110 = tpu.vector_load %arg14[%swap3A, %swap3A_109] {strides = array<i32>} : memref<128x64xf32, #tpu.memory_space<vmem>>, vector<1x16xf32>,
      %swap3A_111 = vector.shape_cast %swap3A_110 : vector<1x16xf32> to vector<16xf32>
      %swap3A_112 = vector.shape_cast %max3A_108 : vector<16xf32> to vector<1x16xf32>
      tpu.vector_store %arg14[%swap3A, %swap3A_109], %swap3A_112 {strides = array<i32>} : memref<128x64xf32, #tpu.memory_space<vmem>>, vector<1x16xf32>,
      %get3A_113 = arith.index_cast %add3A_94 : i32 to index
      %get3A_114 = arith.constant 16 : index
      %get3A_115 = tpu.vector_load %arg10[%get3A_113, %get3A_114] {strides = array<i32>} : memref<128x64xf32, #tpu.memory_space<vmem>>, vector<1x16xf32>,
      %get3A_116 = vector.shape_cast %get3A_115 : vector<1x16xf32> to vector<16xf32>
      %get3A_117 = arith.index_cast %div3A_96 : i32 to index
      %get3A_118 = arith.index_cast %rem3A_97 : i32 to index
      %get3A_119 = arith.constant 16 : index
      %get3A_120 = tpu.vector_load %arg12[%get3A_117, %get3A_118, %get3A_119] {strides = array<i32>} : memref<16x8x64xf32, #tpu.memory_space<vmem>>, vector<1x1x16xf32>,
      %get3A_121 = vector.shape_cast %get3A_120 : vector<1x1x16xf32> to vector<16xf32>
      %add3A_122 = arith.addf %get3A_116, %get3A_121 : vector<16xf32>
      %max3A_123 = arith.constant 0.000000e+00 : f32
      %max3A_124 = vector.broadcast %max3A_123 : f32 to vector<16xf32>
      %max3A_125 = arith.maximumf %add3A_122, %max3A_124 : vector<16xf32>
      %swap3A_126 = arith.index_cast %add3A_94 : i32 to index
      %swap3A_127 = arith.constant 16 : index
      %swap3A_128 = tpu.vector_load %arg14[%swap3A_126, %swap3A_127] {strides = array<i32>} : memref<128x64xf32, #tpu.memory_space<vmem>>, vector<1x16xf32>,
      %swap3A_129 = vector.shape_cast %swap3A_128 : vector<1x16xf32> to vector<16xf32>
      %swap3A_130 = vector.shape_cast %max3A_125 : vector<16xf32> to vector<1x16xf32>
      tpu.vector_store %arg14[%swap3A_126, %swap3A_127], %swap3A_130 {strides = array<i32>} : memref<128x64xf32, #tpu.memory_space<vmem>>, vector<1x16xf32>,
      %get3A_131 = arith.index_cast %add3A_94 : i32 to index
      %get3A_132 = arith.constant 32 : index
      %get3A_133 = tpu.vector_load %arg10[%get3A_131, %get3A_132] {strides = array<i32>} : memref<128x64xf32, #tpu.memory_space<vmem>>, vector<1x16xf32>,
      %get3A_134 = vector.shape_cast %get3A_133 : vector<1x16xf32> to vector<16xf32>
      %get3A_135 = arith.index_cast %div3A_96 : i32 to index
      %get3A_136 = arith.index_cast %rem3A_97 : i32 to index
      %get3A_137 = arith.constant 32 : index
      %get3A_138 = tpu.vector_load %arg12[%get3A_135, %get3A_136, %get3A_137] {strides = array<i32>} : memref<16x8x64xf32, #tpu.memory_space<vmem>>, vector<1x1x16xf32>,
      %get3A_139 = vector.shape_cast %get3A_138 : vector<1x1x16xf32> to vector<16xf32>
      %add3A_140 = arith.addf %get3A_134, %get3A_139 : vector<16xf32>
      %max3A_141 = arith.constant 0.000000e+00 : f32
      %max3A_142 = vector.broadcast %max3A_141 : f32 to vector<16xf32>
      %max3A_143 = arith.maximumf %add3A_140, %max3A_142 : vector<16xf32>
      %swap3A_144 = arith.index_cast %add3A_94 : i32 to index
      %swap3A_145 = arith.constant 32 : index
      %swap3A_146 = tpu.vector_load %arg14[%swap3A_144, %swap3A_145] {strides = array<i32>} : memref<128x64xf32, #tpu.memory_space<vmem>>, vector<1x16xf32>,
      %swap3A_147 = vector.shape_cast %swap3A_146 : vector<1x16xf32> to vector<16xf32>
      %swap3A_148 = vector.shape_cast %max3A_143 : vector<16xf32> to vector<1x16xf32>
      tpu.vector_store %arg14[%swap3A_144, %swap3A_145], %swap3A_148 {strides = array<i32>} : memref<128x64xf32, #tpu.memory_space<vmem>>, vector<1x16xf32>,
      %get3A_149 = arith.index_cast %add3A_94 : i32 to index
      %get3A_150 = arith.constant 48 : index
      %get3A_151 = tpu.vector_load %arg10[%get3A_149, %get3A_150] {strides = array<i32>} : memref<128x64xf32, #tpu.memory_space<vmem>>, vector<1x16xf32>,
      %get3A_152 = vector.shape_cast %get3A_151 : vector<1x16xf32> to vector<16xf32>
      %get3A_153 = arith.index_cast %div3A_96 : i32 to index
      %get3A_154 = arith.index_cast %rem3A_97 : i32 to index
      %get3A_155 = arith.constant 48 : index
      %get3A_156 = tpu.vector_load %arg12[%get3A_153, %get3A_154, %get3A_155] {strides = array<i32>} : memref<16x8x64xf32, #tpu.memory_space<vmem>>, vector<1x1x16xf32>,
      %get3A_157 = vector.shape_cast %get3A_156 : vector<1x1x16xf32> to vector<16xf32>
      %add3A_158 = arith.addf %get3A_152, %get3A_157 : vector<16xf32>
      %max3A_159 = arith.constant 0.000000e+00 : f32
      %max3A_160 = vector.broadcast %max3A_159 : f32 to vector<16xf32>
      %max3A_161 = arith.maximumf %add3A_158, %max3A_160 : vector<16xf32>
      %swap3A_162 = arith.index_cast %add3A_94 : i32 to index
      %swap3A_163 = arith.constant 48 : index
      %swap3A_164 = tpu.vector_load %arg14[%swap3A_162, %swap3A_163] {strides = array<i32>} : memref<128x64xf32, #tpu.memory_space<vmem>>, vector<1x16xf32>,
      %swap3A_165 = vector.shape_cast %swap3A_164 : vector<1x16xf32> to vector<16xf32>
      %swap3A_166 = vector.shape_cast %max3A_161 : vector<16xf32> to vector<1x16xf32>
      tpu.vector_store %arg14[%swap3A_162, %swap3A_163], %swap3A_166 {strides = array<i32>} : memref<128x64xf32, #tpu.memory_space<vmem>>, vector<1x16xf32>,
    }
    %scan3A_78 = arith.constant 128 : i32
    %run_scoped3A = arith.constant 156 : i32
    "tpu.region"() ({
      %run_scoped3A_90 = tpu.sem_alloc : memref<!tpu.dma_semaphore, #tpu.memory_space<semaphore_mem>>
      %dma_start3A_91 = arith.constant 0 : i32
      %dma_start3A_92 = tpu.memref_slice %arg9[%run_scoped3A, %dma_start3A_91] : memref<157x128xi32, #tpu.memory_space<vmem>> -> memref<1x128xi32, #tpu.memory_space<vmem>>
      %dma_start3A_93 = tpu.memref_squeeze %dma_start3A_92 : memref<1x128xi32, #tpu.memory_space<vmem>> -> memref<128xi32, #tpu.memory_space<vmem>>
      %dma_start3A_94 = arith.constant 0 : i32
      %dma_start3A_95 = arith.constant 0 : i32
      %dma_start3A_96 = tpu.memref_slice %arg15[%dma_start3A_94, %dma_start3A_95] : memref<10008x64xf32, #tpu.memory_space<vmem_shared>> -> memref<10008x64xf32, #tpu.memory_space<vmem_shared>>
      tpu.enqueue_indirect_dma source(%arg14 : memref<128x64xf32, #tpu.memory_space<vmem>>) target(%dma_start3A_96 : memref<10008x64xf32, #tpu.memory_space<vmem_shared>>) offsets(%dma_start3A_93 : memref<128xi32, #tpu.memory_space<vmem>>) semaphore(%run_scoped3A_90 : memref<!tpu.dma_semaphore, #tpu.memory_space<semaphore_mem>>) {add = true}
      %dma_wait3A_97 = arith.constant 0 : i32
      %dma_wait3A_98 = tpu.memref_slice %arg9[%run_scoped3A, %dma_wait3A_97] : memref<157x128xi32, #tpu.memory_space<vmem>> -> memref<1x128xi32, #tpu.memory_space<vmem>>
      %dma_wait3A_99 = tpu.memref_squeeze %dma_wait3A_98 : memref<1x128xi32, #tpu.memory_space<vmem>> -> memref<128xi32, #tpu.memory_space<vmem>>
      %dma_wait3A_100 = arith.constant 0 : i32
      %dma_wait3A_101 = arith.constant 0 : i32
      %dma_wait3A_102 = tpu.memref_slice %arg15[%dma_wait3A_100, %dma_wait3A_101] : memref<10008x64xf32, #tpu.memory_space<vmem_shared>> -> memref<10008x64xf32, #tpu.memory_space<vmem_shared>>
      tpu.wait_indirect_dma semaphore(%run_scoped3A_90 : memref<!tpu.dma_semaphore, #tpu.memory_space<semaphore_mem>>) src(%arg14 : memref<128x64xf32, #tpu.memory_space<vmem>>) dst(%dma_wait3A_102 : memref<10008x64xf32, #tpu.memory_space<vmem_shared>>)
      tpu.yield
    }) : () -> ()
    %barrier3A_79 = arith.constant 0 : index
    tpu.barrier barrier_id(%barrier3A_79)
    %lt3A_80 = arith.constant 15 : i32
    %lt3A_81 = arith.cmpi slt, %arg1, %lt3A_80 : i32
    %convert_element_type3A_82 = arith.extui %lt3A_81 : i1 to i32
    %cond3A_83 = arith.constant 0 : i32
    %cond3A_84 = arith.cmpi ne, %convert_element_type3A_82, %cond3A_83 : i32
    scf.if %cond3A_84 {
      %mul3A_90 = arith.constant 632 : i32
      %mul3A_91 = arith.muli %arg1, %mul3A_90 : i32
      %mul3A_92 = arith.constant 632 : i32
      %mul3A_93 = arith.muli %arg1, %mul3A_92 : i32
      "tpu.region"() ({
        %run_scoped3A_94 = tpu.sem_alloc : memref<!tpu.dma_semaphore, #tpu.memory_space<semaphore_mem>>
        %dma_start3A_95 = arith.constant 0 : i32
        %dma_start3A_96 = tpu.memref_slice %arg7[%arg0, %mul3A_93, %dma_start3A_95] : memref<2x10000x64xf32, #tpu.memory_space<hbm>> -> memref<1x632x64xf32, #tpu.memory_space<hbm>>
        %dma_start3A_97 = tpu.memref_squeeze %dma_start3A_96 : memref<1x632x64xf32, #tpu.memory_space<hbm>> -> memref<632x64xf32, #tpu.memory_space<hbm>>
        %dma_start3A_98 = arith.constant 0 : i32
        %dma_start3A_99 = tpu.memref_slice %arg15[%mul3A_91, %dma_start3A_98] : memref<10008x64xf32, #tpu.memory_space<vmem_shared>> -> memref<632x64xf32, #tpu.memory_space<vmem_shared>>
        tpu.enqueue_dma source(%dma_start3A_99 : memref<632x64xf32, #tpu.memory_space<vmem_shared>>) target(%dma_start3A_97 : memref<632x64xf32, #tpu.memory_space<hbm>>) target_semaphore(%run_scoped3A_94 : memref<!tpu.dma_semaphore, #tpu.memory_space<semaphore_mem>>)
        %dma_wait3A_100 = arith.constant 0 : i32
        %dma_wait3A_101 = tpu.memref_slice %arg7[%arg0, %mul3A_93, %dma_wait3A_100] : memref<2x10000x64xf32, #tpu.memory_space<hbm>> -> memref<1x632x64xf32, #tpu.memory_space<hbm>>
        %dma_wait3A_102 = tpu.memref_squeeze %dma_wait3A_101 : memref<1x632x64xf32, #tpu.memory_space<hbm>> -> memref<632x64xf32, #tpu.memory_space<hbm>>
        %dma_wait3A_103 = arith.constant 0 : i32
        %dma_wait3A_104 = tpu.memref_slice %arg15[%mul3A_91, %dma_wait3A_103] : memref<10008x64xf32, #tpu.memory_space<vmem_shared>> -> memref<632x64xf32, #tpu.memory_space<vmem_shared>>
        tpu.wait_dma2 semaphore(%run_scoped3A_94 : memref<!tpu.dma_semaphore, #tpu.memory_space<semaphore_mem>>) src(%dma_wait3A_104 : memref<632x64xf32, #tpu.memory_space<vmem_shared>>) dst(%dma_wait3A_102 : memref<632x64xf32, #tpu.memory_space<hbm>>)
        tpu.yield
      }) : () -> ()
    } else {
    }
    %eq3A_85 = arith.constant 15 : i32
    %eq3A_86 = arith.cmpi eq, %arg1, %eq3A_85 : i32
    %convert_element_type3A_87 = arith.extui %eq3A_86 : i1 to i32
    %cond3A_88 = arith.constant 0 : i32
    %cond3A_89 = arith.cmpi ne, %convert_element_type3A_87, %cond3A_88 : i32
    scf.if %cond3A_89 {
      "tpu.region"() ({
        %run_scoped3A_90 = tpu.sem_alloc : memref<!tpu.dma_semaphore, #tpu.memory_space<semaphore_mem>>
        %dma_start3A_91 = arith.constant 9480 : i32
        %dma_start3A_92 = arith.constant 0 : i32
        %dma_start3A_93 = tpu.memref_slice %arg7[%arg0, %dma_start3A_91, %dma_start3A_92] : memref<2x10000x64xf32, #tpu.memory_space<hbm>> -> memref<1x520x64xf32, #tpu.memory_space<hbm>>
        %dma_start3A_94 = tpu.memref_squeeze %dma_start3A_93 : memref<1x520x64xf32, #tpu.memory_space<hbm>> -> memref<520x64xf32, #tpu.memory_space<hbm>>
        %dma_start3A_95 = arith.constant 9480 : i32
        %dma_start3A_96 = arith.constant 0 : i32
        %dma_start3A_97 = tpu.memref_slice %arg15[%dma_start3A_95, %dma_start3A_96] : memref<10008x64xf32, #tpu.memory_space<vmem_shared>> -> memref<520x64xf32, #tpu.memory_space<vmem_shared>>
        tpu.enqueue_dma source(%dma_start3A_97 : memref<520x64xf32, #tpu.memory_space<vmem_shared>>) target(%dma_start3A_94 : memref<520x64xf32, #tpu.memory_space<hbm>>) target_semaphore(%run_scoped3A_90 : memref<!tpu.dma_semaphore, #tpu.memory_space<semaphore_mem>>)
        %dma_wait3A_98 = arith.constant 9480 : i32
        %dma_wait3A_99 = arith.constant 0 : i32
        %dma_wait3A_100 = tpu.memref_slice %arg7[%arg0, %dma_wait3A_98, %dma_wait3A_99] : memref<2x10000x64xf32, #tpu.memory_space<hbm>> -> memref<1x520x64xf32, #tpu.memory_space<hbm>>
        %dma_wait3A_101 = tpu.memref_squeeze %dma_wait3A_100 : memref<1x520x64xf32, #tpu.memory_space<hbm>> -> memref<520x64xf32, #tpu.memory_space<hbm>>
        %dma_wait3A_102 = arith.constant 9480 : i32
        %dma_wait3A_103 = arith.constant 0 : i32
        %dma_wait3A_104 = tpu.memref_slice %arg15[%dma_wait3A_102, %dma_wait3A_103] : memref<10008x64xf32, #tpu.memory_space<vmem_shared>> -> memref<520x64xf32, #tpu.memory_space<vmem_shared>>
        tpu.wait_dma2 semaphore(%run_scoped3A_90 : memref<!tpu.dma_semaphore, #tpu.memory_space<semaphore_mem>>) src(%dma_wait3A_104 : memref<520x64xf32, #tpu.memory_space<vmem_shared>>) dst(%dma_wait3A_101 : memref<520x64xf32, #tpu.memory_space<hbm>>)
        tpu.yield
      }) : () -> ()
    } else {
    }
    return
  }
}

module attributes {stable_mosaic.version = 14 : i64} {
  func.func @_edge_embed_body(%arg0: i32, %arg1: memref<1000x128xf32, #tpu.memory_space<vmem>>, %arg2: memref<16x128xf32, #tpu.memory_space<vmem>>, %arg3: memref<1x128xf32, #tpu.memory_space<vmem>>, %arg4: memref<1000x8x128xf32, #tpu.memory_space<vmem>>) attributes {dimension_semantics = [#tpu.dimension_semantics<arbitrary>], iteration_bounds = array<i64: 40>, scalar_prefetch = 0 : i64, scratch_operands = 0 : i64, tpu.core_type = #tpu.core_type<tc>, window_params = [{transform_indices = @transform_0, window_bounds = array<i64: 1000, 128>}, {pipeline_mode = #tpu.pipeline_mode<synchronous>, transform_indices = @transform_1, window_bounds = array<i64: 16, 128>}, {pipeline_mode = #tpu.pipeline_mode<synchronous>, transform_indices = @transform_2, window_bounds = array<i64: 1, 128>}, {transform_indices = @transform_3, window_bounds = array<i64: 1000, 8, 128>}]} {
    %get3A = arith.constant 0 : index
    %get3A_0 = arith.constant 0 : index
    %get3A_1 = vector.load %arg1[%get3A, %get3A_0] : memref<1000x128xf32, #tpu.memory_space<vmem>>, vector<1000x16xf32>
    %get3A_2 = arith.constant 0 : index
    %get3A_3 = arith.constant 0 : index
    %get3A_4 = vector.load %arg2[%get3A_2, %get3A_3] : memref<16x128xf32, #tpu.memory_space<vmem>>, vector<16x128xf32>
    %dot_general3A = arith.constant dense<0.000000e+00> : vector<1000x128xf32>
    %dot_general3A_5 = tpu.matmul %get3A_1, %get3A_4, %dot_general3A {dimension_numbers = #tpu.dot_dimension_numbers<[1], [0], [0], [1], [0, 0, 1, 1], [], []>, transpose_lhs_hint = false} : vector<1000x16xf32>, vector<16x128xf32>, vector<1000x128xf32> -> vector<1000x128xf32>
    %get3A_6 = arith.constant 0 : index
    %get3A_7 = arith.constant 0 : index
    %get3A_8 = vector.load %arg3[%get3A_6, %get3A_7] : memref<1x128xf32, #tpu.memory_space<vmem>>, vector<1x128xf32>
    %add3A = vector.broadcast %get3A_8 : vector<1x128xf32> to vector<1000x128xf32>
    %add3A_9 = arith.addf %dot_general3A_5, %add3A : vector<1000x128xf32>
    %swap3A = arith.constant 0 : index
    %swap3A_10 = arith.constant 0 : index
    %swap3A_11 = arith.constant 0 : index
    %swap3A_12 = vector.load %arg4[%swap3A, %swap3A_10, %swap3A_11] : memref<1000x8x128xf32, #tpu.memory_space<vmem>>, vector<1000x1x128xf32>
    %swap3A_13 = vector.shape_cast %swap3A_12 : vector<1000x1x128xf32> to vector<1000x128xf32>
    %swap3A_14 = vector.shape_cast %add3A_9 : vector<1000x128xf32> to vector<1000x1x128xf32>
    tpu.vector_store %arg4[%swap3A, %swap3A_10, %swap3A_11], %swap3A_14 {strides = array<i32>} : memref<1000x8x128xf32, #tpu.memory_space<vmem>>, vector<1000x1x128xf32>,
    %get3A_15 = arith.constant 0 : index
    %get3A_16 = arith.constant 16 : index
    %get3A_17 = vector.load %arg1[%get3A_15, %get3A_16] : memref<1000x128xf32, #tpu.memory_space<vmem>>, vector<1000x16xf32>
    %get3A_18 = arith.constant 0 : index
    %get3A_19 = arith.constant 0 : index
    %get3A_20 = vector.load %arg2[%get3A_18, %get3A_19] : memref<16x128xf32, #tpu.memory_space<vmem>>, vector<16x128xf32>
    %dot_general3A_21 = arith.constant dense<0.000000e+00> : vector<1000x128xf32>
    %dot_general3A_22 = tpu.matmul %get3A_17, %get3A_20, %dot_general3A_21 {dimension_numbers = #tpu.dot_dimension_numbers<[1], [0], [0], [1], [0, 0, 1, 1], [], []>, transpose_lhs_hint = false} : vector<1000x16xf32>, vector<16x128xf32>, vector<1000x128xf32> -> vector<1000x128xf32>
    %get3A_23 = arith.constant 0 : index
    %get3A_24 = arith.constant 0 : index
    %get3A_25 = vector.load %arg3[%get3A_23, %get3A_24] : memref<1x128xf32, #tpu.memory_space<vmem>>, vector<1x128xf32>
    %add3A_26 = vector.broadcast %get3A_25 : vector<1x128xf32> to vector<1000x128xf32>
    %add3A_27 = arith.addf %dot_general3A_22, %add3A_26 : vector<1000x128xf32>
    %swap3A_28 = arith.constant 0 : index
    %swap3A_29 = arith.constant 1 : index
    %swap3A_30 = arith.constant 0 : index
    %swap3A_31 = vector.load %arg4[%swap3A_28, %swap3A_29, %swap3A_30] : memref<1000x8x128xf32, #tpu.memory_space<vmem>>, vector<1000x1x128xf32>
    %swap3A_32 = vector.shape_cast %swap3A_31 : vector<1000x1x128xf32> to vector<1000x128xf32>
    %swap3A_33 = vector.shape_cast %add3A_27 : vector<1000x128xf32> to vector<1000x1x128xf32>
    tpu.vector_store %arg4[%swap3A_28, %swap3A_29, %swap3A_30], %swap3A_33 {strides = array<i32>} : memref<1000x8x128xf32, #tpu.memory_space<vmem>>, vector<1000x1x128xf32>,
    %get3A_34 = arith.constant 0 : index
    %get3A_35 = arith.constant 32 : index
    %get3A_36 = vector.load %arg1[%get3A_34, %get3A_35] : memref<1000x128xf32, #tpu.memory_space<vmem>>, vector<1000x16xf32>
    %get3A_37 = arith.constant 0 : index
    %get3A_38 = arith.constant 0 : index
    %get3A_39 = vector.load %arg2[%get3A_37, %get3A_38] : memref<16x128xf32, #tpu.memory_space<vmem>>, vector<16x128xf32>
    %dot_general3A_40 = arith.constant dense<0.000000e+00> : vector<1000x128xf32>
    %dot_general3A_41 = tpu.matmul %get3A_36, %get3A_39, %dot_general3A_40 {dimension_numbers = #tpu.dot_dimension_numbers<[1], [0], [0], [1], [0, 0, 1, 1], [], []>, transpose_lhs_hint = false} : vector<1000x16xf32>, vector<16x128xf32>, vector<1000x128xf32> -> vector<1000x128xf32>
    %get3A_42 = arith.constant 0 : index
    %get3A_43 = arith.constant 0 : index
    %get3A_44 = vector.load %arg3[%get3A_42, %get3A_43] : memref<1x128xf32, #tpu.memory_space<vmem>>, vector<1x128xf32>
    %add3A_45 = vector.broadcast %get3A_44 : vector<1x128xf32> to vector<1000x128xf32>
    %add3A_46 = arith.addf %dot_general3A_41, %add3A_45 : vector<1000x128xf32>
    %swap3A_47 = arith.constant 0 : index
    %swap3A_48 = arith.constant 2 : index
    %swap3A_49 = arith.constant 0 : index
    %swap3A_50 = vector.load %arg4[%swap3A_47, %swap3A_48, %swap3A_49] : memref<1000x8x128xf32, #tpu.memory_space<vmem>>, vector<1000x1x128xf32>
    %swap3A_51 = vector.shape_cast %swap3A_50 : vector<1000x1x128xf32> to vector<1000x128xf32>
    %swap3A_52 = vector.shape_cast %add3A_46 : vector<1000x128xf32> to vector<1000x1x128xf32>
    tpu.vector_store %arg4[%swap3A_47, %swap3A_48, %swap3A_49], %swap3A_52 {strides = array<i32>} : memref<1000x8x128xf32, #tpu.memory_space<vmem>>, vector<1000x1x128xf32>,
    %get3A_53 = arith.constant 0 : index
    %get3A_54 = arith.constant 48 : index
    %get3A_55 = vector.load %arg1[%get3A_53, %get3A_54] : memref<1000x128xf32, #tpu.memory_space<vmem>>, vector<1000x16xf32>
    %get3A_56 = arith.constant 0 : index
    %get3A_57 = arith.constant 0 : index
    %get3A_58 = vector.load %arg2[%get3A_56, %get3A_57] : memref<16x128xf32, #tpu.memory_space<vmem>>, vector<16x128xf32>
    %dot_general3A_59 = arith.constant dense<0.000000e+00> : vector<1000x128xf32>
    %dot_general3A_60 = tpu.matmul %get3A_55, %get3A_58, %dot_general3A_59 {dimension_numbers = #tpu.dot_dimension_numbers<[1], [0], [0], [1], [0, 0, 1, 1], [], []>, transpose_lhs_hint = false} : vector<1000x16xf32>, vector<16x128xf32>, vector<1000x128xf32> -> vector<1000x128xf32>
    %get3A_61 = arith.constant 0 : index
    %get3A_62 = arith.constant 0 : index
    %get3A_63 = vector.load %arg3[%get3A_61, %get3A_62] : memref<1x128xf32, #tpu.memory_space<vmem>>, vector<1x128xf32>
    %add3A_64 = vector.broadcast %get3A_63 : vector<1x128xf32> to vector<1000x128xf32>
    %add3A_65 = arith.addf %dot_general3A_60, %add3A_64 : vector<1000x128xf32>
    %swap3A_66 = arith.constant 0 : index
    %swap3A_67 = arith.constant 3 : index
    %swap3A_68 = arith.constant 0 : index
    %swap3A_69 = vector.load %arg4[%swap3A_66, %swap3A_67, %swap3A_68] : memref<1000x8x128xf32, #tpu.memory_space<vmem>>, vector<1000x1x128xf32>
    %swap3A_70 = vector.shape_cast %swap3A_69 : vector<1000x1x128xf32> to vector<1000x128xf32>
    %swap3A_71 = vector.shape_cast %add3A_65 : vector<1000x128xf32> to vector<1000x1x128xf32>
    tpu.vector_store %arg4[%swap3A_66, %swap3A_67, %swap3A_68], %swap3A_71 {strides = array<i32>} : memref<1000x8x128xf32, #tpu.memory_space<vmem>>, vector<1000x1x128xf32>,
    %get3A_72 = arith.constant 0 : index
    %get3A_73 = arith.constant 64 : index
    %get3A_74 = vector.load %arg1[%get3A_72, %get3A_73] : memref<1000x128xf32, #tpu.memory_space<vmem>>, vector<1000x16xf32>
    %get3A_75 = arith.constant 0 : index
    %get3A_76 = arith.constant 0 : index
    %get3A_77 = vector.load %arg2[%get3A_75, %get3A_76] : memref<16x128xf32, #tpu.memory_space<vmem>>, vector<16x128xf32>
    %dot_general3A_78 = arith.constant dense<0.000000e+00> : vector<1000x128xf32>
    %dot_general3A_79 = tpu.matmul %get3A_74, %get3A_77, %dot_general3A_78 {dimension_numbers = #tpu.dot_dimension_numbers<[1], [0], [0], [1], [0, 0, 1, 1], [], []>, transpose_lhs_hint = false} : vector<1000x16xf32>, vector<16x128xf32>, vector<1000x128xf32> -> vector<1000x128xf32>
    %get3A_80 = arith.constant 0 : index
    %get3A_81 = arith.constant 0 : index
    %get3A_82 = vector.load %arg3[%get3A_80, %get3A_81] : memref<1x128xf32, #tpu.memory_space<vmem>>, vector<1x128xf32>
    %add3A_83 = vector.broadcast %get3A_82 : vector<1x128xf32> to vector<1000x128xf32>
    %add3A_84 = arith.addf %dot_general3A_79, %add3A_83 : vector<1000x128xf32>
    %swap3A_85 = arith.constant 0 : index
    %swap3A_86 = arith.constant 4 : index
    %swap3A_87 = arith.constant 0 : index
    %swap3A_88 = vector.load %arg4[%swap3A_85, %swap3A_86, %swap3A_87] : memref<1000x8x128xf32, #tpu.memory_space<vmem>>, vector<1000x1x128xf32>
    %swap3A_89 = vector.shape_cast %swap3A_88 : vector<1000x1x128xf32> to vector<1000x128xf32>
    %swap3A_90 = vector.shape_cast %add3A_84 : vector<1000x128xf32> to vector<1000x1x128xf32>
    tpu.vector_store %arg4[%swap3A_85, %swap3A_86, %swap3A_87], %swap3A_90 {strides = array<i32>} : memref<1000x8x128xf32, #tpu.memory_space<vmem>>, vector<1000x1x128xf32>,
    %get3A_91 = arith.constant 0 : index
    %get3A_92 = arith.constant 80 : index
    %get3A_93 = vector.load %arg1[%get3A_91, %get3A_92] : memref<1000x128xf32, #tpu.memory_space<vmem>>, vector<1000x16xf32>
    %get3A_94 = arith.constant 0 : index
    %get3A_95 = arith.constant 0 : index
    %get3A_96 = vector.load %arg2[%get3A_94, %get3A_95] : memref<16x128xf32, #tpu.memory_space<vmem>>, vector<16x128xf32>
    %dot_general3A_97 = arith.constant dense<0.000000e+00> : vector<1000x128xf32>
    %dot_general3A_98 = tpu.matmul %get3A_93, %get3A_96, %dot_general3A_97 {dimension_numbers = #tpu.dot_dimension_numbers<[1], [0], [0], [1], [0, 0, 1, 1], [], []>, transpose_lhs_hint = false} : vector<1000x16xf32>, vector<16x128xf32>, vector<1000x128xf32> -> vector<1000x128xf32>
    %get3A_99 = arith.constant 0 : index
    %get3A_100 = arith.constant 0 : index
    %get3A_101 = vector.load %arg3[%get3A_99, %get3A_100] : memref<1x128xf32, #tpu.memory_space<vmem>>, vector<1x128xf32>
    %add3A_102 = vector.broadcast %get3A_101 : vector<1x128xf32> to vector<1000x128xf32>
    %add3A_103 = arith.addf %dot_general3A_98, %add3A_102 : vector<1000x128xf32>
    %swap3A_104 = arith.constant 0 : index
    %swap3A_105 = arith.constant 5 : index
    %swap3A_106 = arith.constant 0 : index
    %swap3A_107 = vector.load %arg4[%swap3A_104, %swap3A_105, %swap3A_106] : memref<1000x8x128xf32, #tpu.memory_space<vmem>>, vector<1000x1x128xf32>
    %swap3A_108 = vector.shape_cast %swap3A_107 : vector<1000x1x128xf32> to vector<1000x128xf32>
    %swap3A_109 = vector.shape_cast %add3A_103 : vector<1000x128xf32> to vector<1000x1x128xf32>
    tpu.vector_store %arg4[%swap3A_104, %swap3A_105, %swap3A_106], %swap3A_109 {strides = array<i32>} : memref<1000x8x128xf32, #tpu.memory_space<vmem>>, vector<1000x1x128xf32>,
    %get3A_110 = arith.constant 0 : index
    %get3A_111 = arith.constant 96 : index
    %get3A_112 = vector.load %arg1[%get3A_110, %get3A_111] : memref<1000x128xf32, #tpu.memory_space<vmem>>, vector<1000x16xf32>
    %get3A_113 = arith.constant 0 : index
    %get3A_114 = arith.constant 0 : index
    %get3A_115 = vector.load %arg2[%get3A_113, %get3A_114] : memref<16x128xf32, #tpu.memory_space<vmem>>, vector<16x128xf32>
    %dot_general3A_116 = arith.constant dense<0.000000e+00> : vector<1000x128xf32>
    %dot_general3A_117 = tpu.matmul %get3A_112, %get3A_115, %dot_general3A_116 {dimension_numbers = #tpu.dot_dimension_numbers<[1], [0], [0], [1], [0, 0, 1, 1], [], []>, transpose_lhs_hint = false} : vector<1000x16xf32>, vector<16x128xf32>, vector<1000x128xf32> -> vector<1000x128xf32>
    %get3A_118 = arith.constant 0 : index
    %get3A_119 = arith.constant 0 : index
    %get3A_120 = vector.load %arg3[%get3A_118, %get3A_119] : memref<1x128xf32, #tpu.memory_space<vmem>>, vector<1x128xf32>
    %add3A_121 = vector.broadcast %get3A_120 : vector<1x128xf32> to vector<1000x128xf32>
    %add3A_122 = arith.addf %dot_general3A_117, %add3A_121 : vector<1000x128xf32>
    %swap3A_123 = arith.constant 0 : index
    %swap3A_124 = arith.constant 6 : index
    %swap3A_125 = arith.constant 0 : index
    %swap3A_126 = vector.load %arg4[%swap3A_123, %swap3A_124, %swap3A_125] : memref<1000x8x128xf32, #tpu.memory_space<vmem>>, vector<1000x1x128xf32>
    %swap3A_127 = vector.shape_cast %swap3A_126 : vector<1000x1x128xf32> to vector<1000x128xf32>
    %swap3A_128 = vector.shape_cast %add3A_122 : vector<1000x128xf32> to vector<1000x1x128xf32>
    tpu.vector_store %arg4[%swap3A_123, %swap3A_124, %swap3A_125], %swap3A_128 {strides = array<i32>} : memref<1000x8x128xf32, #tpu.memory_space<vmem>>, vector<1000x1x128xf32>,
    %get3A_129 = arith.constant 0 : index
    %get3A_130 = arith.constant 112 : index
    %get3A_131 = vector.load %arg1[%get3A_129, %get3A_130] : memref<1000x128xf32, #tpu.memory_space<vmem>>, vector<1000x16xf32>
    %get3A_132 = arith.constant 0 : index
    %get3A_133 = arith.constant 0 : index
    %get3A_134 = vector.load %arg2[%get3A_132, %get3A_133] : memref<16x128xf32, #tpu.memory_space<vmem>>, vector<16x128xf32>
    %dot_general3A_135 = arith.constant dense<0.000000e+00> : vector<1000x128xf32>
    %dot_general3A_136 = tpu.matmul %get3A_131, %get3A_134, %dot_general3A_135 {dimension_numbers = #tpu.dot_dimension_numbers<[1], [0], [0], [1], [0, 0, 1, 1], [], []>, transpose_lhs_hint = false} : vector<1000x16xf32>, vector<16x128xf32>, vector<1000x128xf32> -> vector<1000x128xf32>
    %get3A_137 = arith.constant 0 : index
    %get3A_138 = arith.constant 0 : index
    %get3A_139 = vector.load %arg3[%get3A_137, %get3A_138] : memref<1x128xf32, #tpu.memory_space<vmem>>, vector<1x128xf32>
    %add3A_140 = vector.broadcast %get3A_139 : vector<1x128xf32> to vector<1000x128xf32>
    %add3A_141 = arith.addf %dot_general3A_136, %add3A_140 : vector<1000x128xf32>
    %swap3A_142 = arith.constant 0 : index
    %swap3A_143 = arith.constant 7 : index
    %swap3A_144 = arith.constant 0 : index
    %swap3A_145 = vector.load %arg4[%swap3A_142, %swap3A_143, %swap3A_144] : memref<1000x8x128xf32, #tpu.memory_space<vmem>>, vector<1000x1x128xf32>
    %swap3A_146 = vector.shape_cast %swap3A_145 : vector<1000x1x128xf32> to vector<1000x128xf32>
    %swap3A_147 = vector.shape_cast %add3A_141 : vector<1000x128xf32> to vector<1000x1x128xf32>
    tpu.vector_store %arg4[%swap3A_142, %swap3A_143, %swap3A_144], %swap3A_147 {strides = array<i32>} : memref<1000x8x128xf32, #tpu.memory_space<vmem>>, vector<1000x1x128xf32>,
    return
  }
  func.func @transform_0(%arg0: i32) -> (i32, i32) {
    %c0_i32 = arith.constant 0 : i32
    %c0_i32_0 = arith.constant 0 : i32
    return %arg0, %c0_i32 : i32, i32
  }
  func.func @transform_1(%arg0: i32) -> (i32, i32) {
    %c0_i32 = arith.constant 0 : i32
    %c0_i32_0 = arith.constant 0 : i32
    %c0_i32_1 = arith.constant 0 : i32
    return %c0_i32, %c0_i32_0 : i32, i32
  }
  func.func @transform_2(%arg0: i32) -> (i32, i32) {
    %c0_i32 = arith.constant 0 : i32
    %c0_i32_0 = arith.constant 0 : i32
    %c0_i32_1 = arith.constant 0 : i32
    return %c0_i32, %c0_i32_0 : i32, i32
  }
  func.func @transform_3(%arg0: i32) -> (i32, i32, i32) {
    %c0_i32 = arith.constant 0 : i32
    %c0_i32_0 = arith.constant 0 : i32
    %c0_i32_1 = arith.constant 0 : i32
    return %arg0, %c0_i32, %c0_i32_0 : i32, i32, i32
  }
}

module attributes {stable_mosaic.version = 14 : i64} {
  func.func @_node0_body(%arg0: memref<10000x128xf32, #tpu.memory_space<vmem>>, %arg1: memref<2x10000x64xf32, #tpu.memory_space<vmem>>, %arg2: memref<128x128xf32, #tpu.memory_space<vmem>>, %arg3: memref<1x128xf32, #tpu.memory_space<vmem>>, %arg4: memref<1x128xf32, #tpu.memory_space<vmem>>, %arg5: memref<1x128xf32, #tpu.memory_space<vmem>>, %arg6: memref<128x128xf32, #tpu.memory_space<vmem>>, %arg7: memref<1x128xf32, #tpu.memory_space<vmem>>, %arg8: memref<1x128xf32, #tpu.memory_space<vmem>>, %arg9: memref<1x128xf32, #tpu.memory_space<vmem>>, %arg10: memref<1x1xf32, #tpu.memory_space<vmem>>, %arg11: memref<2x10000x64xf32, #tpu.memory_space<vmem>>) attributes {dimension_semantics = [], scalar_prefetch = 0 : i64, scratch_operands = 0 : i64, tpu.core_type = #tpu.core_type<tc>} {
    %get3A = arith.constant 0 : index
    %get3A_0 = arith.constant 0 : index
    %get3A_1 = arith.constant 0 : index
    %get3A_2 = vector.load %arg1[%get3A, %get3A_0, %get3A_1] : memref<2x10000x64xf32, #tpu.memory_space<vmem>>, vector<1x10000x64xf32>
    %get3A_3 = vector.shape_cast %get3A_2 : vector<1x10000x64xf32> to vector<10000x64xf32>
    %get3A_4 = arith.constant 1 : index
    %get3A_5 = arith.constant 0 : index
    %get3A_6 = arith.constant 0 : index
    %get3A_7 = vector.load %arg1[%get3A_4, %get3A_5, %get3A_6] : memref<2x10000x64xf32, #tpu.memory_space<vmem>>, vector<1x10000x64xf32>
    %get3A_8 = vector.shape_cast %get3A_7 : vector<1x10000x64xf32> to vector<10000x64xf32>
    %concatenate3A = tpu.concatenate %get3A_3, %get3A_8 in 1 : vector<10000x64xf32>, vector<10000x64xf32> -> vector<10000x128xf32>
    %get3A_9 = arith.constant 0 : index
    %get3A_10 = arith.constant 0 : index
    %get3A_11 = vector.load %arg10[%get3A_9, %get3A_10] : memref<1x1xf32, #tpu.memory_space<vmem>>, vector<1x1xf32>
    %get3A_12 = vector.extract %get3A_11[0, 0] : f32 from vector<1x1xf32>
    %add3A = arith.constant 1.000000e+00 : f32
    %add3A_13 = arith.addf %add3A, %get3A_12 : f32
    %get3A_14 = arith.constant 0 : index
    %get3A_15 = arith.constant 0 : index
    %get3A_16 = vector.load %arg0[%get3A_14, %get3A_15] : memref<10000x128xf32, #tpu.memory_space<vmem>>, vector<10000x128xf32>
    %mul3A = vector.broadcast %add3A_13 : f32 to vector<10000x128xf32>
    %mul3A_17 = arith.mulf %mul3A, %get3A_16 : vector<10000x128xf32>
    %add3A_18 = arith.addf %mul3A_17, %concatenate3A : vector<10000x128xf32>
    %get3A_19 = arith.constant 0 : index
    %get3A_20 = arith.constant 0 : index
    %get3A_21 = vector.load %arg2[%get3A_19, %get3A_20] : memref<128x128xf32, #tpu.memory_space<vmem>>, vector<128x128xf32>
    %dot_general3A = arith.constant dense<0.000000e+00> : vector<10000x128xf32>
    %dot_general3A_22 = tpu.matmul %add3A_18, %get3A_21, %dot_general3A {dimension_numbers = #tpu.dot_dimension_numbers<[1], [0], [0], [1], [0, 0, 1, 1], [], []>, transpose_lhs_hint = false} : vector<10000x128xf32>, vector<128x128xf32>, vector<10000x128xf32> -> vector<10000x128xf32>
    %get3A_23 = arith.constant 0 : index
    %get3A_24 = arith.constant 0 : index
    %get3A_25 = vector.load %arg3[%get3A_23, %get3A_24] : memref<1x128xf32, #tpu.memory_space<vmem>>, vector<1x128xf32>
    %add3A_26 = vector.broadcast %get3A_25 : vector<1x128xf32> to vector<10000x128xf32>
    %add3A_27 = arith.addf %dot_general3A_22, %add3A_26 : vector<10000x128xf32>
    %get3A_28 = arith.constant 0 : index
    %get3A_29 = arith.constant 0 : index
    %get3A_30 = vector.load %arg4[%get3A_28, %get3A_29] : memref<1x128xf32, #tpu.memory_space<vmem>>, vector<1x128xf32>
    %get3A_31 = arith.constant 0 : index
    %get3A_32 = arith.constant 0 : index
    %get3A_33 = vector.load %arg5[%get3A_31, %get3A_32] : memref<1x128xf32, #tpu.memory_space<vmem>>, vector<1x128xf32>
    %reduce_sum3A = arith.constant dense<0.000000e+00> : vector<128xf32>
    %reduce_sum3A_34 = vector.multi_reduction <add>, %add3A_27, %reduce_sum3A [0] : vector<10000x128xf32> to vector<128xf32>
    %div3A = arith.constant 1.000000e+04 : f32
    %div3A_35 = vector.broadcast %div3A : f32 to vector<128xf32>
    %div3A_36 = arith.divf %reduce_sum3A_34, %div3A_35 : vector<128xf32>
    %jit3A = arith.constant 0 : i32
    %reduce_sum3A_37 = arith.constant dense<0.000000e+00> : vector<128xf32>
    %reduce_sum3A_38 = vector.multi_reduction <add>, %add3A_27, %reduce_sum3A_37 [0] : vector<10000x128xf32> to vector<128xf32>
    %broadcast_in_dim3A = vector.shape_cast %reduce_sum3A_38 : vector<128xf32> to vector<1x128xf32>
    %div3A_39 = arith.constant 1.000000e+04 : f32
    %div3A_40 = vector.broadcast %div3A_39 : f32 to vector<1x128xf32>
    %div3A_41 = arith.divf %broadcast_in_dim3A, %div3A_40 : vector<1x128xf32>
    %sub3A = vector.broadcast %div3A_41 : vector<1x128xf32> to vector<10000x128xf32>
    %sub3A_42 = arith.subf %add3A_27, %sub3A : vector<10000x128xf32>
    %square3A = arith.mulf %sub3A_42, %sub3A_42 : vector<10000x128xf32>
    %convert_element_type3A = arith.sitofp %jit3A : i32 to f32
    %sub3A_43 = arith.constant 1.000000e+04 : f32
    %sub3A_44 = arith.subf %sub3A_43, %convert_element_type3A : f32
    %reduce_sum3A_45 = arith.constant dense<0.000000e+00> : vector<128xf32>
    %reduce_sum3A_46 = vector.multi_reduction <add>, %square3A, %reduce_sum3A_45 [0] : vector<10000x128xf32> to vector<128xf32>
    %div3A_47 = vector.broadcast %sub3A_44 : f32 to vector<128xf32>
    %div3A_48 = arith.divf %reduce_sum3A_46, %div3A_47 : vector<128xf32>
    %gt3A = arith.constant 0.000000e+00 : f32
    %gt3A_49 = arith.cmpf ogt, %sub3A_44, %gt3A : f32
    %jit3A_50 = arith.constant 0x7FC00000 : f32
    %broadcast_in_dim3A_51 = vector.broadcast %jit3A_50 : f32 to vector<128xf32>
    %select_n3A = arith.select %gt3A_49, %div3A_48, %broadcast_in_dim3A_51 : vector<128xf32>
    %broadcast_in_dim3A_52 = vector.shape_cast %div3A_36 : vector<128xf32> to vector<1x128xf32>
    %sub3A_53 = vector.broadcast %broadcast_in_dim3A_52 : vector<1x128xf32> to vector<10000x128xf32>
    %sub3A_54 = arith.subf %add3A_27, %sub3A_53 : vector<10000x128xf32>
    %add3A_55 = arith.constant 9.99999974E-6 : f32
    %add3A_56 = vector.broadcast %add3A_55 : f32 to vector<128xf32>
    %add3A_57 = arith.addf %select_n3A, %add3A_56 : vector<128xf32>
    %sqrt3A = math.sqrt %add3A_57 : vector<128xf32>
    %broadcast_in_dim3A_58 = vector.shape_cast %sqrt3A : vector<128xf32> to vector<1x128xf32>
    %div3A_59 = vector.broadcast %broadcast_in_dim3A_58 : vector<1x128xf32> to vector<10000x128xf32>
    %div3A_60 = arith.divf %sub3A_54, %div3A_59 : vector<10000x128xf32>
    %mul3A_61 = vector.broadcast %get3A_30 : vector<1x128xf32> to vector<10000x128xf32>
    %mul3A_62 = arith.mulf %div3A_60, %mul3A_61 : vector<10000x128xf32>
    %add3A_63 = vector.broadcast %get3A_33 : vector<1x128xf32> to vector<10000x128xf32>
    %add3A_64 = arith.addf %mul3A_62, %add3A_63 : vector<10000x128xf32>
    %ge3A = arith.constant 0.000000e+00 : f32
    %ge3A_65 = vector.broadcast %ge3A : f32 to vector<10000x128xf32>
    %ge3A_66 = arith.cmpf oge, %add3A_64, %ge3A_65 : vector<10000x128xf32>
    %mul3A_67 = arith.constant 0.00999999977 : f32
    %mul3A_68 = vector.broadcast %mul3A_67 : f32 to vector<10000x128xf32>
    %mul3A_69 = arith.mulf %mul3A_68, %add3A_64 : vector<10000x128xf32>
    %select_n3A_70 = arith.select %ge3A_66, %add3A_64, %mul3A_69 : vector<10000x128xi1>, vector<10000x128xf32>
    %get3A_71 = arith.constant 0 : index
    %get3A_72 = arith.constant 0 : index
    %get3A_73 = vector.load %arg6[%get3A_71, %get3A_72] : memref<128x128xf32, #tpu.memory_space<vmem>>, vector<128x128xf32>
    %dot_general3A_74 = arith.constant dense<0.000000e+00> : vector<10000x128xf32>
    %dot_general3A_75 = tpu.matmul %select_n3A_70, %get3A_73, %dot_general3A_74 {dimension_numbers = #tpu.dot_dimension_numbers<[1], [0], [0], [1], [0, 0, 1, 1], [], []>, transpose_lhs_hint = false} : vector<10000x128xf32>, vector<128x128xf32>, vector<10000x128xf32> -> vector<10000x128xf32>
    %get3A_76 = arith.constant 0 : index
    %get3A_77 = arith.constant 0 : index
    %get3A_78 = vector.load %arg7[%get3A_76, %get3A_77] : memref<1x128xf32, #tpu.memory_space<vmem>>, vector<1x128xf32>
    %add3A_79 = vector.broadcast %get3A_78 : vector<1x128xf32> to vector<10000x128xf32>
    %add3A_80 = arith.addf %dot_general3A_75, %add3A_79 : vector<10000x128xf32>
    %get3A_81 = arith.constant 0 : index
    %get3A_82 = arith.constant 0 : index
    %get3A_83 = vector.load %arg8[%get3A_81, %get3A_82] : memref<1x128xf32, #tpu.memory_space<vmem>>, vector<1x128xf32>
    %get3A_84 = arith.constant 0 : index
    %get3A_85 = arith.constant 0 : index
    %get3A_86 = vector.load %arg9[%get3A_84, %get3A_85] : memref<1x128xf32, #tpu.memory_space<vmem>>, vector<1x128xf32>
    %reduce_sum3A_87 = arith.constant dense<0.000000e+00> : vector<128xf32>
    %reduce_sum3A_88 = vector.multi_reduction <add>, %add3A_80, %reduce_sum3A_87 [0] : vector<10000x128xf32> to vector<128xf32>
    %div3A_89 = arith.constant 1.000000e+04 : f32
    %div3A_90 = vector.broadcast %div3A_89 : f32 to vector<128xf32>
    %div3A_91 = arith.divf %reduce_sum3A_88, %div3A_90 : vector<128xf32>
    %jit3A_92 = arith.constant 0 : i32
    %reduce_sum3A_93 = arith.constant dense<0.000000e+00> : vector<128xf32>
    %reduce_sum3A_94 = vector.multi_reduction <add>, %add3A_80, %reduce_sum3A_93 [0] : vector<10000x128xf32> to vector<128xf32>
    %broadcast_in_dim3A_95 = vector.shape_cast %reduce_sum3A_94 : vector<128xf32> to vector<1x128xf32>
    %div3A_96 = arith.constant 1.000000e+04 : f32
    %div3A_97 = vector.broadcast %div3A_96 : f32 to vector<1x128xf32>
    %div3A_98 = arith.divf %broadcast_in_dim3A_95, %div3A_97 : vector<1x128xf32>
    %sub3A_99 = vector.broadcast %div3A_98 : vector<1x128xf32> to vector<10000x128xf32>
    %sub3A_100 = arith.subf %add3A_80, %sub3A_99 : vector<10000x128xf32>
    %square3A_101 = arith.mulf %sub3A_100, %sub3A_100 : vector<10000x128xf32>
    %convert_element_type3A_102 = arith.sitofp %jit3A_92 : i32 to f32
    %sub3A_103 = arith.constant 1.000000e+04 : f32
    %sub3A_104 = arith.subf %sub3A_103, %convert_element_type3A_102 : f32
    %reduce_sum3A_105 = arith.constant dense<0.000000e+00> : vector<128xf32>
    %reduce_sum3A_106 = vector.multi_reduction <add>, %square3A_101, %reduce_sum3A_105 [0] : vector<10000x128xf32> to vector<128xf32>
    %div3A_107 = vector.broadcast %sub3A_104 : f32 to vector<128xf32>
    %div3A_108 = arith.divf %reduce_sum3A_106, %div3A_107 : vector<128xf32>
    %gt3A_109 = arith.constant 0.000000e+00 : f32
    %gt3A_110 = arith.cmpf ogt, %sub3A_104, %gt3A_109 : f32
    %jit3A_111 = arith.constant 0x7FC00000 : f32
    %broadcast_in_dim3A_112 = vector.broadcast %jit3A_111 : f32 to vector<128xf32>
    %select_n3A_113 = arith.select %gt3A_110, %div3A_108, %broadcast_in_dim3A_112 : vector<128xf32>
    %broadcast_in_dim3A_114 = vector.shape_cast %div3A_91 : vector<128xf32> to vector<1x128xf32>
    %sub3A_115 = vector.broadcast %broadcast_in_dim3A_114 : vector<1x128xf32> to vector<10000x128xf32>
    %sub3A_116 = arith.subf %add3A_80, %sub3A_115 : vector<10000x128xf32>
    %add3A_117 = arith.constant 9.99999974E-6 : f32
    %add3A_118 = vector.broadcast %add3A_117 : f32 to vector<128xf32>
    %add3A_119 = arith.addf %select_n3A_113, %add3A_118 : vector<128xf32>
    %sqrt3A_120 = math.sqrt %add3A_119 : vector<128xf32>
    %broadcast_in_dim3A_121 = vector.shape_cast %sqrt3A_120 : vector<128xf32> to vector<1x128xf32>
    %div3A_122 = vector.broadcast %broadcast_in_dim3A_121 : vector<1x128xf32> to vector<10000x128xf32>
    %div3A_123 = arith.divf %sub3A_116, %div3A_122 : vector<10000x128xf32>
    %mul3A_124 = vector.broadcast %get3A_83 : vector<1x128xf32> to vector<10000x128xf32>
    %mul3A_125 = arith.mulf %div3A_123, %mul3A_124 : vector<10000x128xf32>
    %add3A_126 = vector.broadcast %get3A_86 : vector<1x128xf32> to vector<10000x128xf32>
    %add3A_127 = arith.addf %mul3A_125, %add3A_126 : vector<10000x128xf32>
    %ge3A_128 = arith.constant 0.000000e+00 : f32
    %ge3A_129 = vector.broadcast %ge3A_128 : f32 to vector<10000x128xf32>
    %ge3A_130 = arith.cmpf oge, %add3A_127, %ge3A_129 : vector<10000x128xf32>
    %mul3A_131 = arith.constant 0.00999999977 : f32
    %mul3A_132 = vector.broadcast %mul3A_131 : f32 to vector<10000x128xf32>
    %mul3A_133 = arith.mulf %mul3A_132, %add3A_127 : vector<10000x128xf32>
    %select_n3A_134 = arith.select %ge3A_130, %add3A_127, %mul3A_133 : vector<10000x128xi1>, vector<10000x128xf32>
    %slice3A = vector.extract_strided_slice %select_n3A_134 {offsets = [0, 0], sizes = [10000, 64], strides = [1, 1]} : vector<10000x128xf32> to vector<10000x64xf32>
    %swap3A = arith.constant 0 : index
    %swap3A_135 = arith.constant 0 : index
    %swap3A_136 = arith.constant 0 : index
    %swap3A_137 = vector.load %arg11[%swap3A, %swap3A_135, %swap3A_136] : memref<2x10000x64xf32, #tpu.memory_space<vmem>>, vector<1x10000x64xf32>
    %swap3A_138 = vector.shape_cast %swap3A_137 : vector<1x10000x64xf32> to vector<10000x64xf32>
    %swap3A_139 = vector.shape_cast %slice3A : vector<10000x64xf32> to vector<1x10000x64xf32>
    tpu.vector_store %arg11[%swap3A, %swap3A_135, %swap3A_136], %swap3A_139 {strides = array<i32>} : memref<2x10000x64xf32, #tpu.memory_space<vmem>>, vector<1x10000x64xf32>,
    %slice3A_140 = vector.extract_strided_slice %select_n3A_134 {offsets = [0, 64], sizes = [10000, 64], strides = [1, 1]} : vector<10000x128xf32> to vector<10000x64xf32>
    %swap3A_141 = arith.constant 1 : index
    %swap3A_142 = arith.constant 0 : index
    %swap3A_143 = arith.constant 0 : index
    %swap3A_144 = vector.load %arg11[%swap3A_141, %swap3A_142, %swap3A_143] : memref<2x10000x64xf32, #tpu.memory_space<vmem>>, vector<1x10000x64xf32>
    %swap3A_145 = vector.shape_cast %swap3A_144 : vector<1x10000x64xf32> to vector<10000x64xf32>
    %swap3A_146 = vector.shape_cast %slice3A_140 : vector<10000x64xf32> to vector<1x10000x64xf32>
    tpu.vector_store %arg11[%swap3A_141, %swap3A_142, %swap3A_143], %swap3A_146 {strides = array<i32>} : memref<2x10000x64xf32, #tpu.memory_space<vmem>>, vector<1x10000x64xf32>,
    return
  }
}

module attributes {stable_mosaic.version = 14 : i64} {
  func.func @_node1_body(%arg0: memref<2x10000x64xf32, #tpu.memory_space<vmem>>, %arg1: memref<2x10000x64xf32, #tpu.memory_space<vmem>>, %arg2: memref<128x128xf32, #tpu.memory_space<vmem>>, %arg3: memref<1x128xf32, #tpu.memory_space<vmem>>, %arg4: memref<1x128xf32, #tpu.memory_space<vmem>>, %arg5: memref<1x128xf32, #tpu.memory_space<vmem>>, %arg6: memref<128x128xf32, #tpu.memory_space<vmem>>, %arg7: memref<1x128xf32, #tpu.memory_space<vmem>>, %arg8: memref<128x128xf32, #tpu.memory_space<vmem>>, %arg9: memref<1x128xf32, #tpu.memory_space<vmem>>, %arg10: memref<1x1xf32, #tpu.memory_space<vmem>>, %arg11: memref<10000x128xf32, #tpu.memory_space<vmem>>) attributes {dimension_semantics = [], scalar_prefetch = 0 : i64, scratch_operands = 0 : i64, tpu.core_type = #tpu.core_type<tc>} {
    %get3A = arith.constant 0 : index
    %get3A_0 = arith.constant 0 : index
    %get3A_1 = arith.constant 0 : index
    %get3A_2 = vector.load %arg0[%get3A, %get3A_0, %get3A_1] : memref<2x10000x64xf32, #tpu.memory_space<vmem>>, vector<1x10000x64xf32>
    %get3A_3 = vector.shape_cast %get3A_2 : vector<1x10000x64xf32> to vector<10000x64xf32>
    %get3A_4 = arith.constant 1 : index
    %get3A_5 = arith.constant 0 : index
    %get3A_6 = arith.constant 0 : index
    %get3A_7 = vector.load %arg0[%get3A_4, %get3A_5, %get3A_6] : memref<2x10000x64xf32, #tpu.memory_space<vmem>>, vector<1x10000x64xf32>
    %get3A_8 = vector.shape_cast %get3A_7 : vector<1x10000x64xf32> to vector<10000x64xf32>
    %concatenate3A = tpu.concatenate %get3A_3, %get3A_8 in 1 : vector<10000x64xf32>, vector<10000x64xf32> -> vector<10000x128xf32>
    %get3A_9 = arith.constant 0 : index
    %get3A_10 = arith.constant 0 : index
    %get3A_11 = arith.constant 0 : index
    %get3A_12 = vector.load %arg1[%get3A_9, %get3A_10, %get3A_11] : memref<2x10000x64xf32, #tpu.memory_space<vmem>>, vector<1x10000x64xf32>
    %get3A_13 = vector.shape_cast %get3A_12 : vector<1x10000x64xf32> to vector<10000x64xf32>
    %get3A_14 = arith.constant 1 : index
    %get3A_15 = arith.constant 0 : index
    %get3A_16 = arith.constant 0 : index
    %get3A_17 = vector.load %arg1[%get3A_14, %get3A_15, %get3A_16] : memref<2x10000x64xf32, #tpu.memory_space<vmem>>, vector<1x10000x64xf32>
    %get3A_18 = vector.shape_cast %get3A_17 : vector<1x10000x64xf32> to vector<10000x64xf32>
    %concatenate3A_19 = tpu.concatenate %get3A_13, %get3A_18 in 1 : vector<10000x64xf32>, vector<10000x64xf32> -> vector<10000x128xf32>
    %get3A_20 = arith.constant 0 : index
    %get3A_21 = arith.constant 0 : index
    %get3A_22 = vector.load %arg10[%get3A_20, %get3A_21] : memref<1x1xf32, #tpu.memory_space<vmem>>, vector<1x1xf32>
    %get3A_23 = vector.extract %get3A_22[0, 0] : f32 from vector<1x1xf32>
    %add3A = arith.constant 1.000000e+00 : f32
    %add3A_24 = arith.addf %add3A, %get3A_23 : f32
    %mul3A = vector.broadcast %add3A_24 : f32 to vector<10000x128xf32>
    %mul3A_25 = arith.mulf %mul3A, %concatenate3A : vector<10000x128xf32>
    %add3A_26 = arith.addf %mul3A_25, %concatenate3A_19 : vector<10000x128xf32>
    %get3A_27 = arith.constant 0 : index
    %get3A_28 = arith.constant 0 : index
    %get3A_29 = vector.load %arg2[%get3A_27, %get3A_28] : memref<128x128xf32, #tpu.memory_space<vmem>>, vector<128x128xf32>
    %dot_general3A = arith.constant dense<0.000000e+00> : vector<10000x128xf32>
    %dot_general3A_30 = tpu.matmul %add3A_26, %get3A_29, %dot_general3A {dimension_numbers = #tpu.dot_dimension_numbers<[1], [0], [0], [1], [0, 0, 1, 1], [], []>, transpose_lhs_hint = false} : vector<10000x128xf32>, vector<128x128xf32>, vector<10000x128xf32> -> vector<10000x128xf32>
    %get3A_31 = arith.constant 0 : index
    %get3A_32 = arith.constant 0 : index
    %get3A_33 = vector.load %arg3[%get3A_31, %get3A_32] : memref<1x128xf32, #tpu.memory_space<vmem>>, vector<1x128xf32>
    %add3A_34 = vector.broadcast %get3A_33 : vector<1x128xf32> to vector<10000x128xf32>
    %add3A_35 = arith.addf %dot_general3A_30, %add3A_34 : vector<10000x128xf32>
    %get3A_36 = arith.constant 0 : index
    %get3A_37 = arith.constant 0 : index
    %get3A_38 = vector.load %arg4[%get3A_36, %get3A_37] : memref<1x128xf32, #tpu.memory_space<vmem>>, vector<1x128xf32>
    %get3A_39 = arith.constant 0 : index
    %get3A_40 = arith.constant 0 : index
    %get3A_41 = vector.load %arg5[%get3A_39, %get3A_40] : memref<1x128xf32, #tpu.memory_space<vmem>>, vector<1x128xf32>
    %reduce_sum3A = arith.constant dense<0.000000e+00> : vector<128xf32>
    %reduce_sum3A_42 = vector.multi_reduction <add>, %add3A_35, %reduce_sum3A [0] : vector<10000x128xf32> to vector<128xf32>
    %div3A = arith.constant 1.000000e+04 : f32
    %div3A_43 = vector.broadcast %div3A : f32 to vector<128xf32>
    %div3A_44 = arith.divf %reduce_sum3A_42, %div3A_43 : vector<128xf32>
    %jit3A = arith.constant 0 : i32
    %reduce_sum3A_45 = arith.constant dense<0.000000e+00> : vector<128xf32>
    %reduce_sum3A_46 = vector.multi_reduction <add>, %add3A_35, %reduce_sum3A_45 [0] : vector<10000x128xf32> to vector<128xf32>
    %broadcast_in_dim3A = vector.shape_cast %reduce_sum3A_46 : vector<128xf32> to vector<1x128xf32>
    %div3A_47 = arith.constant 1.000000e+04 : f32
    %div3A_48 = vector.broadcast %div3A_47 : f32 to vector<1x128xf32>
    %div3A_49 = arith.divf %broadcast_in_dim3A, %div3A_48 : vector<1x128xf32>
    %sub3A = vector.broadcast %div3A_49 : vector<1x128xf32> to vector<10000x128xf32>
    %sub3A_50 = arith.subf %add3A_35, %sub3A : vector<10000x128xf32>
    %square3A = arith.mulf %sub3A_50, %sub3A_50 : vector<10000x128xf32>
    %convert_element_type3A = arith.sitofp %jit3A : i32 to f32
    %sub3A_51 = arith.constant 1.000000e+04 : f32
    %sub3A_52 = arith.subf %sub3A_51, %convert_element_type3A : f32
    %reduce_sum3A_53 = arith.constant dense<0.000000e+00> : vector<128xf32>
    %reduce_sum3A_54 = vector.multi_reduction <add>, %square3A, %reduce_sum3A_53 [0] : vector<10000x128xf32> to vector<128xf32>
    %div3A_55 = vector.broadcast %sub3A_52 : f32 to vector<128xf32>
    %div3A_56 = arith.divf %reduce_sum3A_54, %div3A_55 : vector<128xf32>
    %gt3A = arith.constant 0.000000e+00 : f32
    %gt3A_57 = arith.cmpf ogt, %sub3A_52, %gt3A : f32
    %jit3A_58 = arith.constant 0x7FC00000 : f32
    %broadcast_in_dim3A_59 = vector.broadcast %jit3A_58 : f32 to vector<128xf32>
    %select_n3A = arith.select %gt3A_57, %div3A_56, %broadcast_in_dim3A_59 : vector<128xf32>
    %broadcast_in_dim3A_60 = vector.shape_cast %div3A_44 : vector<128xf32> to vector<1x128xf32>
    %sub3A_61 = vector.broadcast %broadcast_in_dim3A_60 : vector<1x128xf32> to vector<10000x128xf32>
    %sub3A_62 = arith.subf %add3A_35, %sub3A_61 : vector<10000x128xf32>
    %add3A_63 = arith.constant 9.99999974E-6 : f32
    %add3A_64 = vector.broadcast %add3A_63 : f32 to vector<128xf32>
    %add3A_65 = arith.addf %select_n3A, %add3A_64 : vector<128xf32>
    %sqrt3A = math.sqrt %add3A_65 : vector<128xf32>
    %broadcast_in_dim3A_66 = vector.shape_cast %sqrt3A : vector<128xf32> to vector<1x128xf32>
    %div3A_67 = vector.broadcast %broadcast_in_dim3A_66 : vector<1x128xf32> to vector<10000x128xf32>
    %div3A_68 = arith.divf %sub3A_62, %div3A_67 : vector<10000x128xf32>
    %mul3A_69 = vector.broadcast %get3A_38 : vector<1x128xf32> to vector<10000x128xf32>
    %mul3A_70 = arith.mulf %div3A_68, %mul3A_69 : vector<10000x128xf32>
    %add3A_71 = vector.broadcast %get3A_41 : vector<1x128xf32> to vector<10000x128xf32>
    %add3A_72 = arith.addf %mul3A_70, %add3A_71 : vector<10000x128xf32>
    %ge3A = arith.constant 0.000000e+00 : f32
    %ge3A_73 = vector.broadcast %ge3A : f32 to vector<10000x128xf32>
    %ge3A_74 = arith.cmpf oge, %add3A_72, %ge3A_73 : vector<10000x128xf32>
    %mul3A_75 = arith.constant 0.00999999977 : f32
    %mul3A_76 = vector.broadcast %mul3A_75 : f32 to vector<10000x128xf32>
    %mul3A_77 = arith.mulf %mul3A_76, %add3A_72 : vector<10000x128xf32>
    %select_n3A_78 = arith.select %ge3A_74, %add3A_72, %mul3A_77 : vector<10000x128xi1>, vector<10000x128xf32>
    %get3A_79 = arith.constant 0 : index
    %get3A_80 = arith.constant 0 : index
    %get3A_81 = vector.load %arg6[%get3A_79, %get3A_80] : memref<128x128xf32, #tpu.memory_space<vmem>>, vector<128x128xf32>
    %dot_general3A_82 = arith.constant dense<0.000000e+00> : vector<10000x128xf32>
    %dot_general3A_83 = tpu.matmul %select_n3A_78, %get3A_81, %dot_general3A_82 {dimension_numbers = #tpu.dot_dimension_numbers<[1], [0], [0], [1], [0, 0, 1, 1], [], []>, transpose_lhs_hint = false} : vector<10000x128xf32>, vector<128x128xf32>, vector<10000x128xf32> -> vector<10000x128xf32>
    %get3A_84 = arith.constant 0 : index
    %get3A_85 = arith.constant 0 : index
    %get3A_86 = vector.load %arg7[%get3A_84, %get3A_85] : memref<1x128xf32, #tpu.memory_space<vmem>>, vector<1x128xf32>
    %add3A_87 = vector.broadcast %get3A_86 : vector<1x128xf32> to vector<10000x128xf32>
    %add3A_88 = arith.addf %dot_general3A_83, %add3A_87 : vector<10000x128xf32>
    %get3A_89 = arith.constant 0 : index
    %get3A_90 = arith.constant 0 : index
    %get3A_91 = vector.load %arg8[%get3A_89, %get3A_90] : memref<128x128xf32, #tpu.memory_space<vmem>>, vector<128x128xf32>
    %dot_general3A_92 = arith.constant dense<0.000000e+00> : vector<10000x128xf32>
    %dot_general3A_93 = tpu.matmul %add3A_88, %get3A_91, %dot_general3A_92 {dimension_numbers = #tpu.dot_dimension_numbers<[1], [0], [0], [1], [0, 0, 1, 1], [], []>, transpose_lhs_hint = false} : vector<10000x128xf32>, vector<128x128xf32>, vector<10000x128xf32> -> vector<10000x128xf32>
    %get3A_94 = arith.constant 0 : index
    %get3A_95 = arith.constant 0 : index
    %get3A_96 = vector.load %arg9[%get3A_94, %get3A_95] : memref<1x128xf32, #tpu.memory_space<vmem>>, vector<1x128xf32>
    %add3A_97 = vector.broadcast %get3A_96 : vector<1x128xf32> to vector<10000x128xf32>
    %add3A_98 = arith.addf %dot_general3A_93, %add3A_97 : vector<10000x128xf32>
    %reduce_max3A = arith.constant dense<0xFF800000> : vector<10000xf32>
    %reduce_max3A_99 = vector.multi_reduction <maximumf>, %add3A_98, %reduce_max3A [1] : vector<10000x128xf32> to vector<10000xf32>
    %broadcast_in_dim3A_100 = vector.shape_cast %reduce_max3A_99 : vector<10000xf32> to vector<10000x1xf32>
    %sub3A_101 = vector.broadcast %broadcast_in_dim3A_100 : vector<10000x1xf32> to vector<10000x128xf32>
    %sub3A_102 = arith.subf %add3A_98, %sub3A_101 : vector<10000x128xf32>
    %exp3A = math.exp %sub3A_102 : vector<10000x128xf32>
    %reduce_sum3A_103 = arith.constant dense<0.000000e+00> : vector<10000xf32>
    %reduce_sum3A_104 = vector.multi_reduction <add>, %exp3A, %reduce_sum3A_103 [1] : vector<10000x128xf32> to vector<10000xf32>
    %broadcast_in_dim3A_105 = vector.shape_cast %reduce_sum3A_104 : vector<10000xf32> to vector<10000x1xf32>
    %div3A_106 = vector.broadcast %broadcast_in_dim3A_105 : vector<10000x1xf32> to vector<10000x128xf32>
    %div3A_107 = arith.divf %exp3A, %div3A_106 : vector<10000x128xf32>
    %swap3A = arith.constant 0 : index
    %swap3A_108 = arith.constant 0 : index
    %swap3A_109 = vector.load %arg11[%swap3A, %swap3A_108] : memref<10000x128xf32, #tpu.memory_space<vmem>>, vector<10000x128xf32>
    tpu.vector_store %arg11[%swap3A, %swap3A_108], %div3A_107 {strides = array<i32>} : memref<10000x128xf32, #tpu.memory_space<vmem>>, vector<10000x128xf32>,
    return
  }
}

</mosaic_0001>

<sc_bundles>
// kernel: kernel.11.cloned.1.call-start
scs
__scs_entry_jumppad:
0x0: {  	(pc) =	sbr.rel $0x88, $3  }
0x1: {  	(tag) =	ssettag $0x0;
	lr =	simm.s32 $0x1  }
0x2: {  	[smem:$0x3F88] =	sst lr;
	_ =	strace $0xD0000000  }
0x3: {  	_ = 	snop  }
0x4: {  	_ = 	snop  }
0x5: {  	_ = 	snop  }
0x6: {  	_ = 	snop  }
0x7: {  	_ = 	snop  }
__scs_overlays_trampoline_lowered:
0x8: {  	[smem:$0x3F97] =	sst s0  }
0x9: {  	[smem:$0x3F98] =	sst s1  }
0xa: {  	[smem:$0x3F99] =	sst s2  }
0xb: {  	[smem:$0x3F9A] =	sst s3  }
0xc: {  	[smem:$0x3F9B] =	sst s4  }
0xd: {  	[smem:$0x3F9C] =	sst s5  }
0xe: {  	[smem:$0x3F9D] =	sst s6  }
0xf: {  	[smem:$0x3F9E] =	sst s7  }
0x10: {  	[smem:$0x3F9F] =	sst s8  }
0x11: {  	[smem:$0x3FA0] =	sst s9;
	s0 =	simm.s32 @!p0 $0x0  }
0x12: {  	s1 =	sld [smem:$0x3F86];
	s0 =	simm.s32 @p0 $0x1  }
0x13: {  	[smem:$0x3FA1] =	sst s0;
	s0 =	simm.s32 @!p1 $0x0  }
0x14: {  	s2 =	sld [smem:$0x3F85];
	s0 =	simm.s32 @p1 $0x1  }
0x15: {  	[smem:$0x3FA2] =	sst s0;
	s0 =	simm.s32 @!p2 $0x0  }
0x16: {  	s3 =	sld [smem:$0x3FDB];
	s0 =	simm.s32 @p2 $0x1  }
0x17: {  	s4 =	simm.s32 $0x1BF5;
	[smem:$0x3FA4] =	sst s0  }
0x18: {  	s0 =	sld [smem:$0x3F87];
	_ =	swait.ge [sflag:s4], $0x0  }
0x19: {  	s7 =	sld [smem:$0x3F88]  }
0x1a: {  	s8 =	sadd.s32 $0xFFFFE003, lr  }
0x1b: {  	s9 =	sadd.s32 $0xFFFFFEF7, lr;
	s5 =	simm.s32 $0xFFFFFFFF;
	p2 =	slt.u32 s8, $0xFFFFF086  }
0x1c: {  	p1 =	slt.u32 s9, $0xF7A;
	s5 =	simm.s32 @!p2 $0x0  }
0x1d: {  	s5 =	simm.s32 @p1 $0x1;
	p0 =	seq.s32 s7, s2  }
0x1e: {  	s7 =	smul.u32 @!p0 $0xF7A, s2;
	p2 =	seq.s32 @!p0 s5, $0x0  }
0x1f: {  	s9 =	smul.u32 $0xF7A, s1;
	s8 =	simm.s32 @!p0 $0x1BF5;
	p2 =	por !p2, p0  }
0x20: {  	[sflag:s8] =	ssyncset.s32 @!p0 $0xFFFFF086;
	s6 =	sadd.s32 @!p0 s3, s7;
	s7 =	simm.s32 @!p0 $0x108  }
0x21: {  	s3 =	sadd.s32 s3, s9;
	s6 =	sadd.s32 @!p0 $0x88, s6;
	s7 =	simm.s32 @p2 $0x1082  }
0x22: {  	[simem:s7], [sflag:s8] =	dma.local @!p0 [hbm:s6], $0xF7A  }
0x23: {  	s9 =	sor.u32 $0xD0000000, s2;
	s6 =	simm.s32 $0x108;
	_ =	swait.ge @!p0 [sflag:s8], $0x0  }
0x24: {  	s3 =	sadd.s32 $0x88, s3;
	s6 =	simm.s32 @!p1 $0x1082;
	[sflag:s4] =	ssyncset.s32 $0xFFFFF086  }
0x25: {  	[simem:s6], [sflag:s4] =	dma.local [hbm:s3], $0xF7A  }
0x26: {  	[smem:$0x3F88] =	sst s1;
	(tag) =	ssettag s2;
	_ =	strace s9  }
0x27: {  	s1 =	sld [smem:$0x3F98]  }
0x28: {  	s2 =	sld [smem:$0x3F99]  }
0x29: {  	s4 =	sld [smem:$0x3F9B]  }
0x2a: {  	p0 =	seq.s32 s5, $0x0;
	s5 =	sld [smem:$0x3F9C]  }
0x2b: {  	s6 =	sld [smem:$0x3F9D]  }
0x2c: {  	s7 =	sld [smem:$0x3F9E]  }
0x2d: {  	s3 =	simm.s32 $0x108;
	s8 =	sld [smem:$0x3F9F]  }
0x2e: {  	s3 =	simm.s32 @!p0 $0x1082;
	s9 =	sld [smem:$0x3FA0]  }
0x2f: {  	lr =	sadd.s32 s0, s3;
	s0 =	sld [smem:$0x3F97]  }
0x30: {  	s3 =	sld [smem:$0x3F9A]  }
0x31: {  	[smem:$0x3FA3] =	sst s10  }
0x32: {  	s10 =	sld [smem:$0x3FA1];
	_ =	sdelay $0x3  }
0x33: {  	p0 =	seq.s32 s10, $0x1;
	s10 =	sld [smem:$0x3FA3];
	_ =	sdelay $0x3  }
0x34: {  	[smem:$0x3FA3] =	sst s10  }
0x35: {  	s10 =	sld [smem:$0x3FA2];
	_ =	sdelay $0x3  }
0x36: {  	p1 =	seq.s32 s10, $0x1;
	s10 =	sld [smem:$0x3FA3];
	_ =	sdelay $0x3  }
0x37: {  	[smem:$0x3FA3] =	sst s10  }
0x38: {  	s10 =	sld [smem:$0x3FA4]  }
0x39: {  	_ = 	snop;
	(pc) =	sbr.ind lr, $3  }
0x3a: {  	_ = 	snop  }
0x3b: {  	_ = 	snop  }
0x3c: {  	p2 =	seq.s32 s10, $0x1;
	s10 =	sld [smem:$0x3FA3]  }
0x3d: {  	_ =	shalt  }
0x3e: {  	_ =	shalt  }
0x3f: {  	_ =	shalt  }
0x40: {  	_ =	shalt  }
0x41: {  	_ =	shalt  }
0x42: {  	_ =	shalt  }
0x43: {  	_ =	shalt  }
0x44: {  	_ =	shalt  }
0x45: {  	_ =	shalt  }
0x46: {  	_ =	shalt  }
0x47: {  	_ =	shalt  }
0x48: {  	_ =	shalt  }
0x49: {  	_ =	shalt  }
0x4a: {  	_ =	shalt  }
0x4b: {  	_ =	shalt  }
0x4c: {  	_ =	shalt  }
0x4d: {  	_ =	shalt  }
0x4e: {  	_ =	shalt  }
0x4f: {  	_ =	shalt  }
0x50: {  	_ =	shalt  }
0x51: {  	_ =	shalt  }
0x52: {  	_ =	shalt  }
0x53: {  	_ =	shalt  }
0x54: {  	_ =	shalt  }
0x55: {  	_ =	shalt  }
0x56: {  	_ =	shalt  }
0x57: {  	_ =	shalt  }
0x58: {  	_ =	shalt  }
0x59: {  	_ =	shalt  }
0x5a: {  	_ =	shalt  }
0x5b: {  	_ =	shalt  }
0x5c: {  	_ =	shalt  }
0x5d: {  	_ =	shalt  }
0x5e: {  	_ =	shalt  }
0x5f: {  	_ =	shalt  }
0x60: {  	_ =	shalt  }
0x61: {  	_ =	shalt  }
0x62: {  	_ =	shalt  }
0x63: {  	_ =	shalt  }
0x64: {  	_ =	shalt  }
0x65: {  	_ =	shalt  }
0x66: {  	_ =	shalt  }
0x67: {  	_ =	shalt  }
0x68: {  	_ =	shalt  }
0x69: {  	_ =	shalt  }
0x6a: {  	_ =	shalt  }
0x6b: {  	_ =	shalt  }
0x6c: {  	_ =	shalt  }
0x6d: {  	_ =	shalt  }
0x6e: {  	_ =	shalt  }
0x6f: {  	_ =	shalt  }
0x70: {  	_ =	shalt  }
0x71: {  	_ =	shalt  }
0x72: {  	_ =	shalt  }
0x73: {  	_ =	shalt  }
0x74: {  	_ =	shalt  }
0x75: {  	_ =	shalt  }
0x76: {  	_ =	shalt  }
0x77: {  	_ =	shalt  }
0x78: {  	_ =	shalt  }
0x79: {  	_ =	shalt  }
0x7a: {  	_ =	shalt  }
0x7b: {  	_ =	shalt  }
0x7c: {  	_ =	shalt  }
0x7d: {  	_ =	shalt  }
0x7e: {  	_ =	shalt  }
0x7f: {  	_ =	shalt  }
0x80: {  	_ =	shalt  }
0x81: {  	_ =	shalt  }
0x82: {  	_ =	shalt  }
0x83: {  	_ =	shalt  }
0x84: {  	_ =	shalt  }
0x85: {  	_ =	shalt  }
0x86: {  	_ =	shalt  }
0x87: {  	_ =	shalt  }
.Lfunc_end0:
.L_simem_size_0:
called_computation.1_lowered:
.L_overlay_start_0:
0x88: {  	s2 =	sld [smem:$0x3FD9]  }
0x89: {  	s3 =	sld [smem:$0x3FFE];
	_ =	sdelay $0x1  }
0x8a: {  	s1 =	srdreg.scid  }
0x8b: {  	s0 =	sand.u32 $0x1, s1  }
0x8c: {  	s16 =	sshll.u32 s0, $0xA;
	s2 =	sadd.s32 s3, s2  }
0x8d: {  	s2 =	sadd.s32 s2, s16  }
0x8e: {  	[smem:$0x3FAF] =	sst s2  }
0x8f: {  	_ = 	snop  }
0x90: {  	(tm) =	ssettm $0x1  }
0x91: {  	s17 =	sld [smem:$0x3FFB];
	_ =	sdelay $0x3  }
0x92: {  	_ =	strace s17  }
0x93: {  	s2 =	sld [smem:$0x3FFC];
	_ =	sdelay $0x3  }
0x94: {  	_ =	strace s2  }
0x95: {  	s2 =	sld [smem:$0x3FFD];
	_ =	sdelay $0x3  }
0x96: {  	_ =	strace s2  }
0x97: {  	_ =	strace $0x8FFFFFFF  }
0x98: {  	s18 =	sld [smem:$0x3FDB];
	_ =	sdelay $0x1  }
0x99: {  	s19 =	simm.s32 $_scs_section_size  }
0x9a: {  	s4 =	simm.s32 $_size__tile_overlayer_lowered;
	s5 =	simm.s32 $_tile_overlayer_lowered  }
0x9b: {  	s22 =	simm.s32 $0x1BFF;
	s21 =	sshll.u32 s5, $0x1;
	s2 =	sadd.s32 s19, s18  }
0x9c: {  	s6 =	simm.s32 $0x0;
	s20 =	sshll.u32 s4, $0x1;
	s4 =	sadd.s32 s21, s2  }
0x9d: {  	[timem:s6], [sflag:s22] =	dma.local [hbm:s4], s20  }
0x9e: {  	_ =	swait.ge [sflag:s22], s20  }
0x9f: {  	s3 =	ssub.s32 $0x0, s20;
	[sflag:s22] =	ssyncset.done $0x0  }
0xa0: {  	[sflag:s22] =	ssyncadd.s32 s3;
	_ =	sdelay $0x1  }
0xa1: {  	s23 =	simm.s32 $0x1B8B  }
0xa2: {  	_ =	swait.ge [sflag:s23], $0x1  }
0xa3: {  	[sflag:s23] =	ssyncset.done $0x0  }
0xa4: {  	s25 =	simm.s32 $0x1B8E;
	s24 =	sld [smem:$0x3FFE];
	[sflag:s23] =	ssyncadd.s32 $0xFFFFFFFF  }
0xa5: {  	s26 =	simm.s32 $execute0_lowered;
	[smem:$0x3FD2] =	sst s25  }
0xa6: {  	s4 =	sshll.u32 s26, $0x1;
	_ =	strace $0x80000049;
	[dreg:$0x1] =	wrdreg $0xFFFFFFFF  }
0xa7: {  	s28 =	simm.s32 $_size_execute0_lowered;
	s2 =	sadd.s32 s2, s4;
	[dreg:$0x0] =	wrdreg $0x0  }
0xa8: {  	s4 =	sshll.u32 s28, $0x1;
	[dreg:$0x2] =	wrdreg s2  }
0xa9: {  	[dreg:$0x3] =	wrdreg s4  }
0xaa: {  	[dreg:$0x4] =	wrdreg $0xC0  }
0xab: {  	_ =	task [dreg:s6], $0x5FFFF  }
0xac: {  	[dreg:$0x1] =	wrdreg $0xFFFFFFFF  }
0xad: {  	[dreg:$0x0] =	wrdreg $0x60  }
0xae: {  	[dreg:$0x2] =	wrdreg s24  }
0xaf: {  	[dreg:$0x3] =	wrdreg $0x13D000  }
0xb0: {  	[dreg:$0x4] =	wrdreg $0x9  }
0xb1: {  	_ =	task.clear_ibuf [dreg:s6], $0x5FFFF;
	_ =	strace $0x90000049  }
0xb2: {  	s29 =	simm.s32 $0x9;
	_ =	strace $0x8000004B  }
0xb3: {  	_ =	swait.ge [sflag:s29], $0x1  }
0xb4: {  	[sflag:s29] =	ssyncadd.s32 $0xFFFFFFFF  }
0xb5: {  	_ =	strace $0x9000004B  }
0xb6: {  	_ =	sfence  }
0xb7: {  	s30 =	sld [smem:$0x0];
	_ =	sdelay $0x2  }
0xb8: {  	s31 =	sshll.u32 s1, $0xD;
	s1 =	sshrl.u32 s1, $0x2  }
0xb9: {  	s3 =	sand.u32 $0x4000, s31;
	s1 =	sadd.s32 s1, s30  }
0xba: {  	s0 =	sor.u32 s3, s0;
	s1 =	sshll.u32 s1, $0x11  }
0xbb: {  	s0 =	sor.u32 s1, s0  }
0xbc: {  	s0 =	sadd.s32 $0x8F2B, s0  }
0xbd: {  	[sflag:s0] =	ssyncadd.remote.s32 $0x1  }
0xbe: {  	_ =	sfence.sel $0xFFFF  }
0xbf: {  	[dreg:$0x0] =	wrdreg $0xFFFFFFFF;
	(pc) =	sbr.abs _section_cstart, $3  }
0xc0: {  	[dreg:$0x1] =	wrdreg $0xFFFFFFFF  }
0xc1: {  	_ =	task.clear_ibuf [dreg:s6], $0x2FFFF;
	_ =	strace $0x9FFFFFFF  }
0xc2: {  	(tm) =	ssettm $0x7FFFFFFF  }
0xc3: {  	_ =	shalt  }
tec
execute0_lowered:
.L_overlay_start_1:
0x0: {  	(tag) =	ssettag $0x1  }
0x1: {  	s0 =	rddreg [dreg:$0x0]  }
0x2: {  	s1 =	rddreg [dreg:$0x1];
	s2 =	srdreg.scid  }
0x3: {  	s3 =	simm.s32 $0x0;
	s18 =	stileid.u32;
	s29 =	simm.s32 $0x1  }
0x4: {  	s30 =	simm.s32 $0x3;
	s31 =	simm.s32 $0x11D00;
	s6 =	smul.u32 $0x9D0, s18  }
0x5: {  	s2 =	sand.u32 $0x1, s2;
	[smem:$0x7FF] =	sst s3;
	s9 =	smul.u32 $0x9E00, s18  }
0x6: {  	s4 =	sadd.s32 $0x5F9400, s0;
	s15 =	sadd.s32 $0x67400, s0;
	s21 =	smul.u32 $0x271000, s18  }
0x7: {  	s17 =	sadd.s32 $0x94200, s1;
	p0 =	seq.s32 s18, $0xF;
	s5 =	smul.u32 $0x9C400, s2  }
0x8: {  	_ =	strace $0x8000004A;
	s7 =	ssub.s32 $0x2, s2;
	s17 =	sshrl.u32 @p0 s17, $0x3  }
0x9: {  	s6 =	sadd.s32 s6, s0;
	s10 =	sshrl.u32 s9, $0x3;
	s12 =	sshrl.u32 s7, $0x1  }
0xa: {  	s19 =	sadd.s32 s9, s1;
	s8 =	sshrl.u32 s5, $0x3;
	s10 =	sadd.s32 s10, s0  }
0xb: {  	s16 =	ssub.s32 s7, s12;
	s7 =	sshll.u32 s2, $0x6;
	s22 =	sadd.s32 $0x5600, s6  }
0xc: {  	s23 =	sadd.s32 $0xF400, s6;
	s5 =	sadd.s32 s9, s5;
	s19 =	sshrl.u32 @!p0 s19, $0x3  }
0xd: {  	s11 =	sadd.s32 s8, s0;
	s20 =	sadd.s32 $0x5BE800, s10;
	[dreg:$0x5] =	wrdreg s22  }
0xe: {  	s0 =	sadd.s32 $0x5D1040, s0;
	[dreg:$0x6] =	wrdreg s23;
	s24 =	sor.u32 s7, s21  }
0xf: {  	s10 =	smul.u32 $0x4E20, s18;
	s26 =	sshrl.u32 s5, $0x3;
	s28 =	sadd.s32 s15, s8  }
0x10: {  	s16 =	smax.u32 s16, $0x1;
	s22 =	simm.s32 $0x80;
	[dreg:$0x3] =	wrdreg s20  }
0x11: {  	s23 =	simm.s32 $0x9D00;
	[dreg:$0x4] =	wrdreg s0;
	s11 =	sadd.s32 $0x5D2200, s11  }
0x12: {  	s25 =	sadd.s32 $0x4000, s24;
	s0 =	sshrl.u32 s24, $0x3;
	s14 =	sadd.s32 s15, s26  }
0x13: {  	s15 =	sadd.s32 $0x12840, s28;
	s20 =	simm.s32 $0x5;
	s24 =	simm.s32 $0x40  }
0x14: {  	s26 =	simm.s32 $0x0;
	s2 =	sshrl.u32 s25, $0x3;
	s12 =	sadd.s32 s4, s0  }
0x15: {  	s0 =	sshll.u32 @!p0 s18, $0x6;
	s25 =	simm.s32 $0xDD00;
	s13 =	sadd.s32 s4, s2  }
0x16: {  	s18 =	sor.u32 @!p0 $0x1C05, s0;
	s0 =	simm.s32 $0x2;
	s2 =	simm.s32 $0x4  }
.LBB2_1:
0x17: {  	s5 =	simm.s32 @p0 $0x1FC5;
	s6 =	rddreg [dreg:$0x4]  }
0x18: {  	[spmem:s17], [sflag:s5] =	dma.local @p0 [hbm:s6], $0x1040  }
0x19: {  	s5 =	simm.s32 @p0 $0x5  }
0x1a: {  	_ =	swait.ge @p0 [sflag:s5], $0x1040  }
0x1b: {  	[sflag:s5] =	ssyncset.done @p0 $0x0  }
0x1c: {  	[sflag:s5] =	ssyncadd.s32 @p0 $0xFFFFEFC0;
	s5 =	rddreg [dreg:$0x3]  }
0x1d: {  	[spmem:s19], [sflag:s18] =	dma.local @!p0 [hbm:s5], $0x13C0  }
0x1e: {  	s5 =	simm.s32 @!p0 $0x5  }
0x1f: {  	_ =	swait.ge @!p0 [sflag:s5], $0x13C0  }
0x20: {  	[sflag:s5] =	ssyncset.done @!p0 $0x0  }
0x21: {  	s21 =	rddreg [dreg:$0x5];
	[sflag:s5] =	ssyncadd.s32 @!p0 $0xFFFFEC40  }
0x22: {  	[tilespmem:s3], [sflag:$0x5] =	stream.linear.gather [hbm4b:s21+s3], $0x4E80, $0x38;
	[tilespmem:$0x1D960] =	vst v63  }
0x23: {  	_ =	swait.ge [sflag:s20], $0x4E80  }
0x24: {  	[sflag:s20] =	ssyncset.done $0x0  }
0x25: {  	s8 =	simm.s32 $0x4E80;
	s6 =	rddreg [dreg:$0x6];
	[sflag:s20] =	ssyncadd.s32 $0xFFFFB180  }
0x26: {  	[tilespmem:s8], [sflag:$0x5] =	stream.linear.gather [hbm4b:s6+s3], $0x4E80, $0x38;
	[tilespmem:$0x1D960] =	vst v63  }
0x27: {  	_ =	swait.ge [sflag:s20], $0x4E80  }
0x28: {  	[sflag:s20] =	ssyncset.done $0x0  }
0x29: {  	[sflag:s20] =	ssyncadd.s32 $0xFFFFB180  }
0x2a: {  	[bflag:$0x0] =	sbarrier.arrive $0xFFFF  }
0x2b: {  	[tilespmem:s23], [sflag:$0x1] =	stream.indirect.gather [hbm4b:s11+s22], $0x40, s3, s22, $0xb8;
	[tilespmem:$0x1D960] =	vst v63  }
0x2c: {  	_ = 	snop  }
0x2d: {  	[tilespmem:s25], [sflag:$0x3] =	stream.strided.gather [hbm4b:s12+s24], $0x2000, s22, s24, $0x38;
	[tilespmem:$0x1D960] =	vst v63  }
0x2e: {  	s9 =	simm.s32 $0xBD00  }
0x2f: {  	[tilespmem:s9], [sflag:$0x2] =	stream.indirect.gather [hbm4b:s11+s22], $0x40, s22, s22, $0xb8;
	[tilespmem:$0x1D960] =	vst v63  }
0x30: {  	s28 =	simm.s32 $0x0;
	s21 =	simm.s32 $0xFD00  }
0x31: {  	[tilespmem:s21], [sflag:$0x4] =	stream.strided.gather [hbm4b:s13+s24], $0x2000, s22, s24, $0x38;
	[tilespmem:$0x1D960] =	vst v63  }
.LBB2_2:
0x32: {  	_ =	swait.ge [sflag:s29], $0x2000  }
0x33: {  	[sflag:s29] =	ssyncset.done $0x0  }
0x34: {  	[sflag:s29] =	ssyncadd.s32 $0xFFFFE000  }
0x35: {  	_ =	swait.ge [sflag:s30], $0x2000  }
0x36: {  	[sflag:s30] =	ssyncset.done $0x0  }
0x37: {  	s5 =	simm.s32 $0x0;
	[sflag:s30] =	ssyncadd.s32 $0xFFFFE000  }
0x38: {  	v2 =	vld [tilespmem:s5+$0x9D30]  }
0x39: {  	v3 =	vld [tilespmem:s5+$0xDD30]  }
0x3a: {  	v5 =	vld [tilespmem:s5+$0x9D00]  }
0x3b: {  	v6 =	vld [tilespmem:s5+$0xDD00]  }
0x3c: {  	v1 =	vld [tilespmem:s5+$0x9D10]  }
0x3d: {  	v4 =	vld [tilespmem:s5+$0xDD10]  }
0x3e: {  	v0 =	vld [tilespmem:s5+$0x9D20];
	v7 =	vadd.f32 v3, v2  }
0x3f: {  	s21 =	simm.s32 $0x40;
	v3 =	vld [tilespmem:s5+$0xDD20]  }
0x40: {  	s6 =	simm.s32 $0x200;
	v2 =	vld [tilespmem:s21+$0x9D30];
	v5 =	vadd.f32 v6, v5;
	v6 =	vmax.f32 v7, $0.0e+00  }
.LBB2_3:
0x41: {  	p1 =	sne.s32 s6, $0x7F00;
	v7 =	vld [tilespmem:s21+$0xDD30];
	[tilespmem:s5+$0x11D30] =	vst v6  }
0x42: {  	v6 =	vld [tilespmem:s21+$0x9D00];
	v5 =	vmax.f32 v5, $0.0e+00;
	v4 =	vadd.f32 v4, v1  }
0x43: {  	v8 =	vld [tilespmem:s21+$0xDD00];
	[tilespmem:s5+$0x11D00] =	vst v5  }
.Ltmp0:
0x44: {  	v1 =	vld [tilespmem:s21+$0x9D10];
	v5 =	vmax.f32 v4, $0.0e+00;
	v3 =	vadd.f32 v3, v0;
	(pc) =	sbr.rel @p1 .LBB2_3-.Ltmp0, $4  }
0x45: {  	v4 =	vld [tilespmem:s21+$0xDD10];
	[tilespmem:s5+$0x11D10] =	vst v5  }
0x46: {  	v0 =	vld [tilespmem:s21+$0x9D20];
	v7 =	vadd.f32 v7, v2;
	v2 =	vmax.f32 v3, $0.0e+00  }
0x47: {  	v3 =	vld [tilespmem:s21+$0xDD20];
	[tilespmem:s5+$0x11D20] =	vst v2;
	s5 =	smov.u32 s21;
	s21 =	sshra.s32 s6, $0x2  }
0x48: {  	s6 =	sadd.s32 $0x100, s6;
	v2 =	vld [tilespmem:s21+$0x9D30];
	v5 =	vadd.f32 v8, v6;
	v6 =	vmax.f32 v7, $0.0e+00  }
0x49: {  	v7 =	vld [tilespmem:s21+$0xDD30];
	[tilespmem:s5+$0x11D30] =	vst v6  }
0x4a: {  	v6 =	vld [tilespmem:s21+$0x9D00];
	v5 =	vmax.f32 v5, $0.0e+00;
	v1 =	vadd.f32 v4, v1  }
0x4b: {  	v8 =	vld [tilespmem:s21+$0xDD00];
	[tilespmem:s5+$0x11D00] =	vst v5  }
0x4c: {  	v4 =	vld [tilespmem:s21+$0x9D10];
	v1 =	vmax.f32 v1, $0.0e+00  }
0x4d: {  	v5 =	vld [tilespmem:s21+$0xDD10];
	[tilespmem:s5+$0x11D10] =	vst v1  }
0x4e: {  	v1 =	vld [tilespmem:s21+$0x9D20]  }
0x4f: {  	v9 =	vld [tilespmem:s21+$0xDD20]  }
0x50: {  	v0 =	vadd.f32 v3, v0  }
0x51: {  	v2 =	vadd.f32 v7, v2  }
0x52: {  	v0 =	vmax.f32 v0, $0.0e+00;
	v3 =	vadd.f32 v8, v6  }
0x53: {  	[tilespmem:s5+$0x11D20] =	vst v0;
	v0 =	vmax.f32 v2, $0.0e+00;
	v2 =	vadd.f32 v5, v4  }
0x54: {  	[tilespmem:s21+$0x11D30] =	vst v0;
	v0 =	vmax.f32 v3, $0.0e+00;
	v1 =	vadd.f32 v9, v1  }
0x55: {  	s5 =	sshll.u32 s28, $0x8;
	[tilespmem:s21+$0x11D00] =	vst v0;
	v0 =	vmax.f32 v2, $0.0e+00  }
0x56: {  	s6 =	sadd.s32 $0x100, s5;
	[tilespmem:s21+$0x11D10] =	vst v0;
	v0 =	vmax.f32 v1, $0.0e+00  }
0x57: {  	p1 =	slt.s32 s6, $0x4DA0;
	[tilespmem:s21+$0x11D20] =	vst v0  }
0x58: {  	[tilespmem:s23], [sflag:$0x1] =	stream.indirect.gather [hbm4b:s11+s22], $0x40, s6, s22, $0xb8;
	[tilespmem:$0x1D960] =	vst v63  }
0x59: {  	s6 =	simm.s32 @!p1 $0x4DA0  }
0x5a: {  	s6 =	sadd.s32 s10, s6  }
0x5b: {  	s6 =	sshll.u32 s6, $0x7  }
0x5c: {  	s6 =	sor.u32 s7, s6  }
0x5d: {  	s6 =	sshrl.u32 s6, $0x3  }
0x5e: {  	s21 =	sand.u32 $0x3FFFFF00, s5;
	s6 =	sadd.s32 s4, s6  }
0x5f: {  	[tilespmem:s25], [sflag:$0x3] =	stream.strided.gather [hbm4b:s6+s24], $0x2000, s22, s24, $0x38;
	[tilespmem:$0x1D960] =	vst v63  }
0x60: {  	s9 =	sadd.s32 $0x4E80, s21  }
0x61: {  	[spmem:s1] =	stream.indirect.scatter.add.f32 [tilespmem:s31], [sflag:$0x5], $0x40, s9, s22, $0xb8;
	[tilespmem:$0x1D960] =	vst v63  }
0x62: {  	_ =	swait.ge [sflag:s20], $0x2000  }
0x63: {  	[sflag:s20] =	ssyncset.done $0x0  }
0x64: {  	[sflag:s20] =	ssyncadd.s32 $0xFFFFE000  }
0x65: {  	_ =	swait.ge [sflag:s0], $0x2000  }
0x66: {  	[sflag:s0] =	ssyncset.done $0x0  }
0x67: {  	[sflag:s0] =	ssyncadd.s32 $0xFFFFE000  }
0x68: {  	_ =	swait.ge [sflag:s2], $0x2000  }
0x69: {  	[sflag:s2] =	ssyncset.done $0x0  }
0x6a: {  	s8 =	simm.s32 $0x0;
	[sflag:s2] =	ssyncadd.s32 $0xFFFFE000  }
0x6b: {  	v2 =	vld [tilespmem:s8+$0xBD30]  }
0x6c: {  	v3 =	vld [tilespmem:s8+$0xFD30]  }
0x6d: {  	v5 =	vld [tilespmem:s8+$0xBD00]  }
0x6e: {  	v6 =	vld [tilespmem:s8+$0xFD00]  }
0x6f: {  	v1 =	vld [tilespmem:s8+$0xBD10]  }
0x70: {  	v4 =	vld [tilespmem:s8+$0xFD10]  }
0x71: {  	v0 =	vld [tilespmem:s8+$0xBD20];
	v7 =	vadd.f32 v3, v2  }
0x72: {  	s6 =	simm.s32 $0x40;
	v3 =	vld [tilespmem:s8+$0xFD20]  }
0x73: {  	s9 =	simm.s32 $0x200;
	v2 =	vld [tilespmem:s6+$0xBD30];
	v5 =	vadd.f32 v6, v5;
	v6 =	vmax.f32 v7, $0.0e+00  }
.LBB2_5:
0x74: {  	p1 =	sne.s32 s9, $0x7F00;
	v7 =	vld [tilespmem:s6+$0xFD30];
	[tilespmem:s8+$0x11D30] =	vst v6  }
0x75: {  	v6 =	vld [tilespmem:s6+$0xBD00];
	v5 =	vmax.f32 v5, $0.0e+00;
	v4 =	vadd.f32 v4, v1  }
0x76: {  	v8 =	vld [tilespmem:s6+$0xFD00];
	[tilespmem:s8+$0x11D00] =	vst v5  }
.Ltmp1:
0x77: {  	v1 =	vld [tilespmem:s6+$0xBD10];
	v5 =	vmax.f32 v4, $0.0e+00;
	v3 =	vadd.f32 v3, v0;
	(pc) =	sbr.rel @p1 .LBB2_5-.Ltmp1, $4  }
0x78: {  	v4 =	vld [tilespmem:s6+$0xFD10];
	[tilespmem:s8+$0x11D10] =	vst v5  }
0x79: {  	v0 =	vld [tilespmem:s6+$0xBD20];
	v7 =	vadd.f32 v7, v2;
	v2 =	vmax.f32 v3, $0.0e+00  }
0x7a: {  	v3 =	vld [tilespmem:s6+$0xFD20];
	[tilespmem:s8+$0x11D20] =	vst v2;
	s8 =	smov.u32 s6;
	s6 =	sshra.s32 s9, $0x2  }
0x7b: {  	s9 =	sadd.s32 $0x100, s9;
	v2 =	vld [tilespmem:s6+$0xBD30];
	v5 =	vadd.f32 v8, v6;
	v6 =	vmax.f32 v7, $0.0e+00  }
0x7c: {  	v7 =	vld [tilespmem:s6+$0xFD30];
	[tilespmem:s8+$0x11D30] =	vst v6  }
0x7d: {  	v6 =	vld [tilespmem:s6+$0xBD00];
	v5 =	vmax.f32 v5, $0.0e+00;
	v1 =	vadd.f32 v4, v1  }
0x7e: {  	v8 =	vld [tilespmem:s6+$0xFD00];
	[tilespmem:s8+$0x11D00] =	vst v5  }
0x7f: {  	v57 =	vld [tilespmem:s6+$0xBD10];
	v1 =	vmax.f32 v1, $0.0e+00  }
0x80: {  	v5 =	vld [tilespmem:s6+$0xFD10];
	[tilespmem:s8+$0x11D10] =	vst v1  }
0x81: {  	v1 =	vld [tilespmem:s6+$0xBD20]  }
0x82: {  	v9 =	vld [tilespmem:s6+$0xFD20]  }
0x83: {  	v0 =	vadd.f32 v3, v0  }
0x84: {  	v2 =	vadd.f32 v7, v2  }
0x85: {  	v0 =	vmax.f32 v0, $0.0e+00;
	v58 =	vadd.f32 v8, v6  }
0x86: {  	[tilespmem:s8+$0x11D20] =	vst v0;
	v59 =	vmax.f32 v2, $0.0e+00;
	v60 =	vadd.f32 v5, v57  }
0x87: {  	p1 =	seq.s32 s28, $0x4D;
	[tilespmem:s6+$0x11D30] =	vst v59;
	v61 =	vmax.f32 v58, $0.0e+00;
	v1 =	vadd.f32 v9, v1  }
0x88: {  	s5 =	sadd.s32 @!p1 $0x180, s5;
	[tilespmem:s6+$0x11D00] =	vst v61;
	v62 =	vmax.f32 v60, $0.0e+00  }
0x89: {  	p2 =	slt.s32 @!p1 s5, $0x4DA0;
	[tilespmem:s6+$0x11D10] =	vst v62;
	v63 =	vmax.f32 v1, $0.0e+00  }
0x8a: {  	p2 =	por !p2, p1;
	s8 =	simm.s32 @!p1 $0xBD00;
	[tilespmem:s6+$0x11D20] =	vst v63;
	s6 =	simm.s32 @!p1 $0x80  }
0x8b: {  	[tilespmem:s8], [sflag:$0x2] =	stream.indirect.gather @!p1 [hbm4b:s11+s6], $0x40, s5, s6, $0xb8;
	[tilespmem:$0x1D960] =	vst v63  }
0x8c: {  	s5 =	simm.s32 @p2 $0x4DA0  }
0x8d: {  	s5 =	sadd.s32 @!p1 s10, s5  }
0x8e: {  	s5 =	sshll.u32 @!p1 s5, $0x7  }
0x8f: {  	s5 =	sor.u32 @!p1 s7, s5  }
0x90: {  	s28 =	sadd.s32 $0x1, s28;
	s5 =	sshrl.u32 @!p1 s5, $0x3  }
0x91: {  	s9 =	simm.s32 @!p1 $0xFD00;
	s8 =	simm.s32 @!p1 $0x40;
	s5 =	sadd.s32 @!p1 s4, s5  }
0x92: {  	[tilespmem:s9], [sflag:$0x4] =	stream.strided.gather @!p1 [hbm4b:s5+s8], $0x2000, s6, s8, $0x38;
	[tilespmem:$0x1D960] =	vst v63  }
0x93: {  	p1 =	sne.s32 s28, $0x4E  }
.Ltmp2:
0x94: {  	s21 =	sadd.s32 $0x4F00, s21;
	(pc) =	sbr.rel @p1 .LBB2_2-.Ltmp2, $4  }
0x95: {  	[spmem:s1] =	stream.indirect.scatter.add.f32 [tilespmem:s31], [sflag:$0x5], $0x40, s21, s22, $0xb8;
	[tilespmem:$0x1D960] =	vst v63  }
0x96: {  	_ =	swait.ge [sflag:s20], $0x2000  }
0x97: {  	[sflag:s20] =	ssyncset.done $0x0  }
0x98: {  	[sflag:s20] =	ssyncadd.s32 $0xFFFFE000  }
0x99: {  	_ =	swait.ge [sflag:s29], $0x2000  }
0x9a: {  	[sflag:s29] =	ssyncset.done $0x0  }
0x9b: {  	[sflag:s29] =	ssyncadd.s32 $0xFFFFE000  }
0x9c: {  	_ =	swait.ge [sflag:s30], $0x2000  }
0x9d: {  	[sflag:s30] =	ssyncset.done $0x0  }
0x9e: {  	s6 =	simm.s32 $0x0;
	[sflag:s30] =	ssyncadd.s32 $0xFFFFE000  }
0x9f: {  	v2 =	vld [tilespmem:s6+$0x9D30]  }
0xa0: {  	v3 =	vld [tilespmem:s6+$0xDD30]  }
0xa1: {  	v5 =	vld [tilespmem:s6+$0x9D00]  }
0xa2: {  	v6 =	vld [tilespmem:s6+$0xDD00]  }
0xa3: {  	v1 =	vld [tilespmem:s6+$0x9D10]  }
0xa4: {  	v4 =	vld [tilespmem:s6+$0xDD10]  }
0xa5: {  	v0 =	vld [tilespmem:s6+$0x9D20];
	v7 =	vadd.f32 v3, v2  }
0xa6: {  	s5 =	simm.s32 $0x40;
	v3 =	vld [tilespmem:s6+$0xDD20]  }
0xa7: {  	s8 =	simm.s32 $0x200;
	v2 =	vld [tilespmem:s5+$0x9D30];
	v5 =	vadd.f32 v6, v5;
	v6 =	vmax.f32 v7, $0.0e+00  }
.LBB2_8:
0xa8: {  	p1 =	sne.s32 s8, $0x7F00;
	v7 =	vld [tilespmem:s5+$0xDD30];
	[tilespmem:s6+$0x11D30] =	vst v6  }
0xa9: {  	v6 =	vld [tilespmem:s5+$0x9D00];
	v5 =	vmax.f32 v5, $0.0e+00;
	v4 =	vadd.f32 v4, v1  }
0xaa: {  	v8 =	vld [tilespmem:s5+$0xDD00];
	[tilespmem:s6+$0x11D00] =	vst v5  }
.Ltmp3:
0xab: {  	v1 =	vld [tilespmem:s5+$0x9D10];
	v5 =	vmax.f32 v4, $0.0e+00;
	v3 =	vadd.f32 v3, v0;
	(pc) =	sbr.rel @p1 .LBB2_8-.Ltmp3, $4  }
0xac: {  	v4 =	vld [tilespmem:s5+$0xDD10];
	[tilespmem:s6+$0x11D10] =	vst v5  }
0xad: {  	v0 =	vld [tilespmem:s5+$0x9D20];
	v7 =	vadd.f32 v7, v2;
	v2 =	vmax.f32 v3, $0.0e+00  }
0xae: {  	v3 =	vld [tilespmem:s5+$0xDD20];
	[tilespmem:s6+$0x11D20] =	vst v2;
	s6 =	smov.u32 s5;
	s5 =	sshra.s32 s8, $0x2  }
0xaf: {  	s8 =	sadd.s32 $0x100, s8;
	v2 =	vld [tilespmem:s5+$0x9D30];
	v5 =	vadd.f32 v8, v6;
	v6 =	vmax.f32 v7, $0.0e+00  }
0xb0: {  	v7 =	vld [tilespmem:s5+$0xDD30];
	[tilespmem:s6+$0x11D30] =	vst v6  }
0xb1: {  	v6 =	vld [tilespmem:s5+$0x9D00];
	v5 =	vmax.f32 v5, $0.0e+00;
	v1 =	vadd.f32 v4, v1  }
0xb2: {  	v8 =	vld [tilespmem:s5+$0xDD00];
	[tilespmem:s6+$0x11D00] =	vst v5  }
0xb3: {  	v57 =	vld [tilespmem:s5+$0x9D10];
	v1 =	vmax.f32 v1, $0.0e+00  }
0xb4: {  	v5 =	vld [tilespmem:s5+$0xDD10];
	[tilespmem:s6+$0x11D10] =	vst v1  }
0xb5: {  	v1 =	vld [tilespmem:s5+$0x9D20]  }
0xb6: {  	v9 =	vld [tilespmem:s5+$0xDD20]  }
0xb7: {  	v0 =	vadd.f32 v3, v0  }
0xb8: {  	v2 =	vadd.f32 v7, v2  }
0xb9: {  	v0 =	vmax.f32 v0, $0.0e+00;
	v58 =	vadd.f32 v8, v6  }
0xba: {  	[tilespmem:s6+$0x11D20] =	vst v0;
	v59 =	vmax.f32 v2, $0.0e+00;
	v60 =	vadd.f32 v5, v57  }
0xbb: {  	[tilespmem:s5+$0x11D30] =	vst v59;
	v61 =	vmax.f32 v58, $0.0e+00;
	v1 =	vadd.f32 v9, v1  }
0xbc: {  	[tilespmem:s5+$0x11D00] =	vst v61;
	v62 =	vmax.f32 v60, $0.0e+00  }
0xbd: {  	[tilespmem:s5+$0x11D10] =	vst v62;
	v63 =	vmax.f32 v1, $0.0e+00  }
0xbe: {  	s28 =	simm.s32 $0x9C80;
	[tilespmem:s5+$0x11D20] =	vst v63  }
0xbf: {  	[spmem:s1] =	stream.indirect.scatter.add.f32 [tilespmem:s31], [sflag:$0x5], $0x40, s28, s22, $0xb8;
	[tilespmem:$0x1D960] =	vst v63  }
0xc0: {  	_ =	swait.ge [sflag:s20], $0x2000  }
0xc1: {  	[sflag:s20] =	ssyncset.done $0x0  }
0xc2: {  	[sflag:s20] =	ssyncadd.s32 $0xFFFFE000  }
0xc3: {  	s5 =	simm.s32 @p0 $0x1FC5;
	[bflag:$0x0] =	sbarrier.arrive $0xFFFF  }
0xc4: {  	[hbm:s15], [sflag:s5] =	dma.local @p0 [spmem:s17], $0x1040  }
0xc5: {  	s5 =	simm.s32 @p0 $0x5  }
0xc6: {  	s26 =	sadd.s32 $0x1, s26;
	_ =	swait.ge @p0 [sflag:s5], $0x1040  }
0xc7: {  	p1 =	sne.s32 s26, s16;
	[sflag:s5] =	ssyncset.done @p0 $0x0  }
.Ltmp4:
0xc8: {  	[sflag:s5] =	ssyncadd.s32 @p0 $0xFFFFEFC0;
	s5 =	simm.s32 @!p0 $0x5;
	(pc) =	sbr.rel @p1 .LBB2_1-.Ltmp4, $4  }
0xc9: {  	[hbm:s14], [sflag:s18] =	dma.local @!p0 [spmem:s19], $0x13C0  }
0xca: {  	_ =	swait.ge @!p0 [sflag:s5], $0x13C0  }
0xcb: {  	[sflag:s5] =	ssyncset.done @!p0 $0x0  }
0xcc: {  	[sflag:s5] =	ssyncadd.s32 @!p0 $0xFFFFEC40  }
0xcd: {  	_ =	sfence.sel $0x180000  }
0xce: {  	[bflag:$0x0] =	sbarrier.arrive $0xFFFF  }
0xcf: {  	_ =	strace $0x9000004A  }
0xd0: {  	s0 =	stileid.u32;
	[bflag:$0x2] =	sbarrier.arrive $0xFFFF  }
0xd1: {  	p0 =	sne.s32 s0, $0x0;
	s0 =	rddreg [dreg:$0x2]  }
0xd2: {  	s0 =	sadd.s32 @!p0 $0x100000, s0  }
0xd3: {  	[sflag:s0] =	ssyncadd.tile.s32 @!p0 $0x1;
	_ =	shalt  }
.Lfunc_end2:
_tile_overlayer_lowered:
.L_overlay_start_2:
0xd4: {  	(tag) =	ssettag $0x2  }
0xd5: {  	s0 =	rddreg [dreg:$0x0];
	s2 =	stileid.u32  }
0xd6: {  	s1 =	rddreg [dreg:$0x1];
	p0 =	sne.s32 s2, $0x0  }
0xd7: {  	s3 =	rddreg [dreg:$0x2];
	[bflag:$0x3] =	sbarrier.arrive $0xFFFF;
	s2 =	simm.s32 @!p0 $0x1C05  }
0xd8: {  	[timem:s3], [sflag:s2] =	dma.local @!p0 [hbm:s0], s1  }
0xd9: {  	s0 =	simm.s32 @!p0 $0x5  }
0xda: {  	_ =	swait.ge @!p0 [sflag:s0], s1  }
0xdb: {  	s1 =	ssub.s32 @!p0 $0x0, s1;
	[sflag:s0] =	ssyncset.done @!p0 $0x0  }
0xdc: {  	[sflag:s0] =	ssyncadd.s32 @!p0 s1  }
0xdd: {  	[bflag:$0x3] =	sbarrier.arrive $0xFFFF  }
0xde: {  	_ =	shalt  }

// kernel: kernel.8.cloned.1.call-start
scs
__scs_entry_jumppad:
0x0: {  	(pc) =	sbr.rel $0x88, $3  }
0x1: {  	(tag) =	ssettag $0x0;
	lr =	simm.s32 $0x1  }
0x2: {  	[smem:$0x3F88] =	sst lr;
	_ =	strace $0xD0000000  }
0x3: {  	_ = 	snop  }
0x4: {  	_ = 	snop  }
0x5: {  	_ = 	snop  }
0x6: {  	_ = 	snop  }
0x7: {  	_ = 	snop  }
__scs_overlays_trampoline_lowered:
0x8: {  	[smem:$0x3F97] =	sst s0  }
0x9: {  	[smem:$0x3F98] =	sst s1  }
0xa: {  	[smem:$0x3F99] =	sst s2  }
0xb: {  	[smem:$0x3F9A] =	sst s3  }
0xc: {  	[smem:$0x3F9B] =	sst s4  }
0xd: {  	[smem:$0x3F9C] =	sst s5  }
0xe: {  	[smem:$0x3F9D] =	sst s6  }
0xf: {  	[smem:$0x3F9E] =	sst s7  }
0x10: {  	[smem:$0x3F9F] =	sst s8  }
0x11: {  	[smem:$0x3FA0] =	sst s9;
	s0 =	simm.s32 @!p0 $0x0  }
0x12: {  	s1 =	sld [smem:$0x3F86];
	s0 =	simm.s32 @p0 $0x1  }
0x13: {  	[smem:$0x3FA1] =	sst s0;
	s0 =	simm.s32 @!p1 $0x0  }
0x14: {  	s2 =	sld [smem:$0x3F85];
	s0 =	simm.s32 @p1 $0x1  }
0x15: {  	[smem:$0x3FA2] =	sst s0;
	s0 =	simm.s32 @!p2 $0x0  }
0x16: {  	s3 =	sld [smem:$0x3FDB];
	s0 =	simm.s32 @p2 $0x1  }
0x17: {  	s4 =	simm.s32 $0x1BF5;
	[smem:$0x3FA4] =	sst s0  }
0x18: {  	s0 =	sld [smem:$0x3F87];
	_ =	swait.ge [sflag:s4], $0x0  }
0x19: {  	s7 =	sld [smem:$0x3F88]  }
0x1a: {  	s8 =	sadd.s32 $0xFFFFE003, lr  }
0x1b: {  	s9 =	sadd.s32 $0xFFFFFEF7, lr;
	s5 =	simm.s32 $0xFFFFFFFF;
	p2 =	slt.u32 s8, $0xFFFFF086  }
0x1c: {  	p1 =	slt.u32 s9, $0xF7A;
	s5 =	simm.s32 @!p2 $0x0  }
0x1d: {  	s5 =	simm.s32 @p1 $0x1;
	p0 =	seq.s32 s7, s2  }
0x1e: {  	s7 =	smul.u32 @!p0 $0xF7A, s2;
	p2 =	seq.s32 @!p0 s5, $0x0  }
0x1f: {  	s9 =	smul.u32 $0xF7A, s1;
	s8 =	simm.s32 @!p0 $0x1BF5;
	p2 =	por !p2, p0  }
0x20: {  	[sflag:s8] =	ssyncset.s32 @!p0 $0xFFFFF086;
	s6 =	sadd.s32 @!p0 s3, s7;
	s7 =	simm.s32 @!p0 $0x108  }
0x21: {  	s3 =	sadd.s32 s3, s9;
	s6 =	sadd.s32 @!p0 $0x88, s6;
	s7 =	simm.s32 @p2 $0x1082  }
0x22: {  	[simem:s7], [sflag:s8] =	dma.local @!p0 [hbm:s6], $0xF7A  }
0x23: {  	s9 =	sor.u32 $0xD0000000, s2;
	s6 =	simm.s32 $0x108;
	_ =	swait.ge @!p0 [sflag:s8], $0x0  }
0x24: {  	s3 =	sadd.s32 $0x88, s3;
	s6 =	simm.s32 @!p1 $0x1082;
	[sflag:s4] =	ssyncset.s32 $0xFFFFF086  }
0x25: {  	[simem:s6], [sflag:s4] =	dma.local [hbm:s3], $0xF7A  }
0x26: {  	[smem:$0x3F88] =	sst s1;
	(tag) =	ssettag s2;
	_ =	strace s9  }
0x27: {  	s1 =	sld [smem:$0x3F98]  }
0x28: {  	s2 =	sld [smem:$0x3F99]  }
0x29: {  	s4 =	sld [smem:$0x3F9B]  }
0x2a: {  	p0 =	seq.s32 s5, $0x0;
	s5 =	sld [smem:$0x3F9C]  }
0x2b: {  	s6 =	sld [smem:$0x3F9D]  }
0x2c: {  	s7 =	sld [smem:$0x3F9E]  }
0x2d: {  	s3 =	simm.s32 $0x108;
	s8 =	sld [smem:$0x3F9F]  }
0x2e: {  	s3 =	simm.s32 @!p0 $0x1082;
	s9 =	sld [smem:$0x3FA0]  }
0x2f: {  	lr =	sadd.s32 s0, s3;
	s0 =	sld [smem:$0x3F97]  }
0x30: {  	s3 =	sld [smem:$0x3F9A]  }
0x31: {  	[smem:$0x3FA3] =	sst s10  }
0x32: {  	s10 =	sld [smem:$0x3FA1];
	_ =	sdelay $0x3  }
0x33: {  	p0 =	seq.s32 s10, $0x1;
	s10 =	sld [smem:$0x3FA3];
	_ =	sdelay $0x3  }
0x34: {  	[smem:$0x3FA3] =	sst s10  }
0x35: {  	s10 =	sld [smem:$0x3FA2];
	_ =	sdelay $0x3  }
0x36: {  	p1 =	seq.s32 s10, $0x1;
	s10 =	sld [smem:$0x3FA3];
	_ =	sdelay $0x3  }
0x37: {  	[smem:$0x3FA3] =	sst s10  }
0x38: {  	s10 =	sld [smem:$0x3FA4]  }
0x39: {  	_ = 	snop;
	(pc) =	sbr.ind lr, $3  }
0x3a: {  	_ = 	snop  }
0x3b: {  	_ = 	snop  }
0x3c: {  	p2 =	seq.s32 s10, $0x1;
	s10 =	sld [smem:$0x3FA3]  }
0x3d: {  	_ =	shalt  }
0x3e: {  	_ =	shalt  }
0x3f: {  	_ =	shalt  }
0x40: {  	_ =	shalt  }
0x41: {  	_ =	shalt  }
0x42: {  	_ =	shalt  }
0x43: {  	_ =	shalt  }
0x44: {  	_ =	shalt  }
0x45: {  	_ =	shalt  }
0x46: {  	_ =	shalt  }
0x47: {  	_ =	shalt  }
0x48: {  	_ =	shalt  }
0x49: {  	_ =	shalt  }
0x4a: {  	_ =	shalt  }
0x4b: {  	_ =	shalt  }
0x4c: {  	_ =	shalt  }
0x4d: {  	_ =	shalt  }
0x4e: {  	_ =	shalt  }
0x4f: {  	_ =	shalt  }
0x50: {  	_ =	shalt  }
0x51: {  	_ =	shalt  }
0x52: {  	_ =	shalt  }
0x53: {  	_ =	shalt  }
0x54: {  	_ =	shalt  }
0x55: {  	_ =	shalt  }
0x56: {  	_ =	shalt  }
0x57: {  	_ =	shalt  }
0x58: {  	_ =	shalt  }
0x59: {  	_ =	shalt  }
0x5a: {  	_ =	shalt  }
0x5b: {  	_ =	shalt  }
0x5c: {  	_ =	shalt  }
0x5d: {  	_ =	shalt  }
0x5e: {  	_ =	shalt  }
0x5f: {  	_ =	shalt  }
0x60: {  	_ =	shalt  }
0x61: {  	_ =	shalt  }
0x62: {  	_ =	shalt  }
0x63: {  	_ =	shalt  }
0x64: {  	_ =	shalt  }
0x65: {  	_ =	shalt  }
0x66: {  	_ =	shalt  }
0x67: {  	_ =	shalt  }
0x68: {  	_ =	shalt  }
0x69: {  	_ =	shalt  }
0x6a: {  	_ =	shalt  }
0x6b: {  	_ =	shalt  }
0x6c: {  	_ =	shalt  }
0x6d: {  	_ =	shalt  }
0x6e: {  	_ =	shalt  }
0x6f: {  	_ =	shalt  }
0x70: {  	_ =	shalt  }
0x71: {  	_ =	shalt  }
0x72: {  	_ =	shalt  }
0x73: {  	_ =	shalt  }
0x74: {  	_ =	shalt  }
0x75: {  	_ =	shalt  }
0x76: {  	_ =	shalt  }
0x77: {  	_ =	shalt  }
0x78: {  	_ =	shalt  }
0x79: {  	_ =	shalt  }
0x7a: {  	_ =	shalt  }
0x7b: {  	_ =	shalt  }
0x7c: {  	_ =	shalt  }
0x7d: {  	_ =	shalt  }
0x7e: {  	_ =	shalt  }
0x7f: {  	_ =	shalt  }
0x80: {  	_ =	shalt  }
0x81: {  	_ =	shalt  }
0x82: {  	_ =	shalt  }
0x83: {  	_ =	shalt  }
0x84: {  	_ =	shalt  }
0x85: {  	_ =	shalt  }
0x86: {  	_ =	shalt  }
0x87: {  	_ =	shalt  }
.Lfunc_end0:
.L_simem_size_0:
called_computation_lowered:
.L_overlay_start_0:
0x88: {  	s2 =	sld [smem:$0x3FD9]  }
0x89: {  	s3 =	sld [smem:$0x3FFE];
	_ =	sdelay $0x1  }
0x8a: {  	s1 =	srdreg.scid  }
0x8b: {  	s0 =	sand.u32 $0x1, s1  }
0x8c: {  	s16 =	sshll.u32 s0, $0xA;
	s2 =	sadd.s32 s3, s2  }
0x8d: {  	s2 =	sadd.s32 s2, s16  }
0x8e: {  	[smem:$0x3FAF] =	sst s2  }
0x8f: {  	_ = 	snop  }
0x90: {  	(tm) =	ssettm $0x1  }
0x91: {  	s17 =	sld [smem:$0x3FFB];
	_ =	sdelay $0x3  }
0x92: {  	_ =	strace s17  }
0x93: {  	s2 =	sld [smem:$0x3FFC];
	_ =	sdelay $0x3  }
0x94: {  	_ =	strace s2  }
0x95: {  	s2 =	sld [smem:$0x3FFD];
	_ =	sdelay $0x3  }
0x96: {  	_ =	strace s2  }
0x97: {  	_ =	strace $0x8FFFFFFF  }
0x98: {  	s18 =	sld [smem:$0x3FDB];
	_ =	sdelay $0x1  }
0x99: {  	s19 =	simm.s32 $_scs_section_size  }
0x9a: {  	s4 =	simm.s32 $_size__tile_overlayer_lowered;
	s5 =	simm.s32 $_tile_overlayer_lowered  }
0x9b: {  	s22 =	simm.s32 $0x1BFF;
	s21 =	sshll.u32 s5, $0x1;
	s2 =	sadd.s32 s19, s18  }
0x9c: {  	s6 =	simm.s32 $0x0;
	s20 =	sshll.u32 s4, $0x1;
	s4 =	sadd.s32 s21, s2  }
0x9d: {  	[timem:s6], [sflag:s22] =	dma.local [hbm:s4], s20  }
0x9e: {  	_ =	swait.ge [sflag:s22], s20  }
0x9f: {  	s3 =	ssub.s32 $0x0, s20;
	[sflag:s22] =	ssyncset.done $0x0  }
0xa0: {  	[sflag:s22] =	ssyncadd.s32 s3;
	_ =	sdelay $0x1  }
0xa1: {  	s23 =	simm.s32 $0x1B8B  }
0xa2: {  	_ =	swait.ge [sflag:s23], $0x1  }
0xa3: {  	[sflag:s23] =	ssyncset.done $0x0  }
0xa4: {  	s25 =	simm.s32 $0x1B8E;
	s24 =	sld [smem:$0x3FFE];
	[sflag:s23] =	ssyncadd.s32 $0xFFFFFFFF  }
0xa5: {  	s26 =	simm.s32 $execute0_lowered;
	[smem:$0x3FD2] =	sst s25  }
0xa6: {  	s4 =	sshll.u32 s26, $0x1;
	_ =	strace $0x80000046;
	[dreg:$0x1] =	wrdreg $0xFFFFFFFF  }
0xa7: {  	s28 =	simm.s32 $_size_execute0_lowered;
	s2 =	sadd.s32 s2, s4;
	[dreg:$0x0] =	wrdreg $0x0  }
0xa8: {  	s4 =	sshll.u32 s28, $0x1;
	[dreg:$0x2] =	wrdreg s2  }
0xa9: {  	[dreg:$0x3] =	wrdreg s4  }
0xaa: {  	[dreg:$0x4] =	wrdreg $0xC0  }
0xab: {  	_ =	task [dreg:s6], $0x5FFFF  }
0xac: {  	[dreg:$0x1] =	wrdreg $0xFFFFFFFF  }
0xad: {  	[dreg:$0x0] =	wrdreg $0x60  }
0xae: {  	[dreg:$0x2] =	wrdreg s24  }
0xaf: {  	[dreg:$0x3] =	wrdreg $0x13D000  }
0xb0: {  	[dreg:$0x4] =	wrdreg $0x9  }
0xb1: {  	_ =	task.clear_ibuf [dreg:s6], $0x5FFFF;
	_ =	strace $0x90000046  }
0xb2: {  	s29 =	simm.s32 $0x9;
	_ =	strace $0x80000048  }
0xb3: {  	_ =	swait.ge [sflag:s29], $0x1  }
0xb4: {  	[sflag:s29] =	ssyncadd.s32 $0xFFFFFFFF  }
0xb5: {  	_ =	strace $0x90000048  }
0xb6: {  	_ =	sfence  }
0xb7: {  	s30 =	sld [smem:$0x0];
	_ =	sdelay $0x2  }
0xb8: {  	s31 =	sshll.u32 s1, $0xD;
	s1 =	sshrl.u32 s1, $0x2  }
0xb9: {  	s3 =	sand.u32 $0x4000, s31;
	s1 =	sadd.s32 s1, s30  }
0xba: {  	s0 =	sor.u32 s3, s0;
	s1 =	sshll.u32 s1, $0x11  }
0xbb: {  	s0 =	sor.u32 s1, s0  }
0xbc: {  	s0 =	sadd.s32 $0x8F2B, s0  }
0xbd: {  	[sflag:s0] =	ssyncadd.remote.s32 $0x1  }
0xbe: {  	_ =	sfence.sel $0xFFFF  }
0xbf: {  	[dreg:$0x0] =	wrdreg $0xFFFFFFFF;
	(pc) =	sbr.abs _section_cstart, $3  }
0xc0: {  	[dreg:$0x1] =	wrdreg $0xFFFFFFFF  }
0xc1: {  	_ =	task.clear_ibuf [dreg:s6], $0x2FFFF;
	_ =	strace $0x9FFFFFFF  }
0xc2: {  	(tm) =	ssettm $0x7FFFFFFF  }
0xc3: {  	_ =	shalt  }
tec
execute0_lowered:
.L_overlay_start_1:
0x0: {  	(tag) =	ssettag $0x1  }
0x1: {  	s0 =	rddreg [dreg:$0x0]  }
0x2: {  	s1 =	rddreg [dreg:$0x1];
	s2 =	srdreg.scid  }
0x3: {  	s3 =	simm.s32 $0x0;
	s18 =	stileid.u32;
	s29 =	simm.s32 $0x1  }
0x4: {  	s30 =	simm.s32 $0x3;
	s31 =	simm.s32 $0x11D00;
	s6 =	smul.u32 $0x9D0, s18  }
0x5: {  	s2 =	sand.u32 $0x1, s2;
	[smem:$0x7FF] =	sst s3;
	s9 =	smul.u32 $0x9E00, s18  }
0x6: {  	s4 =	sadd.s32 $0xDC800, s0;
	s15 =	sadd.s32 $0x5D2200, s0;
	s21 =	smul.u32 $0x271000, s18  }
0x7: {  	s17 =	sadd.s32 $0x94200, s1;
	p0 =	seq.s32 s18, $0xF;
	s5 =	smul.u32 $0x9C400, s2  }
0x8: {  	_ =	strace $0x80000047;
	s7 =	ssub.s32 $0x2, s2;
	s17 =	sshrl.u32 @p0 s17, $0x3  }
0x9: {  	s6 =	sadd.s32 s6, s0;
	s10 =	sshrl.u32 s9, $0x3;
	s12 =	sshrl.u32 s7, $0x1  }
0xa: {  	s19 =	sadd.s32 s9, s1;
	s8 =	sshrl.u32 s5, $0x3;
	s10 =	sadd.s32 s10, s0  }
0xb: {  	s16 =	ssub.s32 s7, s12;
	s7 =	sshll.u32 s2, $0x6;
	s22 =	sadd.s32 $0x5600, s6  }
0xc: {  	s23 =	sadd.s32 $0xF400, s6;
	s5 =	sadd.s32 s9, s5;
	s19 =	sshrl.u32 @!p0 s19, $0x3  }
0xd: {  	s11 =	sadd.s32 s8, s0;
	s20 =	sadd.s32 $0x5BE800, s10;
	[dreg:$0x5] =	wrdreg s22  }
0xe: {  	s0 =	sadd.s32 $0x5D1040, s0;
	[dreg:$0x6] =	wrdreg s23;
	s24 =	sor.u32 s7, s21  }
0xf: {  	s10 =	smul.u32 $0x4E20, s18;
	s26 =	sshrl.u32 s5, $0x3;
	s28 =	sadd.s32 s15, s8  }
0x10: {  	s16 =	smax.u32 s16, $0x1;
	s22 =	simm.s32 $0x80;
	[dreg:$0x3] =	wrdreg s20  }
0x11: {  	s23 =	simm.s32 $0x9D00;
	[dreg:$0x4] =	wrdreg s0;
	s11 =	sadd.s32 $0x19200, s11  }
0x12: {  	s25 =	sadd.s32 $0x4000, s24;
	s0 =	sshrl.u32 s24, $0x3;
	s14 =	sadd.s32 s15, s26  }
0x13: {  	s15 =	sadd.s32 $0x12840, s28;
	s20 =	simm.s32 $0x5;
	s24 =	simm.s32 $0x40  }
0x14: {  	s26 =	simm.s32 $0x0;
	s2 =	sshrl.u32 s25, $0x3;
	s12 =	sadd.s32 s4, s0  }
0x15: {  	s0 =	sshll.u32 @!p0 s18, $0x6;
	s25 =	simm.s32 $0xDD00;
	s13 =	sadd.s32 s4, s2  }
0x16: {  	s18 =	sor.u32 @!p0 $0x1C05, s0;
	s0 =	simm.s32 $0x2;
	s2 =	simm.s32 $0x4  }
.LBB2_1:
0x17: {  	s5 =	simm.s32 @p0 $0x1FC5;
	s6 =	rddreg [dreg:$0x4]  }
0x18: {  	[spmem:s17], [sflag:s5] =	dma.local @p0 [hbm:s6], $0x1040  }
0x19: {  	s5 =	simm.s32 @p0 $0x5  }
0x1a: {  	_ =	swait.ge @p0 [sflag:s5], $0x1040  }
0x1b: {  	[sflag:s5] =	ssyncset.done @p0 $0x0  }
0x1c: {  	[sflag:s5] =	ssyncadd.s32 @p0 $0xFFFFEFC0;
	s5 =	rddreg [dreg:$0x3]  }
0x1d: {  	[spmem:s19], [sflag:s18] =	dma.local @!p0 [hbm:s5], $0x13C0  }
0x1e: {  	s5 =	simm.s32 @!p0 $0x5  }
0x1f: {  	_ =	swait.ge @!p0 [sflag:s5], $0x13C0  }
0x20: {  	[sflag:s5] =	ssyncset.done @!p0 $0x0  }
0x21: {  	s21 =	rddreg [dreg:$0x5];
	[sflag:s5] =	ssyncadd.s32 @!p0 $0xFFFFEC40  }
0x22: {  	[tilespmem:s3], [sflag:$0x5] =	stream.linear.gather [hbm4b:s21+s3], $0x4E80, $0x38;
	[tilespmem:$0x1D960] =	vst v63  }
0x23: {  	_ =	swait.ge [sflag:s20], $0x4E80  }
0x24: {  	[sflag:s20] =	ssyncset.done $0x0  }
0x25: {  	s8 =	simm.s32 $0x4E80;
	s6 =	rddreg [dreg:$0x6];
	[sflag:s20] =	ssyncadd.s32 $0xFFFFB180  }
0x26: {  	[tilespmem:s8], [sflag:$0x5] =	stream.linear.gather [hbm4b:s6+s3], $0x4E80, $0x38;
	[tilespmem:$0x1D960] =	vst v63  }
0x27: {  	_ =	swait.ge [sflag:s20], $0x4E80  }
0x28: {  	[sflag:s20] =	ssyncset.done $0x0  }
0x29: {  	[sflag:s20] =	ssyncadd.s32 $0xFFFFB180  }
0x2a: {  	[bflag:$0x0] =	sbarrier.arrive $0xFFFF  }
0x2b: {  	[tilespmem:s23], [sflag:$0x1] =	stream.indirect.gather [hbm4b:s11+s22], $0x40, s3, s22, $0xb8;
	[tilespmem:$0x1D960] =	vst v63  }
0x2c: {  	_ = 	snop  }
0x2d: {  	[tilespmem:s25], [sflag:$0x3] =	stream.strided.gather [hbm4b:s12+s24], $0x2000, s22, s24, $0x38;
	[tilespmem:$0x1D960] =	vst v63  }
0x2e: {  	s9 =	simm.s32 $0xBD00  }
0x2f: {  	[tilespmem:s9], [sflag:$0x2] =	stream.indirect.gather [hbm4b:s11+s22], $0x40, s22, s22, $0xb8;
	[tilespmem:$0x1D960] =	vst v63  }
0x30: {  	s28 =	simm.s32 $0x0;
	s21 =	simm.s32 $0xFD00  }
0x31: {  	[tilespmem:s21], [sflag:$0x4] =	stream.strided.gather [hbm4b:s13+s24], $0x2000, s22, s24, $0x38;
	[tilespmem:$0x1D960] =	vst v63  }
.LBB2_2:
0x32: {  	_ =	swait.ge [sflag:s29], $0x2000  }
0x33: {  	[sflag:s29] =	ssyncset.done $0x0  }
0x34: {  	[sflag:s29] =	ssyncadd.s32 $0xFFFFE000  }
0x35: {  	_ =	swait.ge [sflag:s30], $0x2000  }
0x36: {  	[sflag:s30] =	ssyncset.done $0x0  }
0x37: {  	s5 =	simm.s32 $0x0;
	[sflag:s30] =	ssyncadd.s32 $0xFFFFE000  }
0x38: {  	v2 =	vld [tilespmem:s5+$0x9D30]  }
0x39: {  	v3 =	vld [tilespmem:s5+$0xDD30]  }
0x3a: {  	v5 =	vld [tilespmem:s5+$0x9D00]  }
0x3b: {  	v6 =	vld [tilespmem:s5+$0xDD00]  }
0x3c: {  	v1 =	vld [tilespmem:s5+$0x9D10]  }
0x3d: {  	v4 =	vld [tilespmem:s5+$0xDD10]  }
0x3e: {  	v0 =	vld [tilespmem:s5+$0x9D20];
	v7 =	vadd.f32 v3, v2  }
0x3f: {  	s21 =	simm.s32 $0x40;
	v3 =	vld [tilespmem:s5+$0xDD20]  }
0x40: {  	s6 =	simm.s32 $0x200;
	v2 =	vld [tilespmem:s21+$0x9D30];
	v5 =	vadd.f32 v6, v5;
	v6 =	vmax.f32 v7, $0.0e+00  }
.LBB2_3:
0x41: {  	p1 =	sne.s32 s6, $0x7F00;
	v7 =	vld [tilespmem:s21+$0xDD30];
	[tilespmem:s5+$0x11D30] =	vst v6  }
0x42: {  	v6 =	vld [tilespmem:s21+$0x9D00];
	v5 =	vmax.f32 v5, $0.0e+00;
	v4 =	vadd.f32 v4, v1  }
0x43: {  	v8 =	vld [tilespmem:s21+$0xDD00];
	[tilespmem:s5+$0x11D00] =	vst v5  }
.Ltmp0:
0x44: {  	v1 =	vld [tilespmem:s21+$0x9D10];
	v5 =	vmax.f32 v4, $0.0e+00;
	v3 =	vadd.f32 v3, v0;
	(pc) =	sbr.rel @p1 .LBB2_3-.Ltmp0, $4  }
0x45: {  	v4 =	vld [tilespmem:s21+$0xDD10];
	[tilespmem:s5+$0x11D10] =	vst v5  }
0x46: {  	v0 =	vld [tilespmem:s21+$0x9D20];
	v7 =	vadd.f32 v7, v2;
	v2 =	vmax.f32 v3, $0.0e+00  }
0x47: {  	v3 =	vld [tilespmem:s21+$0xDD20];
	[tilespmem:s5+$0x11D20] =	vst v2;
	s5 =	smov.u32 s21;
	s21 =	sshra.s32 s6, $0x2  }
0x48: {  	s6 =	sadd.s32 $0x100, s6;
	v2 =	vld [tilespmem:s21+$0x9D30];
	v5 =	vadd.f32 v8, v6;
	v6 =	vmax.f32 v7, $0.0e+00  }
0x49: {  	v7 =	vld [tilespmem:s21+$0xDD30];
	[tilespmem:s5+$0x11D30] =	vst v6  }
0x4a: {  	v6 =	vld [tilespmem:s21+$0x9D00];
	v5 =	vmax.f32 v5, $0.0e+00;
	v1 =	vadd.f32 v4, v1  }
0x4b: {  	v8 =	vld [tilespmem:s21+$0xDD00];
	[tilespmem:s5+$0x11D00] =	vst v5  }
0x4c: {  	v4 =	vld [tilespmem:s21+$0x9D10];
	v1 =	vmax.f32 v1, $0.0e+00  }
0x4d: {  	v5 =	vld [tilespmem:s21+$0xDD10];
	[tilespmem:s5+$0x11D10] =	vst v1  }
0x4e: {  	v1 =	vld [tilespmem:s21+$0x9D20]  }
0x4f: {  	v9 =	vld [tilespmem:s21+$0xDD20]  }
0x50: {  	v0 =	vadd.f32 v3, v0  }
0x51: {  	v2 =	vadd.f32 v7, v2  }
0x52: {  	v0 =	vmax.f32 v0, $0.0e+00;
	v3 =	vadd.f32 v8, v6  }
0x53: {  	[tilespmem:s5+$0x11D20] =	vst v0;
	v0 =	vmax.f32 v2, $0.0e+00;
	v2 =	vadd.f32 v5, v4  }
0x54: {  	[tilespmem:s21+$0x11D30] =	vst v0;
	v0 =	vmax.f32 v3, $0.0e+00;
	v1 =	vadd.f32 v9, v1  }
0x55: {  	s5 =	sshll.u32 s28, $0x8;
	[tilespmem:s21+$0x11D00] =	vst v0;
	v0 =	vmax.f32 v2, $0.0e+00  }
0x56: {  	s6 =	sadd.s32 $0x100, s5;
	[tilespmem:s21+$0x11D10] =	vst v0;
	v0 =	vmax.f32 v1, $0.0e+00  }
0x57: {  	p1 =	slt.s32 s6, $0x4DA0;
	[tilespmem:s21+$0x11D20] =	vst v0  }
0x58: {  	[tilespmem:s23], [sflag:$0x1] =	stream.indirect.gather [hbm4b:s11+s22], $0x40, s6, s22, $0xb8;
	[tilespmem:$0x1D960] =	vst v63  }
0x59: {  	s6 =	simm.s32 @!p1 $0x4DA0  }
0x5a: {  	s6 =	sadd.s32 s10, s6  }
0x5b: {  	s6 =	sshll.u32 s6, $0x7  }
0x5c: {  	s6 =	sor.u32 s7, s6  }
0x5d: {  	s6 =	sshrl.u32 s6, $0x3  }
0x5e: {  	s21 =	sand.u32 $0x3FFFFF00, s5;
	s6 =	sadd.s32 s4, s6  }
0x5f: {  	[tilespmem:s25], [sflag:$0x3] =	stream.strided.gather [hbm4b:s6+s24], $0x2000, s22, s24, $0x38;
	[tilespmem:$0x1D960] =	vst v63  }
0x60: {  	s9 =	sadd.s32 $0x4E80, s21  }
0x61: {  	[spmem:s1] =	stream.indirect.scatter.add.f32 [tilespmem:s31], [sflag:$0x5], $0x40, s9, s22, $0xb8;
	[tilespmem:$0x1D960] =	vst v63  }
0x62: {  	_ =	swait.ge [sflag:s20], $0x2000  }
0x63: {  	[sflag:s20] =	ssyncset.done $0x0  }
0x64: {  	[sflag:s20] =	ssyncadd.s32 $0xFFFFE000  }
0x65: {  	_ =	swait.ge [sflag:s0], $0x2000  }
0x66: {  	[sflag:s0] =	ssyncset.done $0x0  }
0x67: {  	[sflag:s0] =	ssyncadd.s32 $0xFFFFE000  }
0x68: {  	_ =	swait.ge [sflag:s2], $0x2000  }
0x69: {  	[sflag:s2] =	ssyncset.done $0x0  }
0x6a: {  	s8 =	simm.s32 $0x0;
	[sflag:s2] =	ssyncadd.s32 $0xFFFFE000  }
0x6b: {  	v2 =	vld [tilespmem:s8+$0xBD30]  }
0x6c: {  	v3 =	vld [tilespmem:s8+$0xFD30]  }
0x6d: {  	v5 =	vld [tilespmem:s8+$0xBD00]  }
0x6e: {  	v6 =	vld [tilespmem:s8+$0xFD00]  }
0x6f: {  	v1 =	vld [tilespmem:s8+$0xBD10]  }
0x70: {  	v4 =	vld [tilespmem:s8+$0xFD10]  }
0x71: {  	v0 =	vld [tilespmem:s8+$0xBD20];
	v7 =	vadd.f32 v3, v2  }
0x72: {  	s6 =	simm.s32 $0x40;
	v3 =	vld [tilespmem:s8+$0xFD20]  }
0x73: {  	s9 =	simm.s32 $0x200;
	v2 =	vld [tilespmem:s6+$0xBD30];
	v5 =	vadd.f32 v6, v5;
	v6 =	vmax.f32 v7, $0.0e+00  }
.LBB2_5:
0x74: {  	p1 =	sne.s32 s9, $0x7F00;
	v7 =	vld [tilespmem:s6+$0xFD30];
	[tilespmem:s8+$0x11D30] =	vst v6  }
0x75: {  	v6 =	vld [tilespmem:s6+$0xBD00];
	v5 =	vmax.f32 v5, $0.0e+00;
	v4 =	vadd.f32 v4, v1  }
0x76: {  	v8 =	vld [tilespmem:s6+$0xFD00];
	[tilespmem:s8+$0x11D00] =	vst v5  }
.Ltmp1:
0x77: {  	v1 =	vld [tilespmem:s6+$0xBD10];
	v5 =	vmax.f32 v4, $0.0e+00;
	v3 =	vadd.f32 v3, v0;
	(pc) =	sbr.rel @p1 .LBB2_5-.Ltmp1, $4  }
0x78: {  	v4 =	vld [tilespmem:s6+$0xFD10];
	[tilespmem:s8+$0x11D10] =	vst v5  }
0x79: {  	v0 =	vld [tilespmem:s6+$0xBD20];
	v7 =	vadd.f32 v7, v2;
	v2 =	vmax.f32 v3, $0.0e+00  }
0x7a: {  	v3 =	vld [tilespmem:s6+$0xFD20];
	[tilespmem:s8+$0x11D20] =	vst v2;
	s8 =	smov.u32 s6;
	s6 =	sshra.s32 s9, $0x2  }
0x7b: {  	s9 =	sadd.s32 $0x100, s9;
	v2 =	vld [tilespmem:s6+$0xBD30];
	v5 =	vadd.f32 v8, v6;
	v6 =	vmax.f32 v7, $0.0e+00  }
0x7c: {  	v7 =	vld [tilespmem:s6+$0xFD30];
	[tilespmem:s8+$0x11D30] =	vst v6  }
0x7d: {  	v6 =	vld [tilespmem:s6+$0xBD00];
	v5 =	vmax.f32 v5, $0.0e+00;
	v1 =	vadd.f32 v4, v1  }
0x7e: {  	v8 =	vld [tilespmem:s6+$0xFD00];
	[tilespmem:s8+$0x11D00] =	vst v5  }
0x7f: {  	v57 =	vld [tilespmem:s6+$0xBD10];
	v1 =	vmax.f32 v1, $0.0e+00  }
0x80: {  	v5 =	vld [tilespmem:s6+$0xFD10];
	[tilespmem:s8+$0x11D10] =	vst v1  }
0x81: {  	v1 =	vld [tilespmem:s6+$0xBD20]  }
0x82: {  	v9 =	vld [tilespmem:s6+$0xFD20]  }
0x83: {  	v0 =	vadd.f32 v3, v0  }
0x84: {  	v2 =	vadd.f32 v7, v2  }
0x85: {  	v0 =	vmax.f32 v0, $0.0e+00;
	v58 =	vadd.f32 v8, v6  }
0x86: {  	[tilespmem:s8+$0x11D20] =	vst v0;
	v59 =	vmax.f32 v2, $0.0e+00;
	v60 =	vadd.f32 v5, v57  }
0x87: {  	p1 =	seq.s32 s28, $0x4D;
	[tilespmem:s6+$0x11D30] =	vst v59;
	v61 =	vmax.f32 v58, $0.0e+00;
	v1 =	vadd.f32 v9, v1  }
0x88: {  	s5 =	sadd.s32 @!p1 $0x180, s5;
	[tilespmem:s6+$0x11D00] =	vst v61;
	v62 =	vmax.f32 v60, $0.0e+00  }
0x89: {  	p2 =	slt.s32 @!p1 s5, $0x4DA0;
	[tilespmem:s6+$0x11D10] =	vst v62;
	v63 =	vmax.f32 v1, $0.0e+00  }
0x8a: {  	p2 =	por !p2, p1;
	s8 =	simm.s32 @!p1 $0xBD00;
	[tilespmem:s6+$0x11D20] =	vst v63;
	s6 =	simm.s32 @!p1 $0x80  }
0x8b: {  	[tilespmem:s8], [sflag:$0x2] =	stream.indirect.gather @!p1 [hbm4b:s11+s6], $0x40, s5, s6, $0xb8;
	[tilespmem:$0x1D960] =	vst v63  }
0x8c: {  	s5 =	simm.s32 @p2 $0x4DA0  }
0x8d: {  	s5 =	sadd.s32 @!p1 s10, s5  }
0x8e: {  	s5 =	sshll.u32 @!p1 s5, $0x7  }
0x8f: {  	s5 =	sor.u32 @!p1 s7, s5  }
0x90: {  	s28 =	sadd.s32 $0x1, s28;
	s5 =	sshrl.u32 @!p1 s5, $0x3  }
0x91: {  	s9 =	simm.s32 @!p1 $0xFD00;
	s8 =	simm.s32 @!p1 $0x40;
	s5 =	sadd.s32 @!p1 s4, s5  }
0x92: {  	[tilespmem:s9], [sflag:$0x4] =	stream.strided.gather @!p1 [hbm4b:s5+s8], $0x2000, s6, s8, $0x38;
	[tilespmem:$0x1D960] =	vst v63  }
0x93: {  	p1 =	sne.s32 s28, $0x4E  }
.Ltmp2:
0x94: {  	s21 =	sadd.s32 $0x4F00, s21;
	(pc) =	sbr.rel @p1 .LBB2_2-.Ltmp2, $4  }
0x95: {  	[spmem:s1] =	stream.indirect.scatter.add.f32 [tilespmem:s31], [sflag:$0x5], $0x40, s21, s22, $0xb8;
	[tilespmem:$0x1D960] =	vst v63  }
0x96: {  	_ =	swait.ge [sflag:s20], $0x2000  }
0x97: {  	[sflag:s20] =	ssyncset.done $0x0  }
0x98: {  	[sflag:s20] =	ssyncadd.s32 $0xFFFFE000  }
0x99: {  	_ =	swait.ge [sflag:s29], $0x2000  }
0x9a: {  	[sflag:s29] =	ssyncset.done $0x0  }
0x9b: {  	[sflag:s29] =	ssyncadd.s32 $0xFFFFE000  }
0x9c: {  	_ =	swait.ge [sflag:s30], $0x2000  }
0x9d: {  	[sflag:s30] =	ssyncset.done $0x0  }
0x9e: {  	s6 =	simm.s32 $0x0;
	[sflag:s30] =	ssyncadd.s32 $0xFFFFE000  }
0x9f: {  	v2 =	vld [tilespmem:s6+$0x9D30]  }
0xa0: {  	v3 =	vld [tilespmem:s6+$0xDD30]  }
0xa1: {  	v5 =	vld [tilespmem:s6+$0x9D00]  }
0xa2: {  	v6 =	vld [tilespmem:s6+$0xDD00]  }
0xa3: {  	v1 =	vld [tilespmem:s6+$0x9D10]  }
0xa4: {  	v4 =	vld [tilespmem:s6+$0xDD10]  }
0xa5: {  	v0 =	vld [tilespmem:s6+$0x9D20];
	v7 =	vadd.f32 v3, v2  }
0xa6: {  	s5 =	simm.s32 $0x40;
	v3 =	vld [tilespmem:s6+$0xDD20]  }
0xa7: {  	s8 =	simm.s32 $0x200;
	v2 =	vld [tilespmem:s5+$0x9D30];
	v5 =	vadd.f32 v6, v5;
	v6 =	vmax.f32 v7, $0.0e+00  }
.LBB2_8:
0xa8: {  	p1 =	sne.s32 s8, $0x7F00;
	v7 =	vld [tilespmem:s5+$0xDD30];
	[tilespmem:s6+$0x11D30] =	vst v6  }
0xa9: {  	v6 =	vld [tilespmem:s5+$0x9D00];
	v5 =	vmax.f32 v5, $0.0e+00;
	v4 =	vadd.f32 v4, v1  }
0xaa: {  	v8 =	vld [tilespmem:s5+$0xDD00];
	[tilespmem:s6+$0x11D00] =	vst v5  }
.Ltmp3:
0xab: {  	v1 =	vld [tilespmem:s5+$0x9D10];
	v5 =	vmax.f32 v4, $0.0e+00;
	v3 =	vadd.f32 v3, v0;
	(pc) =	sbr.rel @p1 .LBB2_8-.Ltmp3, $4  }
0xac: {  	v4 =	vld [tilespmem:s5+$0xDD10];
	[tilespmem:s6+$0x11D10] =	vst v5  }
0xad: {  	v0 =	vld [tilespmem:s5+$0x9D20];
	v7 =	vadd.f32 v7, v2;
	v2 =	vmax.f32 v3, $0.0e+00  }
0xae: {  	v3 =	vld [tilespmem:s5+$0xDD20];
	[tilespmem:s6+$0x11D20] =	vst v2;
	s6 =	smov.u32 s5;
	s5 =	sshra.s32 s8, $0x2  }
0xaf: {  	s8 =	sadd.s32 $0x100, s8;
	v2 =	vld [tilespmem:s5+$0x9D30];
	v5 =	vadd.f32 v8, v6;
	v6 =	vmax.f32 v7, $0.0e+00  }
0xb0: {  	v7 =	vld [tilespmem:s5+$0xDD30];
	[tilespmem:s6+$0x11D30] =	vst v6  }
0xb1: {  	v6 =	vld [tilespmem:s5+$0x9D00];
	v5 =	vmax.f32 v5, $0.0e+00;
	v1 =	vadd.f32 v4, v1  }
0xb2: {  	v8 =	vld [tilespmem:s5+$0xDD00];
	[tilespmem:s6+$0x11D00] =	vst v5  }
0xb3: {  	v57 =	vld [tilespmem:s5+$0x9D10];
	v1 =	vmax.f32 v1, $0.0e+00  }
0xb4: {  	v5 =	vld [tilespmem:s5+$0xDD10];
	[tilespmem:s6+$0x11D10] =	vst v1  }
0xb5: {  	v1 =	vld [tilespmem:s5+$0x9D20]  }
0xb6: {  	v9 =	vld [tilespmem:s5+$0xDD20]  }
0xb7: {  	v0 =	vadd.f32 v3, v0  }
0xb8: {  	v2 =	vadd.f32 v7, v2  }
0xb9: {  	v0 =	vmax.f32 v0, $0.0e+00;
	v58 =	vadd.f32 v8, v6  }
0xba: {  	[tilespmem:s6+$0x11D20] =	vst v0;
	v59 =	vmax.f32 v2, $0.0e+00;
	v60 =	vadd.f32 v5, v57  }
0xbb: {  	[tilespmem:s5+$0x11D30] =	vst v59;
	v61 =	vmax.f32 v58, $0.0e+00;
	v1 =	vadd.f32 v9, v1  }
0xbc: {  	[tilespmem:s5+$0x11D00] =	vst v61;
	v62 =	vmax.f32 v60, $0.0e+00  }
0xbd: {  	[tilespmem:s5+$0x11D10] =	vst v62;
	v63 =	vmax.f32 v1, $0.0e+00  }
0xbe: {  	s28 =	simm.s32 $0x9C80;
	[tilespmem:s5+$0x11D20] =	vst v63  }
0xbf: {  	[spmem:s1] =	stream.indirect.scatter.add.f32 [tilespmem:s31], [sflag:$0x5], $0x40, s28, s22, $0xb8;
	[tilespmem:$0x1D960] =	vst v63  }
0xc0: {  	_ =	swait.ge [sflag:s20], $0x2000  }
0xc1: {  	[sflag:s20] =	ssyncset.done $0x0  }
0xc2: {  	[sflag:s20] =	ssyncadd.s32 $0xFFFFE000  }
0xc3: {  	s5 =	simm.s32 @p0 $0x1FC5;
	[bflag:$0x0] =	sbarrier.arrive $0xFFFF  }
0xc4: {  	[hbm:s15], [sflag:s5] =	dma.local @p0 [spmem:s17], $0x1040  }
0xc5: {  	s5 =	simm.s32 @p0 $0x5  }
0xc6: {  	s26 =	sadd.s32 $0x1, s26;
	_ =	swait.ge @p0 [sflag:s5], $0x1040  }
0xc7: {  	p1 =	sne.s32 s26, s16;
	[sflag:s5] =	ssyncset.done @p0 $0x0  }
.Ltmp4:
0xc8: {  	[sflag:s5] =	ssyncadd.s32 @p0 $0xFFFFEFC0;
	s5 =	simm.s32 @!p0 $0x5;
	(pc) =	sbr.rel @p1 .LBB2_1-.Ltmp4, $4  }
0xc9: {  	[hbm:s14], [sflag:s18] =	dma.local @!p0 [spmem:s19], $0x13C0  }
0xca: {  	_ =	swait.ge @!p0 [sflag:s5], $0x13C0  }
0xcb: {  	[sflag:s5] =	ssyncset.done @!p0 $0x0  }
0xcc: {  	[sflag:s5] =	ssyncadd.s32 @!p0 $0xFFFFEC40  }
0xcd: {  	_ =	sfence.sel $0x180000  }
0xce: {  	[bflag:$0x0] =	sbarrier.arrive $0xFFFF  }
0xcf: {  	_ =	strace $0x90000047  }
0xd0: {  	s0 =	stileid.u32;
	[bflag:$0x2] =	sbarrier.arrive $0xFFFF  }
0xd1: {  	p0 =	sne.s32 s0, $0x0;
	s0 =	rddreg [dreg:$0x2]  }
0xd2: {  	s0 =	sadd.s32 @!p0 $0x100000, s0  }
0xd3: {  	[sflag:s0] =	ssyncadd.tile.s32 @!p0 $0x1;
	_ =	shalt  }
.Lfunc_end2:
_tile_overlayer_lowered:
.L_overlay_start_2:
0xd4: {  	(tag) =	ssettag $0x2  }
0xd5: {  	s0 =	rddreg [dreg:$0x0];
	s2 =	stileid.u32  }
0xd6: {  	s1 =	rddreg [dreg:$0x1];
	p0 =	sne.s32 s2, $0x0  }
0xd7: {  	s3 =	rddreg [dreg:$0x2];
	[bflag:$0x3] =	sbarrier.arrive $0xFFFF;
	s2 =	simm.s32 @!p0 $0x1C05  }
0xd8: {  	[timem:s3], [sflag:s2] =	dma.local @!p0 [hbm:s0], s1  }
0xd9: {  	s0 =	simm.s32 @!p0 $0x5  }
0xda: {  	_ =	swait.ge @!p0 [sflag:s0], s1  }
0xdb: {  	s1 =	ssub.s32 @!p0 $0x0, s1;
	[sflag:s0] =	ssyncset.done @!p0 $0x0  }
0xdc: {  	[sflag:s0] =	ssyncadd.s32 @!p0 s1  }
0xdd: {  	[bflag:$0x3] =	sbarrier.arrive $0xFFFF  }
0xde: {  	_ =	shalt  }

</sc_bundles>
